<compile_context>
chip_gen: v7x
topology: tpu7x:2x2x1
jax: 0.10.2.dev20260603
libtpu: 0.0.44.dev20260713+nightly
codegen_flags: <defaults>
</compile_context>

<pallas_src>
import functools
import math

import jax
import jax.numpy as jnp
from jax import lax
from jax.experimental import pallas as pl
from jax.experimental.pallas import tpu as pltpu
from jax.experimental.pallas import tpu_sc as plsc

H = 16
W = 128
F32 = jnp.float32
BF16 = jnp.bfloat16


def _proj_body(k_ref, v_ref, wk_ref, bk_ref, wv_ref, bv_ref, kp_ref, vp_ref):
    kp_ref[...] = jax.lax.dot_general(
        k_ref[...], wk_ref[...], (((1,), (1,)), ((), ())),
        preferred_element_type=F32) + bk_ref[...]
    vp_ref[...] = (jax.lax.dot_general(
        v_ref[...], wv_ref[...], (((1,), (1,)), ((), ())),
        preferred_element_type=F32) + bv_ref[...]).astype(BF16)


def _window(b, lo_ref, hi_ref, i, sp):
    lo8 = pl.multiple_of(
        jnp.minimum((lo_ref[i] // 8) * 8, sp - W), 8)
    fits = hi_ref[i] - lo8 < W
    seg_w = lo8 + jax.lax.broadcasted_iota(jnp.int32, (b.shape[0], W), 1)
    oh_w = (b[:, None] == seg_w).astype(BF16)
    return lo8, fits, oh_w


def _sc_gather(table, idx, nw, ch):
    b_total = idx.shape[0]
    dmr = table.shape[1]
    b_per_w = b_total // nw
    steps = b_per_w // ch
    mesh = plsc.VectorSubcoreMesh(core_axis_name="c", subcore_axis_name="s")

    @functools.partial(
        pl.kernel, mesh=mesh,
        out_type=jax.ShapeDtypeStruct((b_total, dmr), table.dtype),
        scratch_types=[
            pltpu.VMEM((ch,), jnp.int32),
            pltpu.VMEM((ch, dmr), table.dtype),
            pltpu.SemaphoreType.DMA,
        ],
    )
    def gk(table_hbm, idx_hbm, out_hbm, idx_v, rows_v, sem):
        wid = lax.axis_index("s") * 2 + lax.axis_index("c")
        base = wid * b_per_w
        for it in range(steps):
            off = base + it * ch
            pltpu.sync_copy(idx_hbm.at[pl.ds(off, ch)], idx_v)
            pltpu.async_copy(table_hbm.at[idx_v], rows_v, sem).wait()
            pltpu.sync_copy(rows_v, out_hbm.at[pl.ds(off, ch)])

    return gk(table, idx)


def _pass1_body(scale, R, n, lo_ref, hi_ref, q_ref, b_ref, kx_ref, wq_ref,
                bq_ref, ex_ref, den_ref):
    i = pl.program_id(0)
    qp = jax.lax.dot_general(
        q_ref[...].astype(BF16), wq_ref[...], (((1,), (1,)), ((), ())),
        preferred_element_type=F32) + bq_ref[...]
    b = b_ref[0, 0, :]
    sp = den_ref.shape[0]
    row = i * R + jax.lax.broadcasted_iota(jnp.int32, (R, 1), 0)
    lo8, fits, oh_w = _window(b, lo_ref, hi_ref, i, sp)
    kx = kx_ref[...].astype(F32)
    ex = jnp.where(row < n, jnp.exp(qp * kx * scale), 0.0).astype(BF16)
    ex_ref[...] = ex

    @pl.when(i == 0)
    def _init():
        den_ref[...] = jnp.zeros_like(den_ref)

    @pl.when(fits)
    def _fast():
        den_ref[pl.ds(lo8, W), :] += jax.lax.dot_general(
            oh_w, ex, (((0,), (0,)), ((), ())), preferred_element_type=F32)

    @pl.when(jnp.logical_not(fits))
    def _slow():
        seg = jax.lax.broadcasted_iota(jnp.int32, (b.shape[0], sp), 1)
        oh = (b[:, None] == seg).astype(BF16)
        den_ref[...] += jax.lax.dot_general(
            oh, ex, (((0,), (0,)), ((), ())), preferred_element_type=F32)


def _pass2_body(lo_ref, hi_ref, ex_ref, b_ref, vp_ref, den_ref, wo_ref,
                bo_ref, out_ref):
    i = pl.program_id(0)
    b = b_ref[0, 0, :]
    sp = vp_ref.shape[0]
    lo8, fits, oh_w = _window(b, lo_ref, hi_ref, i, sp)

    def emit(wx):
        y = (ex_ref[...].astype(F32) * wx).astype(BF16)
        out_ref[...] = jax.lax.dot_general(
            y, wo_ref[...], (((1,), (1,)), ((), ())),
            preferred_element_type=F32) + bo_ref[...]

    @pl.when(fits)
    def _fast():
        den = den_ref[pl.ds(lo8, W), :]
        w = jnp.where(den > 0.0,
                      vp_ref[pl.ds(lo8, W), :].astype(F32) / den,
                      0.0).astype(BF16)
        emit(jnp.dot(oh_w, w, preferred_element_type=F32))

    @pl.when(jnp.logical_not(fits))
    def _slow():
        den = den_ref[...]
        w = jnp.where(den > 0.0, vp_ref[...].astype(F32) / den,
                      0.0).astype(BF16)
        seg = jax.lax.broadcasted_iota(jnp.int32, (b.shape[0], sp), 1)
        oh = (b[:, None] == seg).astype(BF16)
        emit(jnp.dot(oh, w, preferred_element_type=F32))


def kernel(q, k, v, batch, Wq, bq, Wk, bk, Wv, bv, Wo, bo):
    n, dm = q.shape
    s = k.shape[0]
    d = dm // H
    scale = 1.0 / math.sqrt(float(d))

    R = 512
    nb = -(-n // R)
    npad = nb * R
    sp = -(-s // 128) * 128

    bi = batch.astype(jnp.int32)
    bz = jnp.pad(bi, (0, npad - n), mode="edge")
    b3 = bz.reshape(nb, 1, R)
    b2 = bz.reshape(nb, R)
    lo = b2[:, 0]
    hi = b2[:, R - 1]
    kz = jnp.pad(k, ((0, sp - s), (0, 0)))
    vz = jnp.pad(v, ((0, sp - s), (0, 0)))
    bq2, bk2, bv2, bo2 = (x.reshape(1, dm) for x in (bq, bk, bv, bo))

    full = lambda *shape: pl.BlockSpec(shape, lambda i: (0,) * len(shape))
    smem = pl.BlockSpec(memory_space=pltpu.SMEM)

    kp, vp = pl.pallas_call(
        _proj_body,
        grid=(1,),
        in_specs=[full(sp, dm), full(sp, dm), full(dm, dm), full(1, dm),
                  full(dm, dm), full(1, dm)],
        out_specs=[full(sp, dm), full(sp, dm)],
        out_shape=[jax.ShapeDtypeStruct((sp, dm), F32),
                   jax.ShapeDtypeStruct((sp, dm), BF16)],
    )(kz, vz, Wk, bk2, Wv, bv2)

    kpx = _sc_gather(kp, bz, 32, 112)

    ex, den = pl.pallas_call(
        functools.partial(_pass1_body, scale, R, n),
        grid=(nb,),
        in_specs=[
            smem, smem,
            pl.BlockSpec((R, dm), lambda i: (i, 0)),
            pl.BlockSpec((1, 1, R), lambda i: (i, 0, 0)),
            pl.BlockSpec((R, dm), lambda i: (i, 0)),
            full(dm, dm), full(1, dm),
        ],
        out_specs=[pl.BlockSpec((R, dm), lambda i: (i, 0)), full(sp, dm)],
        out_shape=[jax.ShapeDtypeStruct((n, dm), BF16),
                   jax.ShapeDtypeStruct((sp, dm), F32)],
        compiler_params=pltpu.CompilerParams(
            dimension_semantics=("arbitrary",)),
    )(lo, hi, q, b3, kpx, Wq.astype(BF16), bq2)

    out = pl.pallas_call(
        functools.partial(_pass2_body),
        grid=(nb,),
        in_specs=[
            smem, smem,
            pl.BlockSpec((R, dm), lambda i: (i, 0)),
            pl.BlockSpec((1, 1, R), lambda i: (i, 0, 0)),
            full(sp, dm), full(sp, dm), full(dm, dm), full(1, dm),
        ],
        out_specs=pl.BlockSpec((R, dm), lambda i: (i, 0)),
        out_shape=jax.ShapeDtypeStruct((n, dm), F32),
        compiler_params=pltpu.CompilerParams(
            dimension_semantics=("arbitrary",)),
    )(lo, hi, ex, b3, vp, den, Wo.astype(BF16), bo2)

    return out

# --- scband reference (transcript-rebuilt; emitter-appended) ---
"""Pipeline reference for scband-attention-45406394253435 (READ-ONLY COPY).

The authoritative reference and input builder live on the scoring server;
editing this copy changes nothing except your own understanding.
"""

import jax, jax.numpy as jnp
import numpy as np

N = 50000
D = 512
H = 16
S = 1000

def setup_inputs(seed: int = 0):
    key = jax.random.key(seed)
    ks = jax.random.split(key, 12)
    q = jax.random.normal(ks[0], (N, D), dtype=jnp.float32)
    k = jax.random.normal(ks[1], (S, D), dtype=jnp.float32)
    v = jax.random.normal(ks[2], (S, D), dtype=jnp.float32)
    batch = jnp.sort(jax.random.randint(ks[3], (N,), 0, S))
    scale = 1.0 / np.sqrt(D)
    Wq = jax.random.normal(ks[4], (D, D), dtype=jnp.float32) * scale
    bq = jax.random.normal(ks[5], (D,), dtype=jnp.float32) * 0.01
    Wk = jax.random.normal(ks[6], (D, D), dtype=jnp.float32) * scale
    bk = jax.random.normal(ks[7], (D,), dtype=jnp.float32) * 0.01
    Wv = jax.random.normal(ks[8], (D, D), dtype=jnp.float32) * scale
    bv = jax.random.normal(ks[9], (D,), dtype=jnp.float32) * 0.01
    Wo = jax.random.normal(ks[10], (D, D), dtype=jnp.float32) * scale
    bo = jax.random.normal(ks[11], (D,), dtype=jnp.float32) * 0.01
    return {"q": q, "k": k, "v": v, "batch": batch, "Wq": Wq, "bq": bq, "Wk": Wk, "bk": bk, "Wv": Wv, "bv": bv, "Wo": Wo, "bo": bo}

def reference(q, k, v, batch, Wq, bq, Wk, bk, Wv, bv, Wo, bo):
    qp = q @ Wq.T + bq
    kp = k @ Wk.T + bk
    vp = v @ Wv.T + bv
    n = qp.shape[0]
    d = D // H
    qh = qp.reshape(n, H, d)
    kh = kp.reshape(kp.shape[0], H, d)[batch]
    vh = vp.reshape(vp.shape[0], H, d)[batch]
    attn = qh * kh
    attn = attn / jnp.sqrt(jnp.float32(d))
    # per-segment softmax over the token dim (dim 0), per (head, channel)
    seg_max = jax.ops.segment_max(attn, batch, num_segments=S)
    ex = jnp.exp(attn - seg_max[batch])
    denom = jax.ops.segment_sum(ex, batch, num_segments=S)
    sm = ex / denom[batch]
    out = sm * vh
    out = out.reshape(n, -1)
    out = out @ Wo.T + bo
    return out

if __name__ == "__main__":
    import jax
    _d = setup_inputs()
    print(jax.jit(kernel)(*tuple(_d.values())))

</pallas_src>

<mosaic_0001>
#map = affine_map<(d0, d1) -> (0, 0)>
#map1 = affine_map<(d0, d1) -> (0)>
module attributes {stable_mosaic.version = 14 : i64} {
  func.func @gk(%arg0: i32, %arg1: i32, %arg2: memref<1024x512xf32, #tpu.memory_space<hbm>>, %arg3: memref<50176xi32, #tpu.memory_space<hbm>>, %arg4: memref<50176x512xf32, #tpu.memory_space<hbm>>, %arg5: memref<112xi32, #tpu.memory_space<vmem>>, %arg6: memref<112x512xf32, #tpu.memory_space<vmem>>, %arg7: memref<!tpu.dma_semaphore, #tpu.memory_space<semaphore_mem>>) attributes {dimension_semantics = [#tpu.dimension_semantics<core_parallel>, #tpu.dimension_semantics<subcore_parallel>], iteration_bounds = array<i64: 2, 16>, scalar_prefetch = 0 : i64, scratch_operands = 3 : i64, tpu.core_type = #tpu.core_type<sc_vector_subcore>, window_params = [{transform_indices = #map}, {transform_indices = #map1}, {transform_indices = #map}]} {
    %mul3A = arith.constant 2 : i32
    %mul3A_0 = arith.muli %arg1, %mul3A : i32
    %add3A = arith.addi %mul3A_0, %arg0 : i32
    %mul3A_1 = arith.constant 1568 : i32
    %mul3A_2 = arith.muli %add3A, %mul3A_1 : i32
    %add3A_3 = arith.constant 0 : i32
    %add3A_4 = arith.addi %mul3A_2, %add3A_3 : i32
    "tpu.region"() ({
      %run_scoped3A = tpu.sem_alloc : memref<!tpu.dma_semaphore, #tpu.memory_space<semaphore_mem>>
      %dma_start3A_113 = tpu.memref_slice %arg3[%add3A_4] : memref<50176xi32, #tpu.memory_space<hbm>> -> memref<112xi32, #tpu.memory_space<hbm>>
      %dma_start3A_114 = tpu.memref_slice %arg3[%add3A_4] : memref<50176xi32, #tpu.memory_space<hbm>> -> memref<112xi32, #tpu.memory_space<hbm>>
      tpu.enqueue_dma source(%dma_start3A_114 : memref<112xi32, #tpu.memory_space<hbm>>) target(%arg5 : memref<112xi32, #tpu.memory_space<vmem>>) target_semaphore(%run_scoped3A : memref<!tpu.dma_semaphore, #tpu.memory_space<semaphore_mem>>)
      %dma_wait3A_115 = tpu.memref_slice %arg3[%add3A_4] : memref<50176xi32, #tpu.memory_space<hbm>> -> memref<112xi32, #tpu.memory_space<hbm>>
      %dma_wait3A_116 = tpu.memref_slice %arg3[%add3A_4] : memref<50176xi32, #tpu.memory_space<hbm>> -> memref<112xi32, #tpu.memory_space<hbm>>
      tpu.wait_dma2 semaphore(%run_scoped3A : memref<!tpu.dma_semaphore, #tpu.memory_space<semaphore_mem>>) src(%dma_wait3A_116 : memref<112xi32, #tpu.memory_space<hbm>>) dst(%arg5 : memref<112xi32, #tpu.memory_space<vmem>>)
      tpu.yield
    }) : () -> ()
    %dma_start3A = arith.constant 0 : i32
    %dma_start3A_5 = arith.constant 0 : i32
    %dma_start3A_6 = tpu.memref_slice %arg2[%dma_start3A, %dma_start3A_5] : memref<1024x512xf32, #tpu.memory_space<hbm>> -> memref<1024x512xf32, #tpu.memory_space<hbm>>
    tpu.enqueue_indirect_dma source(%dma_start3A_6 : memref<1024x512xf32, #tpu.memory_space<hbm>>) target(%arg6 : memref<112x512xf32, #tpu.memory_space<vmem>>) offsets(%arg5 : memref<112xi32, #tpu.memory_space<vmem>>) semaphore(%arg7 : memref<!tpu.dma_semaphore, #tpu.memory_space<semaphore_mem>>)
    %dma_wait3A = arith.constant 0 : i32
    %dma_wait3A_7 = arith.constant 0 : i32
    %dma_wait3A_8 = tpu.memref_slice %arg2[%dma_wait3A, %dma_wait3A_7] : memref<1024x512xf32, #tpu.memory_space<hbm>> -> memref<1024x512xf32, #tpu.memory_space<hbm>>
    tpu.wait_indirect_dma semaphore(%arg7 : memref<!tpu.dma_semaphore, #tpu.memory_space<semaphore_mem>>) src(%dma_wait3A_8 : memref<1024x512xf32, #tpu.memory_space<hbm>>) dst(%arg6 : memref<112x512xf32, #tpu.memory_space<vmem>>)
    "tpu.region"() ({
      %run_scoped3A = tpu.sem_alloc : memref<!tpu.dma_semaphore, #tpu.memory_space<semaphore_mem>>
      %dma_start3A_113 = arith.constant 0 : i32
      %dma_start3A_114 = tpu.memref_slice %arg4[%add3A_4, %dma_start3A_113] : memref<50176x512xf32, #tpu.memory_space<hbm>> -> memref<112x512xf32, #tpu.memory_space<hbm>>
      %dma_start3A_115 = arith.constant 0 : i32
      %dma_start3A_116 = tpu.memref_slice %arg4[%add3A_4, %dma_start3A_115] : memref<50176x512xf32, #tpu.memory_space<hbm>> -> memref<112x512xf32, #tpu.memory_space<hbm>>
      tpu.enqueue_dma source(%arg6 : memref<112x512xf32, #tpu.memory_space<vmem>>) target(%dma_start3A_116 : memref<112x512xf32, #tpu.memory_space<hbm>>) target_semaphore(%run_scoped3A : memref<!tpu.dma_semaphore, #tpu.memory_space<semaphore_mem>>)
      %dma_wait3A_117 = arith.constant 0 : i32
      %dma_wait3A_118 = tpu.memref_slice %arg4[%add3A_4, %dma_wait3A_117] : memref<50176x512xf32, #tpu.memory_space<hbm>> -> memref<112x512xf32, #tpu.memory_space<hbm>>
      %dma_wait3A_119 = arith.constant 0 : i32
      %dma_wait3A_120 = tpu.memref_slice %arg4[%add3A_4, %dma_wait3A_119] : memref<50176x512xf32, #tpu.memory_space<hbm>> -> memref<112x512xf32, #tpu.memory_space<hbm>>
      tpu.wait_dma2 semaphore(%run_scoped3A : memref<!tpu.dma_semaphore, #tpu.memory_space<semaphore_mem>>) src(%arg6 : memref<112x512xf32, #tpu.memory_space<vmem>>) dst(%dma_wait3A_120 : memref<112x512xf32, #tpu.memory_space<hbm>>)
      tpu.yield
    }) : () -> ()
    %add3A_9 = arith.constant 112 : i32
    %add3A_10 = arith.addi %mul3A_2, %add3A_9 : i32
    "tpu.region"() ({
      %run_scoped3A = tpu.sem_alloc : memref<!tpu.dma_semaphore, #tpu.memory_space<semaphore_mem>>
      %dma_start3A_113 = tpu.memref_slice %arg3[%add3A_10] : memref<50176xi32, #tpu.memory_space<hbm>> -> memref<112xi32, #tpu.memory_space<hbm>>
      %dma_start3A_114 = tpu.memref_slice %arg3[%add3A_10] : memref<50176xi32, #tpu.memory_space<hbm>> -> memref<112xi32, #tpu.memory_space<hbm>>
      tpu.enqueue_dma source(%dma_start3A_114 : memref<112xi32, #tpu.memory_space<hbm>>) target(%arg5 : memref<112xi32, #tpu.memory_space<vmem>>) target_semaphore(%run_scoped3A : memref<!tpu.dma_semaphore, #tpu.memory_space<semaphore_mem>>)
      %dma_wait3A_115 = tpu.memref_slice %arg3[%add3A_10] : memref<50176xi32, #tpu.memory_space<hbm>> -> memref<112xi32, #tpu.memory_space<hbm>>
      %dma_wait3A_116 = tpu.memref_slice %arg3[%add3A_10] : memref<50176xi32, #tpu.memory_space<hbm>> -> memref<112xi32, #tpu.memory_space<hbm>>
      tpu.wait_dma2 semaphore(%run_scoped3A : memref<!tpu.dma_semaphore, #tpu.memory_space<semaphore_mem>>) src(%dma_wait3A_116 : memref<112xi32, #tpu.memory_space<hbm>>) dst(%arg5 : memref<112xi32, #tpu.memory_space<vmem>>)
      tpu.yield
    }) : () -> ()
    %dma_start3A_11 = arith.constant 0 : i32
    %dma_start3A_12 = arith.constant 0 : i32
    %dma_start3A_13 = tpu.memref_slice %arg2[%dma_start3A_11, %dma_start3A_12] : memref<1024x512xf32, #tpu.memory_space<hbm>> -> memref<1024x512xf32, #tpu.memory_space<hbm>>
    tpu.enqueue_indirect_dma source(%dma_start3A_13 : memref<1024x512xf32, #tpu.memory_space<hbm>>) target(%arg6 : memref<112x512xf32, #tpu.memory_space<vmem>>) offsets(%arg5 : memref<112xi32, #tpu.memory_space<vmem>>) semaphore(%arg7 : memref<!tpu.dma_semaphore, #tpu.memory_space<semaphore_mem>>)
    %dma_wait3A_14 = arith.constant 0 : i32
    %dma_wait3A_15 = arith.constant 0 : i32
    %dma_wait3A_16 = tpu.memref_slice %arg2[%dma_wait3A_14, %dma_wait3A_15] : memref<1024x512xf32, #tpu.memory_space<hbm>> -> memref<1024x512xf32, #tpu.memory_space<hbm>>
    tpu.wait_indirect_dma semaphore(%arg7 : memref<!tpu.dma_semaphore, #tpu.memory_space<semaphore_mem>>) src(%dma_wait3A_16 : memref<1024x512xf32, #tpu.memory_space<hbm>>) dst(%arg6 : memref<112x512xf32, #tpu.memory_space<vmem>>)
    "tpu.region"() ({
      %run_scoped3A = tpu.sem_alloc : memref<!tpu.dma_semaphore, #tpu.memory_space<semaphore_mem>>
      %dma_start3A_113 = arith.constant 0 : i32
      %dma_start3A_114 = tpu.memref_slice %arg4[%add3A_10, %dma_start3A_113] : memref<50176x512xf32, #tpu.memory_space<hbm>> -> memref<112x512xf32, #tpu.memory_space<hbm>>
      %dma_start3A_115 = arith.constant 0 : i32
      %dma_start3A_116 = tpu.memref_slice %arg4[%add3A_10, %dma_start3A_115] : memref<50176x512xf32, #tpu.memory_space<hbm>> -> memref<112x512xf32, #tpu.memory_space<hbm>>
      tpu.enqueue_dma source(%arg6 : memref<112x512xf32, #tpu.memory_space<vmem>>) target(%dma_start3A_116 : memref<112x512xf32, #tpu.memory_space<hbm>>) target_semaphore(%run_scoped3A : memref<!tpu.dma_semaphore, #tpu.memory_space<semaphore_mem>>)
      %dma_wait3A_117 = arith.constant 0 : i32
      %dma_wait3A_118 = tpu.memref_slice %arg4[%add3A_10, %dma_wait3A_117] : memref<50176x512xf32, #tpu.memory_space<hbm>> -> memref<112x512xf32, #tpu.memory_space<hbm>>
      %dma_wait3A_119 = arith.constant 0 : i32
      %dma_wait3A_120 = tpu.memref_slice %arg4[%add3A_10, %dma_wait3A_119] : memref<50176x512xf32, #tpu.memory_space<hbm>> -> memref<112x512xf32, #tpu.memory_space<hbm>>
      tpu.wait_dma2 semaphore(%run_scoped3A : memref<!tpu.dma_semaphore, #tpu.memory_space<semaphore_mem>>) src(%arg6 : memref<112x512xf32, #tpu.memory_space<vmem>>) dst(%dma_wait3A_120 : memref<112x512xf32, #tpu.memory_space<hbm>>)
      tpu.yield
    }) : () -> ()
    %add3A_17 = arith.constant 224 : i32
    %add3A_18 = arith.addi %mul3A_2, %add3A_17 : i32
    "tpu.region"() ({
      %run_scoped3A = tpu.sem_alloc : memref<!tpu.dma_semaphore, #tpu.memory_space<semaphore_mem>>
      %dma_start3A_113 = tpu.memref_slice %arg3[%add3A_18] : memref<50176xi32, #tpu.memory_space<hbm>> -> memref<112xi32, #tpu.memory_space<hbm>>
      %dma_start3A_114 = tpu.memref_slice %arg3[%add3A_18] : memref<50176xi32, #tpu.memory_space<hbm>> -> memref<112xi32, #tpu.memory_space<hbm>>
      tpu.enqueue_dma source(%dma_start3A_114 : memref<112xi32, #tpu.memory_space<hbm>>) target(%arg5 : memref<112xi32, #tpu.memory_space<vmem>>) target_semaphore(%run_scoped3A : memref<!tpu.dma_semaphore, #tpu.memory_space<semaphore_mem>>)
      %dma_wait3A_115 = tpu.memref_slice %arg3[%add3A_18] : memref<50176xi32, #tpu.memory_space<hbm>> -> memref<112xi32, #tpu.memory_space<hbm>>
      %dma_wait3A_116 = tpu.memref_slice %arg3[%add3A_18] : memref<50176xi32, #tpu.memory_space<hbm>> -> memref<112xi32, #tpu.memory_space<hbm>>
      tpu.wait_dma2 semaphore(%run_scoped3A : memref<!tpu.dma_semaphore, #tpu.memory_space<semaphore_mem>>) src(%dma_wait3A_116 : memref<112xi32, #tpu.memory_space<hbm>>) dst(%arg5 : memref<112xi32, #tpu.memory_space<vmem>>)
      tpu.yield
    }) : () -> ()
    %dma_start3A_19 = arith.constant 0 : i32
    %dma_start3A_20 = arith.constant 0 : i32
    %dma_start3A_21 = tpu.memref_slice %arg2[%dma_start3A_19, %dma_start3A_20] : memref<1024x512xf32, #tpu.memory_space<hbm>> -> memref<1024x512xf32, #tpu.memory_space<hbm>>
    tpu.enqueue_indirect_dma source(%dma_start3A_21 : memref<1024x512xf32, #tpu.memory_space<hbm>>) target(%arg6 : memref<112x512xf32, #tpu.memory_space<vmem>>) offsets(%arg5 : memref<112xi32, #tpu.memory_space<vmem>>) semaphore(%arg7 : memref<!tpu.dma_semaphore, #tpu.memory_space<semaphore_mem>>)
    %dma_wait3A_22 = arith.constant 0 : i32
    %dma_wait3A_23 = arith.constant 0 : i32
    %dma_wait3A_24 = tpu.memref_slice %arg2[%dma_wait3A_22, %dma_wait3A_23] : memref<1024x512xf32, #tpu.memory_space<hbm>> -> memref<1024x512xf32, #tpu.memory_space<hbm>>
    tpu.wait_indirect_dma semaphore(%arg7 : memref<!tpu.dma_semaphore, #tpu.memory_space<semaphore_mem>>) src(%dma_wait3A_24 : memref<1024x512xf32, #tpu.memory_space<hbm>>) dst(%arg6 : memref<112x512xf32, #tpu.memory_space<vmem>>)
    "tpu.region"() ({
      %run_scoped3A = tpu.sem_alloc : memref<!tpu.dma_semaphore, #tpu.memory_space<semaphore_mem>>
      %dma_start3A_113 = arith.constant 0 : i32
      %dma_start3A_114 = tpu.memref_slice %arg4[%add3A_18, %dma_start3A_113] : memref<50176x512xf32, #tpu.memory_space<hbm>> -> memref<112x512xf32, #tpu.memory_space<hbm>>
      %dma_start3A_115 = arith.constant 0 : i32
      %dma_start3A_116 = tpu.memref_slice %arg4[%add3A_18, %dma_start3A_115] : memref<50176x512xf32, #tpu.memory_space<hbm>> -> memref<112x512xf32, #tpu.memory_space<hbm>>
      tpu.enqueue_dma source(%arg6 : memref<112x512xf32, #tpu.memory_space<vmem>>) target(%dma_start3A_116 : memref<112x512xf32, #tpu.memory_space<hbm>>) target_semaphore(%run_scoped3A : memref<!tpu.dma_semaphore, #tpu.memory_space<semaphore_mem>>)
      %dma_wait3A_117 = arith.constant 0 : i32
      %dma_wait3A_118 = tpu.memref_slice %arg4[%add3A_18, %dma_wait3A_117] : memref<50176x512xf32, #tpu.memory_space<hbm>> -> memref<112x512xf32, #tpu.memory_space<hbm>>
      %dma_wait3A_119 = arith.constant 0 : i32
      %dma_wait3A_120 = tpu.memref_slice %arg4[%add3A_18, %dma_wait3A_119] : memref<50176x512xf32, #tpu.memory_space<hbm>> -> memref<112x512xf32, #tpu.memory_space<hbm>>
      tpu.wait_dma2 semaphore(%run_scoped3A : memref<!tpu.dma_semaphore, #tpu.memory_space<semaphore_mem>>) src(%arg6 : memref<112x512xf32, #tpu.memory_space<vmem>>) dst(%dma_wait3A_120 : memref<112x512xf32, #tpu.memory_space<hbm>>)
      tpu.yield
    }) : () -> ()
    %add3A_25 = arith.constant 336 : i32
    %add3A_26 = arith.addi %mul3A_2, %add3A_25 : i32
    "tpu.region"() ({
      %run_scoped3A = tpu.sem_alloc : memref<!tpu.dma_semaphore, #tpu.memory_space<semaphore_mem>>
      %dma_start3A_113 = tpu.memref_slice %arg3[%add3A_26] : memref<50176xi32, #tpu.memory_space<hbm>> -> memref<112xi32, #tpu.memory_space<hbm>>
      %dma_start3A_114 = tpu.memref_slice %arg3[%add3A_26] : memref<50176xi32, #tpu.memory_space<hbm>> -> memref<112xi32, #tpu.memory_space<hbm>>
      tpu.enqueue_dma source(%dma_start3A_114 : memref<112xi32, #tpu.memory_space<hbm>>) target(%arg5 : memref<112xi32, #tpu.memory_space<vmem>>) target_semaphore(%run_scoped3A : memref<!tpu.dma_semaphore, #tpu.memory_space<semaphore_mem>>)
      %dma_wait3A_115 = tpu.memref_slice %arg3[%add3A_26] : memref<50176xi32, #tpu.memory_space<hbm>> -> memref<112xi32, #tpu.memory_space<hbm>>
      %dma_wait3A_116 = tpu.memref_slice %arg3[%add3A_26] : memref<50176xi32, #tpu.memory_space<hbm>> -> memref<112xi32, #tpu.memory_space<hbm>>
      tpu.wait_dma2 semaphore(%run_scoped3A : memref<!tpu.dma_semaphore, #tpu.memory_space<semaphore_mem>>) src(%dma_wait3A_116 : memref<112xi32, #tpu.memory_space<hbm>>) dst(%arg5 : memref<112xi32, #tpu.memory_space<vmem>>)
      tpu.yield
    }) : () -> ()
    %dma_start3A_27 = arith.constant 0 : i32
    %dma_start3A_28 = arith.constant 0 : i32
    %dma_start3A_29 = tpu.memref_slice %arg2[%dma_start3A_27, %dma_start3A_28] : memref<1024x512xf32, #tpu.memory_space<hbm>> -> memref<1024x512xf32, #tpu.memory_space<hbm>>
    tpu.enqueue_indirect_dma source(%dma_start3A_29 : memref<1024x512xf32, #tpu.memory_space<hbm>>) target(%arg6 : memref<112x512xf32, #tpu.memory_space<vmem>>) offsets(%arg5 : memref<112xi32, #tpu.memory_space<vmem>>) semaphore(%arg7 : memref<!tpu.dma_semaphore, #tpu.memory_space<semaphore_mem>>)
    %dma_wait3A_30 = arith.constant 0 : i32
    %dma_wait3A_31 = arith.constant 0 : i32
    %dma_wait3A_32 = tpu.memref_slice %arg2[%dma_wait3A_30, %dma_wait3A_31] : memref<1024x512xf32, #tpu.memory_space<hbm>> -> memref<1024x512xf32, #tpu.memory_space<hbm>>
    tpu.wait_indirect_dma semaphore(%arg7 : memref<!tpu.dma_semaphore, #tpu.memory_space<semaphore_mem>>) src(%dma_wait3A_32 : memref<1024x512xf32, #tpu.memory_space<hbm>>) dst(%arg6 : memref<112x512xf32, #tpu.memory_space<vmem>>)
    "tpu.region"() ({
      %run_scoped3A = tpu.sem_alloc : memref<!tpu.dma_semaphore, #tpu.memory_space<semaphore_mem>>
      %dma_start3A_113 = arith.constant 0 : i32
      %dma_start3A_114 = tpu.memref_slice %arg4[%add3A_26, %dma_start3A_113] : memref<50176x512xf32, #tpu.memory_space<hbm>> -> memref<112x512xf32, #tpu.memory_space<hbm>>
      %dma_start3A_115 = arith.constant 0 : i32
      %dma_start3A_116 = tpu.memref_slice %arg4[%add3A_26, %dma_start3A_115] : memref<50176x512xf32, #tpu.memory_space<hbm>> -> memref<112x512xf32, #tpu.memory_space<hbm>>
      tpu.enqueue_dma source(%arg6 : memref<112x512xf32, #tpu.memory_space<vmem>>) target(%dma_start3A_116 : memref<112x512xf32, #tpu.memory_space<hbm>>) target_semaphore(%run_scoped3A : memref<!tpu.dma_semaphore, #tpu.memory_space<semaphore_mem>>)
      %dma_wait3A_117 = arith.constant 0 : i32
      %dma_wait3A_118 = tpu.memref_slice %arg4[%add3A_26, %dma_wait3A_117] : memref<50176x512xf32, #tpu.memory_space<hbm>> -> memref<112x512xf32, #tpu.memory_space<hbm>>
      %dma_wait3A_119 = arith.constant 0 : i32
      %dma_wait3A_120 = tpu.memref_slice %arg4[%add3A_26, %dma_wait3A_119] : memref<50176x512xf32, #tpu.memory_space<hbm>> -> memref<112x512xf32, #tpu.memory_space<hbm>>
      tpu.wait_dma2 semaphore(%run_scoped3A : memref<!tpu.dma_semaphore, #tpu.memory_space<semaphore_mem>>) src(%arg6 : memref<112x512xf32, #tpu.memory_space<vmem>>) dst(%dma_wait3A_120 : memref<112x512xf32, #tpu.memory_space<hbm>>)
      tpu.yield
    }) : () -> ()
    %add3A_33 = arith.constant 448 : i32
    %add3A_34 = arith.addi %mul3A_2, %add3A_33 : i32
    "tpu.region"() ({
      %run_scoped3A = tpu.sem_alloc : memref<!tpu.dma_semaphore, #tpu.memory_space<semaphore_mem>>
      %dma_start3A_113 = tpu.memref_slice %arg3[%add3A_34] : memref<50176xi32, #tpu.memory_space<hbm>> -> memref<112xi32, #tpu.memory_space<hbm>>
      %dma_start3A_114 = tpu.memref_slice %arg3[%add3A_34] : memref<50176xi32, #tpu.memory_space<hbm>> -> memref<112xi32, #tpu.memory_space<hbm>>
      tpu.enqueue_dma source(%dma_start3A_114 : memref<112xi32, #tpu.memory_space<hbm>>) target(%arg5 : memref<112xi32, #tpu.memory_space<vmem>>) target_semaphore(%run_scoped3A : memref<!tpu.dma_semaphore, #tpu.memory_space<semaphore_mem>>)
      %dma_wait3A_115 = tpu.memref_slice %arg3[%add3A_34] : memref<50176xi32, #tpu.memory_space<hbm>> -> memref<112xi32, #tpu.memory_space<hbm>>
      %dma_wait3A_116 = tpu.memref_slice %arg3[%add3A_34] : memref<50176xi32, #tpu.memory_space<hbm>> -> memref<112xi32, #tpu.memory_space<hbm>>
      tpu.wait_dma2 semaphore(%run_scoped3A : memref<!tpu.dma_semaphore, #tpu.memory_space<semaphore_mem>>) src(%dma_wait3A_116 : memref<112xi32, #tpu.memory_space<hbm>>) dst(%arg5 : memref<112xi32, #tpu.memory_space<vmem>>)
      tpu.yield
    }) : () -> ()
    %dma_start3A_35 = arith.constant 0 : i32
    %dma_start3A_36 = arith.constant 0 : i32
    %dma_start3A_37 = tpu.memref_slice %arg2[%dma_start3A_35, %dma_start3A_36] : memref<1024x512xf32, #tpu.memory_space<hbm>> -> memref<1024x512xf32, #tpu.memory_space<hbm>>
    tpu.enqueue_indirect_dma source(%dma_start3A_37 : memref<1024x512xf32, #tpu.memory_space<hbm>>) target(%arg6 : memref<112x512xf32, #tpu.memory_space<vmem>>) offsets(%arg5 : memref<112xi32, #tpu.memory_space<vmem>>) semaphore(%arg7 : memref<!tpu.dma_semaphore, #tpu.memory_space<semaphore_mem>>)
    %dma_wait3A_38 = arith.constant 0 : i32
    %dma_wait3A_39 = arith.constant 0 : i32
    %dma_wait3A_40 = tpu.memref_slice %arg2[%dma_wait3A_38, %dma_wait3A_39] : memref<1024x512xf32, #tpu.memory_space<hbm>> -> memref<1024x512xf32, #tpu.memory_space<hbm>>
    tpu.wait_indirect_dma semaphore(%arg7 : memref<!tpu.dma_semaphore, #tpu.memory_space<semaphore_mem>>) src(%dma_wait3A_40 : memref<1024x512xf32, #tpu.memory_space<hbm>>) dst(%arg6 : memref<112x512xf32, #tpu.memory_space<vmem>>)
    "tpu.region"() ({
      %run_scoped3A = tpu.sem_alloc : memref<!tpu.dma_semaphore, #tpu.memory_space<semaphore_mem>>
      %dma_start3A_113 = arith.constant 0 : i32
      %dma_start3A_114 = tpu.memref_slice %arg4[%add3A_34, %dma_start3A_113] : memref<50176x512xf32, #tpu.memory_space<hbm>> -> memref<112x512xf32, #tpu.memory_space<hbm>>
      %dma_start3A_115 = arith.constant 0 : i32
      %dma_start3A_116 = tpu.memref_slice %arg4[%add3A_34, %dma_start3A_115] : memref<50176x512xf32, #tpu.memory_space<hbm>> -> memref<112x512xf32, #tpu.memory_space<hbm>>
      tpu.enqueue_dma source(%arg6 : memref<112x512xf32, #tpu.memory_space<vmem>>) target(%dma_start3A_116 : memref<112x512xf32, #tpu.memory_space<hbm>>) target_semaphore(%run_scoped3A : memref<!tpu.dma_semaphore, #tpu.memory_space<semaphore_mem>>)
      %dma_wait3A_117 = arith.constant 0 : i32
      %dma_wait3A_118 = tpu.memref_slice %arg4[%add3A_34, %dma_wait3A_117] : memref<50176x512xf32, #tpu.memory_space<hbm>> -> memref<112x512xf32, #tpu.memory_space<hbm>>
      %dma_wait3A_119 = arith.constant 0 : i32
      %dma_wait3A_120 = tpu.memref_slice %arg4[%add3A_34, %dma_wait3A_119] : memref<50176x512xf32, #tpu.memory_space<hbm>> -> memref<112x512xf32, #tpu.memory_space<hbm>>
      tpu.wait_dma2 semaphore(%run_scoped3A : memref<!tpu.dma_semaphore, #tpu.memory_space<semaphore_mem>>) src(%arg6 : memref<112x512xf32, #tpu.memory_space<vmem>>) dst(%dma_wait3A_120 : memref<112x512xf32, #tpu.memory_space<hbm>>)
      tpu.yield
    }) : () -> ()
    %add3A_41 = arith.constant 560 : i32
    %add3A_42 = arith.addi %mul3A_2, %add3A_41 : i32
    "tpu.region"() ({
      %run_scoped3A = tpu.sem_alloc : memref<!tpu.dma_semaphore, #tpu.memory_space<semaphore_mem>>
      %dma_start3A_113 = tpu.memref_slice %arg3[%add3A_42] : memref<50176xi32, #tpu.memory_space<hbm>> -> memref<112xi32, #tpu.memory_space<hbm>>
      %dma_start3A_114 = tpu.memref_slice %arg3[%add3A_42] : memref<50176xi32, #tpu.memory_space<hbm>> -> memref<112xi32, #tpu.memory_space<hbm>>
      tpu.enqueue_dma source(%dma_start3A_114 : memref<112xi32, #tpu.memory_space<hbm>>) target(%arg5 : memref<112xi32, #tpu.memory_space<vmem>>) target_semaphore(%run_scoped3A : memref<!tpu.dma_semaphore, #tpu.memory_space<semaphore_mem>>)
      %dma_wait3A_115 = tpu.memref_slice %arg3[%add3A_42] : memref<50176xi32, #tpu.memory_space<hbm>> -> memref<112xi32, #tpu.memory_space<hbm>>
      %dma_wait3A_116 = tpu.memref_slice %arg3[%add3A_42] : memref<50176xi32, #tpu.memory_space<hbm>> -> memref<112xi32, #tpu.memory_space<hbm>>
      tpu.wait_dma2 semaphore(%run_scoped3A : memref<!tpu.dma_semaphore, #tpu.memory_space<semaphore_mem>>) src(%dma_wait3A_116 : memref<112xi32, #tpu.memory_space<hbm>>) dst(%arg5 : memref<112xi32, #tpu.memory_space<vmem>>)
      tpu.yield
    }) : () -> ()
    %dma_start3A_43 = arith.constant 0 : i32
    %dma_start3A_44 = arith.constant 0 : i32
    %dma_start3A_45 = tpu.memref_slice %arg2[%dma_start3A_43, %dma_start3A_44] : memref<1024x512xf32, #tpu.memory_space<hbm>> -> memref<1024x512xf32, #tpu.memory_space<hbm>>
    tpu.enqueue_indirect_dma source(%dma_start3A_45 : memref<1024x512xf32, #tpu.memory_space<hbm>>) target(%arg6 : memref<112x512xf32, #tpu.memory_space<vmem>>) offsets(%arg5 : memref<112xi32, #tpu.memory_space<vmem>>) semaphore(%arg7 : memref<!tpu.dma_semaphore, #tpu.memory_space<semaphore_mem>>)
    %dma_wait3A_46 = arith.constant 0 : i32
    %dma_wait3A_47 = arith.constant 0 : i32
    %dma_wait3A_48 = tpu.memref_slice %arg2[%dma_wait3A_46, %dma_wait3A_47] : memref<1024x512xf32, #tpu.memory_space<hbm>> -> memref<1024x512xf32, #tpu.memory_space<hbm>>
    tpu.wait_indirect_dma semaphore(%arg7 : memref<!tpu.dma_semaphore, #tpu.memory_space<semaphore_mem>>) src(%dma_wait3A_48 : memref<1024x512xf32, #tpu.memory_space<hbm>>) dst(%arg6 : memref<112x512xf32, #tpu.memory_space<vmem>>)
    "tpu.region"() ({
      %run_scoped3A = tpu.sem_alloc : memref<!tpu.dma_semaphore, #tpu.memory_space<semaphore_mem>>
      %dma_start3A_113 = arith.constant 0 : i32
      %dma_start3A_114 = tpu.memref_slice %arg4[%add3A_42, %dma_start3A_113] : memref<50176x512xf32, #tpu.memory_space<hbm>> -> memref<112x512xf32, #tpu.memory_space<hbm>>
      %dma_start3A_115 = arith.constant 0 : i32
      %dma_start3A_116 = tpu.memref_slice %arg4[%add3A_42, %dma_start3A_115] : memref<50176x512xf32, #tpu.memory_space<hbm>> -> memref<112x512xf32, #tpu.memory_space<hbm>>
      tpu.enqueue_dma source(%arg6 : memref<112x512xf32, #tpu.memory_space<vmem>>) target(%dma_start3A_116 : memref<112x512xf32, #tpu.memory_space<hbm>>) target_semaphore(%run_scoped3A : memref<!tpu.dma_semaphore, #tpu.memory_space<semaphore_mem>>)
      %dma_wait3A_117 = arith.constant 0 : i32
      %dma_wait3A_118 = tpu.memref_slice %arg4[%add3A_42, %dma_wait3A_117] : memref<50176x512xf32, #tpu.memory_space<hbm>> -> memref<112x512xf32, #tpu.memory_space<hbm>>
      %dma_wait3A_119 = arith.constant 0 : i32
      %dma_wait3A_120 = tpu.memref_slice %arg4[%add3A_42, %dma_wait3A_119] : memref<50176x512xf32, #tpu.memory_space<hbm>> -> memref<112x512xf32, #tpu.memory_space<hbm>>
      tpu.wait_dma2 semaphore(%run_scoped3A : memref<!tpu.dma_semaphore, #tpu.memory_space<semaphore_mem>>) src(%arg6 : memref<112x512xf32, #tpu.memory_space<vmem>>) dst(%dma_wait3A_120 : memref<112x512xf32, #tpu.memory_space<hbm>>)
      tpu.yield
    }) : () -> ()
    %add3A_49 = arith.constant 672 : i32
    %add3A_50 = arith.addi %mul3A_2, %add3A_49 : i32
    "tpu.region"() ({
      %run_scoped3A = tpu.sem_alloc : memref<!tpu.dma_semaphore, #tpu.memory_space<semaphore_mem>>
      %dma_start3A_113 = tpu.memref_slice %arg3[%add3A_50] : memref<50176xi32, #tpu.memory_space<hbm>> -> memref<112xi32, #tpu.memory_space<hbm>>
      %dma_start3A_114 = tpu.memref_slice %arg3[%add3A_50] : memref<50176xi32, #tpu.memory_space<hbm>> -> memref<112xi32, #tpu.memory_space<hbm>>
      tpu.enqueue_dma source(%dma_start3A_114 : memref<112xi32, #tpu.memory_space<hbm>>) target(%arg5 : memref<112xi32, #tpu.memory_space<vmem>>) target_semaphore(%run_scoped3A : memref<!tpu.dma_semaphore, #tpu.memory_space<semaphore_mem>>)
      %dma_wait3A_115 = tpu.memref_slice %arg3[%add3A_50] : memref<50176xi32, #tpu.memory_space<hbm>> -> memref<112xi32, #tpu.memory_space<hbm>>
      %dma_wait3A_116 = tpu.memref_slice %arg3[%add3A_50] : memref<50176xi32, #tpu.memory_space<hbm>> -> memref<112xi32, #tpu.memory_space<hbm>>
      tpu.wait_dma2 semaphore(%run_scoped3A : memref<!tpu.dma_semaphore, #tpu.memory_space<semaphore_mem>>) src(%dma_wait3A_116 : memref<112xi32, #tpu.memory_space<hbm>>) dst(%arg5 : memref<112xi32, #tpu.memory_space<vmem>>)
      tpu.yield
    }) : () -> ()
    %dma_start3A_51 = arith.constant 0 : i32
    %dma_start3A_52 = arith.constant 0 : i32
    %dma_start3A_53 = tpu.memref_slice %arg2[%dma_start3A_51, %dma_start3A_52] : memref<1024x512xf32, #tpu.memory_space<hbm>> -> memref<1024x512xf32, #tpu.memory_space<hbm>>
    tpu.enqueue_indirect_dma source(%dma_start3A_53 : memref<1024x512xf32, #tpu.memory_space<hbm>>) target(%arg6 : memref<112x512xf32, #tpu.memory_space<vmem>>) offsets(%arg5 : memref<112xi32, #tpu.memory_space<vmem>>) semaphore(%arg7 : memref<!tpu.dma_semaphore, #tpu.memory_space<semaphore_mem>>)
    %dma_wait3A_54 = arith.constant 0 : i32
    %dma_wait3A_55 = arith.constant 0 : i32
    %dma_wait3A_56 = tpu.memref_slice %arg2[%dma_wait3A_54, %dma_wait3A_55] : memref<1024x512xf32, #tpu.memory_space<hbm>> -> memref<1024x512xf32, #tpu.memory_space<hbm>>
    tpu.wait_indirect_dma semaphore(%arg7 : memref<!tpu.dma_semaphore, #tpu.memory_space<semaphore_mem>>) src(%dma_wait3A_56 : memref<1024x512xf32, #tpu.memory_space<hbm>>) dst(%arg6 : memref<112x512xf32, #tpu.memory_space<vmem>>)
    "tpu.region"() ({
      %run_scoped3A = tpu.sem_alloc : memref<!tpu.dma_semaphore, #tpu.memory_space<semaphore_mem>>
      %dma_start3A_113 = arith.constant 0 : i32
      %dma_start3A_114 = tpu.memref_slice %arg4[%add3A_50, %dma_start3A_113] : memref<50176x512xf32, #tpu.memory_space<hbm>> -> memref<112x512xf32, #tpu.memory_space<hbm>>
      %dma_start3A_115 = arith.constant 0 : i32
      %dma_start3A_116 = tpu.memref_slice %arg4[%add3A_50, %dma_start3A_115] : memref<50176x512xf32, #tpu.memory_space<hbm>> -> memref<112x512xf32, #tpu.memory_space<hbm>>
      tpu.enqueue_dma source(%arg6 : memref<112x512xf32, #tpu.memory_space<vmem>>) target(%dma_start3A_116 : memref<112x512xf32, #tpu.memory_space<hbm>>) target_semaphore(%run_scoped3A : memref<!tpu.dma_semaphore, #tpu.memory_space<semaphore_mem>>)
      %dma_wait3A_117 = arith.constant 0 : i32
      %dma_wait3A_118 = tpu.memref_slice %arg4[%add3A_50, %dma_wait3A_117] : memref<50176x512xf32, #tpu.memory_space<hbm>> -> memref<112x512xf32, #tpu.memory_space<hbm>>
      %dma_wait3A_119 = arith.constant 0 : i32
      %dma_wait3A_120 = tpu.memref_slice %arg4[%add3A_50, %dma_wait3A_119] : memref<50176x512xf32, #tpu.memory_space<hbm>> -> memref<112x512xf32, #tpu.memory_space<hbm>>
      tpu.wait_dma2 semaphore(%run_scoped3A : memref<!tpu.dma_semaphore, #tpu.memory_space<semaphore_mem>>) src(%arg6 : memref<112x512xf32, #tpu.memory_space<vmem>>) dst(%dma_wait3A_120 : memref<112x512xf32, #tpu.memory_space<hbm>>)
      tpu.yield
    }) : () -> ()
    %add3A_57 = arith.constant 784 : i32
    %add3A_58 = arith.addi %mul3A_2, %add3A_57 : i32
    "tpu.region"() ({
      %run_scoped3A = tpu.sem_alloc : memref<!tpu.dma_semaphore, #tpu.memory_space<semaphore_mem>>
      %dma_start3A_113 = tpu.memref_slice %arg3[%add3A_58] : memref<50176xi32, #tpu.memory_space<hbm>> -> memref<112xi32, #tpu.memory_space<hbm>>
      %dma_start3A_114 = tpu.memref_slice %arg3[%add3A_58] : memref<50176xi32, #tpu.memory_space<hbm>> -> memref<112xi32, #tpu.memory_space<hbm>>
      tpu.enqueue_dma source(%dma_start3A_114 : memref<112xi32, #tpu.memory_space<hbm>>) target(%arg5 : memref<112xi32, #tpu.memory_space<vmem>>) target_semaphore(%run_scoped3A : memref<!tpu.dma_semaphore, #tpu.memory_space<semaphore_mem>>)
      %dma_wait3A_115 = tpu.memref_slice %arg3[%add3A_58] : memref<50176xi32, #tpu.memory_space<hbm>> -> memref<112xi32, #tpu.memory_space<hbm>>
      %dma_wait3A_116 = tpu.memref_slice %arg3[%add3A_58] : memref<50176xi32, #tpu.memory_space<hbm>> -> memref<112xi32, #tpu.memory_space<hbm>>
      tpu.wait_dma2 semaphore(%run_scoped3A : memref<!tpu.dma_semaphore, #tpu.memory_space<semaphore_mem>>) src(%dma_wait3A_116 : memref<112xi32, #tpu.memory_space<hbm>>) dst(%arg5 : memref<112xi32, #tpu.memory_space<vmem>>)
      tpu.yield
    }) : () -> ()
    %dma_start3A_59 = arith.constant 0 : i32
    %dma_start3A_60 = arith.constant 0 : i32
    %dma_start3A_61 = tpu.memref_slice %arg2[%dma_start3A_59, %dma_start3A_60] : memref<1024x512xf32, #tpu.memory_space<hbm>> -> memref<1024x512xf32, #tpu.memory_space<hbm>>
    tpu.enqueue_indirect_dma source(%dma_start3A_61 : memref<1024x512xf32, #tpu.memory_space<hbm>>) target(%arg6 : memref<112x512xf32, #tpu.memory_space<vmem>>) offsets(%arg5 : memref<112xi32, #tpu.memory_space<vmem>>) semaphore(%arg7 : memref<!tpu.dma_semaphore, #tpu.memory_space<semaphore_mem>>)
    %dma_wait3A_62 = arith.constant 0 : i32
    %dma_wait3A_63 = arith.constant 0 : i32
    %dma_wait3A_64 = tpu.memref_slice %arg2[%dma_wait3A_62, %dma_wait3A_63] : memref<1024x512xf32, #tpu.memory_space<hbm>> -> memref<1024x512xf32, #tpu.memory_space<hbm>>
    tpu.wait_indirect_dma semaphore(%arg7 : memref<!tpu.dma_semaphore, #tpu.memory_space<semaphore_mem>>) src(%dma_wait3A_64 : memref<1024x512xf32, #tpu.memory_space<hbm>>) dst(%arg6 : memref<112x512xf32, #tpu.memory_space<vmem>>)
    "tpu.region"() ({
      %run_scoped3A = tpu.sem_alloc : memref<!tpu.dma_semaphore, #tpu.memory_space<semaphore_mem>>
      %dma_start3A_113 = arith.constant 0 : i32
      %dma_start3A_114 = tpu.memref_slice %arg4[%add3A_58, %dma_start3A_113] : memref<50176x512xf32, #tpu.memory_space<hbm>> -> memref<112x512xf32, #tpu.memory_space<hbm>>
      %dma_start3A_115 = arith.constant 0 : i32
      %dma_start3A_116 = tpu.memref_slice %arg4[%add3A_58, %dma_start3A_115] : memref<50176x512xf32, #tpu.memory_space<hbm>> -> memref<112x512xf32, #tpu.memory_space<hbm>>
      tpu.enqueue_dma source(%arg6 : memref<112x512xf32, #tpu.memory_space<vmem>>) target(%dma_start3A_116 : memref<112x512xf32, #tpu.memory_space<hbm>>) target_semaphore(%run_scoped3A : memref<!tpu.dma_semaphore, #tpu.memory_space<semaphore_mem>>)
      %dma_wait3A_117 = arith.constant 0 : i32
      %dma_wait3A_118 = tpu.memref_slice %arg4[%add3A_58, %dma_wait3A_117] : memref<50176x512xf32, #tpu.memory_space<hbm>> -> memref<112x512xf32, #tpu.memory_space<hbm>>
      %dma_wait3A_119 = arith.constant 0 : i32
      %dma_wait3A_120 = tpu.memref_slice %arg4[%add3A_58, %dma_wait3A_119] : memref<50176x512xf32, #tpu.memory_space<hbm>> -> memref<112x512xf32, #tpu.memory_space<hbm>>
      tpu.wait_dma2 semaphore(%run_scoped3A : memref<!tpu.dma_semaphore, #tpu.memory_space<semaphore_mem>>) src(%arg6 : memref<112x512xf32, #tpu.memory_space<vmem>>) dst(%dma_wait3A_120 : memref<112x512xf32, #tpu.memory_space<hbm>>)
      tpu.yield
    }) : () -> ()
    %add3A_65 = arith.constant 896 : i32
    %add3A_66 = arith.addi %mul3A_2, %add3A_65 : i32
    "tpu.region"() ({
      %run_scoped3A = tpu.sem_alloc : memref<!tpu.dma_semaphore, #tpu.memory_space<semaphore_mem>>
      %dma_start3A_113 = tpu.memref_slice %arg3[%add3A_66] : memref<50176xi32, #tpu.memory_space<hbm>> -> memref<112xi32, #tpu.memory_space<hbm>>
      %dma_start3A_114 = tpu.memref_slice %arg3[%add3A_66] : memref<50176xi32, #tpu.memory_space<hbm>> -> memref<112xi32, #tpu.memory_space<hbm>>
      tpu.enqueue_dma source(%dma_start3A_114 : memref<112xi32, #tpu.memory_space<hbm>>) target(%arg5 : memref<112xi32, #tpu.memory_space<vmem>>) target_semaphore(%run_scoped3A : memref<!tpu.dma_semaphore, #tpu.memory_space<semaphore_mem>>)
      %dma_wait3A_115 = tpu.memref_slice %arg3[%add3A_66] : memref<50176xi32, #tpu.memory_space<hbm>> -> memref<112xi32, #tpu.memory_space<hbm>>
      %dma_wait3A_116 = tpu.memref_slice %arg3[%add3A_66] : memref<50176xi32, #tpu.memory_space<hbm>> -> memref<112xi32, #tpu.memory_space<hbm>>
      tpu.wait_dma2 semaphore(%run_scoped3A : memref<!tpu.dma_semaphore, #tpu.memory_space<semaphore_mem>>) src(%dma_wait3A_116 : memref<112xi32, #tpu.memory_space<hbm>>) dst(%arg5 : memref<112xi32, #tpu.memory_space<vmem>>)
      tpu.yield
    }) : () -> ()
    %dma_start3A_67 = arith.constant 0 : i32
    %dma_start3A_68 = arith.constant 0 : i32
    %dma_start3A_69 = tpu.memref_slice %arg2[%dma_start3A_67, %dma_start3A_68] : memref<1024x512xf32, #tpu.memory_space<hbm>> -> memref<1024x512xf32, #tpu.memory_space<hbm>>
    tpu.enqueue_indirect_dma source(%dma_start3A_69 : memref<1024x512xf32, #tpu.memory_space<hbm>>) target(%arg6 : memref<112x512xf32, #tpu.memory_space<vmem>>) offsets(%arg5 : memref<112xi32, #tpu.memory_space<vmem>>) semaphore(%arg7 : memref<!tpu.dma_semaphore, #tpu.memory_space<semaphore_mem>>)
    %dma_wait3A_70 = arith.constant 0 : i32
    %dma_wait3A_71 = arith.constant 0 : i32
    %dma_wait3A_72 = tpu.memref_slice %arg2[%dma_wait3A_70, %dma_wait3A_71] : memref<1024x512xf32, #tpu.memory_space<hbm>> -> memref<1024x512xf32, #tpu.memory_space<hbm>>
    tpu.wait_indirect_dma semaphore(%arg7 : memref<!tpu.dma_semaphore, #tpu.memory_space<semaphore_mem>>) src(%dma_wait3A_72 : memref<1024x512xf32, #tpu.memory_space<hbm>>) dst(%arg6 : memref<112x512xf32, #tpu.memory_space<vmem>>)
    "tpu.region"() ({
      %run_scoped3A = tpu.sem_alloc : memref<!tpu.dma_semaphore, #tpu.memory_space<semaphore_mem>>
      %dma_start3A_113 = arith.constant 0 : i32
      %dma_start3A_114 = tpu.memref_slice %arg4[%add3A_66, %dma_start3A_113] : memref<50176x512xf32, #tpu.memory_space<hbm>> -> memref<112x512xf32, #tpu.memory_space<hbm>>
      %dma_start3A_115 = arith.constant 0 : i32
      %dma_start3A_116 = tpu.memref_slice %arg4[%add3A_66, %dma_start3A_115] : memref<50176x512xf32, #tpu.memory_space<hbm>> -> memref<112x512xf32, #tpu.memory_space<hbm>>
      tpu.enqueue_dma source(%arg6 : memref<112x512xf32, #tpu.memory_space<vmem>>) target(%dma_start3A_116 : memref<112x512xf32, #tpu.memory_space<hbm>>) target_semaphore(%run_scoped3A : memref<!tpu.dma_semaphore, #tpu.memory_space<semaphore_mem>>)
      %dma_wait3A_117 = arith.constant 0 : i32
      %dma_wait3A_118 = tpu.memref_slice %arg4[%add3A_66, %dma_wait3A_117] : memref<50176x512xf32, #tpu.memory_space<hbm>> -> memref<112x512xf32, #tpu.memory_space<hbm>>
      %dma_wait3A_119 = arith.constant 0 : i32
      %dma_wait3A_120 = tpu.memref_slice %arg4[%add3A_66, %dma_wait3A_119] : memref<50176x512xf32, #tpu.memory_space<hbm>> -> memref<112x512xf32, #tpu.memory_space<hbm>>
      tpu.wait_dma2 semaphore(%run_scoped3A : memref<!tpu.dma_semaphore, #tpu.memory_space<semaphore_mem>>) src(%arg6 : memref<112x512xf32, #tpu.memory_space<vmem>>) dst(%dma_wait3A_120 : memref<112x512xf32, #tpu.memory_space<hbm>>)
      tpu.yield
    }) : () -> ()
    %add3A_73 = arith.constant 1008 : i32
    %add3A_74 = arith.addi %mul3A_2, %add3A_73 : i32
    "tpu.region"() ({
      %run_scoped3A = tpu.sem_alloc : memref<!tpu.dma_semaphore, #tpu.memory_space<semaphore_mem>>
      %dma_start3A_113 = tpu.memref_slice %arg3[%add3A_74] : memref<50176xi32, #tpu.memory_space<hbm>> -> memref<112xi32, #tpu.memory_space<hbm>>
      %dma_start3A_114 = tpu.memref_slice %arg3[%add3A_74] : memref<50176xi32, #tpu.memory_space<hbm>> -> memref<112xi32, #tpu.memory_space<hbm>>
      tpu.enqueue_dma source(%dma_start3A_114 : memref<112xi32, #tpu.memory_space<hbm>>) target(%arg5 : memref<112xi32, #tpu.memory_space<vmem>>) target_semaphore(%run_scoped3A : memref<!tpu.dma_semaphore, #tpu.memory_space<semaphore_mem>>)
      %dma_wait3A_115 = tpu.memref_slice %arg3[%add3A_74] : memref<50176xi32, #tpu.memory_space<hbm>> -> memref<112xi32, #tpu.memory_space<hbm>>
      %dma_wait3A_116 = tpu.memref_slice %arg3[%add3A_74] : memref<50176xi32, #tpu.memory_space<hbm>> -> memref<112xi32, #tpu.memory_space<hbm>>
      tpu.wait_dma2 semaphore(%run_scoped3A : memref<!tpu.dma_semaphore, #tpu.memory_space<semaphore_mem>>) src(%dma_wait3A_116 : memref<112xi32, #tpu.memory_space<hbm>>) dst(%arg5 : memref<112xi32, #tpu.memory_space<vmem>>)
      tpu.yield
    }) : () -> ()
    %dma_start3A_75 = arith.constant 0 : i32
    %dma_start3A_76 = arith.constant 0 : i32
    %dma_start3A_77 = tpu.memref_slice %arg2[%dma_start3A_75, %dma_start3A_76] : memref<1024x512xf32, #tpu.memory_space<hbm>> -> memref<1024x512xf32, #tpu.memory_space<hbm>>
    tpu.enqueue_indirect_dma source(%dma_start3A_77 : memref<1024x512xf32, #tpu.memory_space<hbm>>) target(%arg6 : memref<112x512xf32, #tpu.memory_space<vmem>>) offsets(%arg5 : memref<112xi32, #tpu.memory_space<vmem>>) semaphore(%arg7 : memref<!tpu.dma_semaphore, #tpu.memory_space<semaphore_mem>>)
    %dma_wait3A_78 = arith.constant 0 : i32
    %dma_wait3A_79 = arith.constant 0 : i32
    %dma_wait3A_80 = tpu.memref_slice %arg2[%dma_wait3A_78, %dma_wait3A_79] : memref<1024x512xf32, #tpu.memory_space<hbm>> -> memref<1024x512xf32, #tpu.memory_space<hbm>>
    tpu.wait_indirect_dma semaphore(%arg7 : memref<!tpu.dma_semaphore, #tpu.memory_space<semaphore_mem>>) src(%dma_wait3A_80 : memref<1024x512xf32, #tpu.memory_space<hbm>>) dst(%arg6 : memref<112x512xf32, #tpu.memory_space<vmem>>)
    "tpu.region"() ({
      %run_scoped3A = tpu.sem_alloc : memref<!tpu.dma_semaphore, #tpu.memory_space<semaphore_mem>>
      %dma_start3A_113 = arith.constant 0 : i32
      %dma_start3A_114 = tpu.memref_slice %arg4[%add3A_74, %dma_start3A_113] : memref<50176x512xf32, #tpu.memory_space<hbm>> -> memref<112x512xf32, #tpu.memory_space<hbm>>
      %dma_start3A_115 = arith.constant 0 : i32
      %dma_start3A_116 = tpu.memref_slice %arg4[%add3A_74, %dma_start3A_115] : memref<50176x512xf32, #tpu.memory_space<hbm>> -> memref<112x512xf32, #tpu.memory_space<hbm>>
      tpu.enqueue_dma source(%arg6 : memref<112x512xf32, #tpu.memory_space<vmem>>) target(%dma_start3A_116 : memref<112x512xf32, #tpu.memory_space<hbm>>) target_semaphore(%run_scoped3A : memref<!tpu.dma_semaphore, #tpu.memory_space<semaphore_mem>>)
      %dma_wait3A_117 = arith.constant 0 : i32
      %dma_wait3A_118 = tpu.memref_slice %arg4[%add3A_74, %dma_wait3A_117] : memref<50176x512xf32, #tpu.memory_space<hbm>> -> memref<112x512xf32, #tpu.memory_space<hbm>>
      %dma_wait3A_119 = arith.constant 0 : i32
      %dma_wait3A_120 = tpu.memref_slice %arg4[%add3A_74, %dma_wait3A_119] : memref<50176x512xf32, #tpu.memory_space<hbm>> -> memref<112x512xf32, #tpu.memory_space<hbm>>
      tpu.wait_dma2 semaphore(%run_scoped3A : memref<!tpu.dma_semaphore, #tpu.memory_space<semaphore_mem>>) src(%arg6 : memref<112x512xf32, #tpu.memory_space<vmem>>) dst(%dma_wait3A_120 : memref<112x512xf32, #tpu.memory_space<hbm>>)
      tpu.yield
    }) : () -> ()
    %add3A_81 = arith.constant 1120 : i32
    %add3A_82 = arith.addi %mul3A_2, %add3A_81 : i32
    "tpu.region"() ({
      %run_scoped3A = tpu.sem_alloc : memref<!tpu.dma_semaphore, #tpu.memory_space<semaphore_mem>>
      %dma_start3A_113 = tpu.memref_slice %arg3[%add3A_82] : memref<50176xi32, #tpu.memory_space<hbm>> -> memref<112xi32, #tpu.memory_space<hbm>>
      %dma_start3A_114 = tpu.memref_slice %arg3[%add3A_82] : memref<50176xi32, #tpu.memory_space<hbm>> -> memref<112xi32, #tpu.memory_space<hbm>>
      tpu.enqueue_dma source(%dma_start3A_114 : memref<112xi32, #tpu.memory_space<hbm>>) target(%arg5 : memref<112xi32, #tpu.memory_space<vmem>>) target_semaphore(%run_scoped3A : memref<!tpu.dma_semaphore, #tpu.memory_space<semaphore_mem>>)
      %dma_wait3A_115 = tpu.memref_slice %arg3[%add3A_82] : memref<50176xi32, #tpu.memory_space<hbm>> -> memref<112xi32, #tpu.memory_space<hbm>>
      %dma_wait3A_116 = tpu.memref_slice %arg3[%add3A_82] : memref<50176xi32, #tpu.memory_space<hbm>> -> memref<112xi32, #tpu.memory_space<hbm>>
      tpu.wait_dma2 semaphore(%run_scoped3A : memref<!tpu.dma_semaphore, #tpu.memory_space<semaphore_mem>>) src(%dma_wait3A_116 : memref<112xi32, #tpu.memory_space<hbm>>) dst(%arg5 : memref<112xi32, #tpu.memory_space<vmem>>)
      tpu.yield
    }) : () -> ()
    %dma_start3A_83 = arith.constant 0 : i32
    %dma_start3A_84 = arith.constant 0 : i32
    %dma_start3A_85 = tpu.memref_slice %arg2[%dma_start3A_83, %dma_start3A_84] : memref<1024x512xf32, #tpu.memory_space<hbm>> -> memref<1024x512xf32, #tpu.memory_space<hbm>>
    tpu.enqueue_indirect_dma source(%dma_start3A_85 : memref<1024x512xf32, #tpu.memory_space<hbm>>) target(%arg6 : memref<112x512xf32, #tpu.memory_space<vmem>>) offsets(%arg5 : memref<112xi32, #tpu.memory_space<vmem>>) semaphore(%arg7 : memref<!tpu.dma_semaphore, #tpu.memory_space<semaphore_mem>>)
    %dma_wait3A_86 = arith.constant 0 : i32
    %dma_wait3A_87 = arith.constant 0 : i32
    %dma_wait3A_88 = tpu.memref_slice %arg2[%dma_wait3A_86, %dma_wait3A_87] : memref<1024x512xf32, #tpu.memory_space<hbm>> -> memref<1024x512xf32, #tpu.memory_space<hbm>>
    tpu.wait_indirect_dma semaphore(%arg7 : memref<!tpu.dma_semaphore, #tpu.memory_space<semaphore_mem>>) src(%dma_wait3A_88 : memref<1024x512xf32, #tpu.memory_space<hbm>>) dst(%arg6 : memref<112x512xf32, #tpu.memory_space<vmem>>)
    "tpu.region"() ({
      %run_scoped3A = tpu.sem_alloc : memref<!tpu.dma_semaphore, #tpu.memory_space<semaphore_mem>>
      %dma_start3A_113 = arith.constant 0 : i32
      %dma_start3A_114 = tpu.memref_slice %arg4[%add3A_82, %dma_start3A_113] : memref<50176x512xf32, #tpu.memory_space<hbm>> -> memref<112x512xf32, #tpu.memory_space<hbm>>
      %dma_start3A_115 = arith.constant 0 : i32
      %dma_start3A_116 = tpu.memref_slice %arg4[%add3A_82, %dma_start3A_115] : memref<50176x512xf32, #tpu.memory_space<hbm>> -> memref<112x512xf32, #tpu.memory_space<hbm>>
      tpu.enqueue_dma source(%arg6 : memref<112x512xf32, #tpu.memory_space<vmem>>) target(%dma_start3A_116 : memref<112x512xf32, #tpu.memory_space<hbm>>) target_semaphore(%run_scoped3A : memref<!tpu.dma_semaphore, #tpu.memory_space<semaphore_mem>>)
      %dma_wait3A_117 = arith.constant 0 : i32
      %dma_wait3A_118 = tpu.memref_slice %arg4[%add3A_82, %dma_wait3A_117] : memref<50176x512xf32, #tpu.memory_space<hbm>> -> memref<112x512xf32, #tpu.memory_space<hbm>>
      %dma_wait3A_119 = arith.constant 0 : i32
      %dma_wait3A_120 = tpu.memref_slice %arg4[%add3A_82, %dma_wait3A_119] : memref<50176x512xf32, #tpu.memory_space<hbm>> -> memref<112x512xf32, #tpu.memory_space<hbm>>
      tpu.wait_dma2 semaphore(%run_scoped3A : memref<!tpu.dma_semaphore, #tpu.memory_space<semaphore_mem>>) src(%arg6 : memref<112x512xf32, #tpu.memory_space<vmem>>) dst(%dma_wait3A_120 : memref<112x512xf32, #tpu.memory_space<hbm>>)
      tpu.yield
    }) : () -> ()
    %add3A_89 = arith.constant 1232 : i32
    %add3A_90 = arith.addi %mul3A_2, %add3A_89 : i32
    "tpu.region"() ({
      %run_scoped3A = tpu.sem_alloc : memref<!tpu.dma_semaphore, #tpu.memory_space<semaphore_mem>>
      %dma_start3A_113 = tpu.memref_slice %arg3[%add3A_90] : memref<50176xi32, #tpu.memory_space<hbm>> -> memref<112xi32, #tpu.memory_space<hbm>>
      %dma_start3A_114 = tpu.memref_slice %arg3[%add3A_90] : memref<50176xi32, #tpu.memory_space<hbm>> -> memref<112xi32, #tpu.memory_space<hbm>>
      tpu.enqueue_dma source(%dma_start3A_114 : memref<112xi32, #tpu.memory_space<hbm>>) target(%arg5 : memref<112xi32, #tpu.memory_space<vmem>>) target_semaphore(%run_scoped3A : memref<!tpu.dma_semaphore, #tpu.memory_space<semaphore_mem>>)
      %dma_wait3A_115 = tpu.memref_slice %arg3[%add3A_90] : memref<50176xi32, #tpu.memory_space<hbm>> -> memref<112xi32, #tpu.memory_space<hbm>>
      %dma_wait3A_116 = tpu.memref_slice %arg3[%add3A_90] : memref<50176xi32, #tpu.memory_space<hbm>> -> memref<112xi32, #tpu.memory_space<hbm>>
      tpu.wait_dma2 semaphore(%run_scoped3A : memref<!tpu.dma_semaphore, #tpu.memory_space<semaphore_mem>>) src(%dma_wait3A_116 : memref<112xi32, #tpu.memory_space<hbm>>) dst(%arg5 : memref<112xi32, #tpu.memory_space<vmem>>)
      tpu.yield
    }) : () -> ()
    %dma_start3A_91 = arith.constant 0 : i32
    %dma_start3A_92 = arith.constant 0 : i32
    %dma_start3A_93 = tpu.memref_slice %arg2[%dma_start3A_91, %dma_start3A_92] : memref<1024x512xf32, #tpu.memory_space<hbm>> -> memref<1024x512xf32, #tpu.memory_space<hbm>>
    tpu.enqueue_indirect_dma source(%dma_start3A_93 : memref<1024x512xf32, #tpu.memory_space<hbm>>) target(%arg6 : memref<112x512xf32, #tpu.memory_space<vmem>>) offsets(%arg5 : memref<112xi32, #tpu.memory_space<vmem>>) semaphore(%arg7 : memref<!tpu.dma_semaphore, #tpu.memory_space<semaphore_mem>>)
    %dma_wait3A_94 = arith.constant 0 : i32
    %dma_wait3A_95 = arith.constant 0 : i32
    %dma_wait3A_96 = tpu.memref_slice %arg2[%dma_wait3A_94, %dma_wait3A_95] : memref<1024x512xf32, #tpu.memory_space<hbm>> -> memref<1024x512xf32, #tpu.memory_space<hbm>>
    tpu.wait_indirect_dma semaphore(%arg7 : memref<!tpu.dma_semaphore, #tpu.memory_space<semaphore_mem>>) src(%dma_wait3A_96 : memref<1024x512xf32, #tpu.memory_space<hbm>>) dst(%arg6 : memref<112x512xf32, #tpu.memory_space<vmem>>)
    "tpu.region"() ({
      %run_scoped3A = tpu.sem_alloc : memref<!tpu.dma_semaphore, #tpu.memory_space<semaphore_mem>>
      %dma_start3A_113 = arith.constant 0 : i32
      %dma_start3A_114 = tpu.memref_slice %arg4[%add3A_90, %dma_start3A_113] : memref<50176x512xf32, #tpu.memory_space<hbm>> -> memref<112x512xf32, #tpu.memory_space<hbm>>
      %dma_start3A_115 = arith.constant 0 : i32
      %dma_start3A_116 = tpu.memref_slice %arg4[%add3A_90, %dma_start3A_115] : memref<50176x512xf32, #tpu.memory_space<hbm>> -> memref<112x512xf32, #tpu.memory_space<hbm>>
      tpu.enqueue_dma source(%arg6 : memref<112x512xf32, #tpu.memory_space<vmem>>) target(%dma_start3A_116 : memref<112x512xf32, #tpu.memory_space<hbm>>) target_semaphore(%run_scoped3A : memref<!tpu.dma_semaphore, #tpu.memory_space<semaphore_mem>>)
      %dma_wait3A_117 = arith.constant 0 : i32
      %dma_wait3A_118 = tpu.memref_slice %arg4[%add3A_90, %dma_wait3A_117] : memref<50176x512xf32, #tpu.memory_space<hbm>> -> memref<112x512xf32, #tpu.memory_space<hbm>>
      %dma_wait3A_119 = arith.constant 0 : i32
      %dma_wait3A_120 = tpu.memref_slice %arg4[%add3A_90, %dma_wait3A_119] : memref<50176x512xf32, #tpu.memory_space<hbm>> -> memref<112x512xf32, #tpu.memory_space<hbm>>
      tpu.wait_dma2 semaphore(%run_scoped3A : memref<!tpu.dma_semaphore, #tpu.memory_space<semaphore_mem>>) src(%arg6 : memref<112x512xf32, #tpu.memory_space<vmem>>) dst(%dma_wait3A_120 : memref<112x512xf32, #tpu.memory_space<hbm>>)
      tpu.yield
    }) : () -> ()
    %add3A_97 = arith.constant 1344 : i32
    %add3A_98 = arith.addi %mul3A_2, %add3A_97 : i32
    "tpu.region"() ({
      %run_scoped3A = tpu.sem_alloc : memref<!tpu.dma_semaphore, #tpu.memory_space<semaphore_mem>>
      %dma_start3A_113 = tpu.memref_slice %arg3[%add3A_98] : memref<50176xi32, #tpu.memory_space<hbm>> -> memref<112xi32, #tpu.memory_space<hbm>>
      %dma_start3A_114 = tpu.memref_slice %arg3[%add3A_98] : memref<50176xi32, #tpu.memory_space<hbm>> -> memref<112xi32, #tpu.memory_space<hbm>>
      tpu.enqueue_dma source(%dma_start3A_114 : memref<112xi32, #tpu.memory_space<hbm>>) target(%arg5 : memref<112xi32, #tpu.memory_space<vmem>>) target_semaphore(%run_scoped3A : memref<!tpu.dma_semaphore, #tpu.memory_space<semaphore_mem>>)
      %dma_wait3A_115 = tpu.memref_slice %arg3[%add3A_98] : memref<50176xi32, #tpu.memory_space<hbm>> -> memref<112xi32, #tpu.memory_space<hbm>>
      %dma_wait3A_116 = tpu.memref_slice %arg3[%add3A_98] : memref<50176xi32, #tpu.memory_space<hbm>> -> memref<112xi32, #tpu.memory_space<hbm>>
      tpu.wait_dma2 semaphore(%run_scoped3A : memref<!tpu.dma_semaphore, #tpu.memory_space<semaphore_mem>>) src(%dma_wait3A_116 : memref<112xi32, #tpu.memory_space<hbm>>) dst(%arg5 : memref<112xi32, #tpu.memory_space<vmem>>)
      tpu.yield
    }) : () -> ()
    %dma_start3A_99 = arith.constant 0 : i32
    %dma_start3A_100 = arith.constant 0 : i32
    %dma_start3A_101 = tpu.memref_slice %arg2[%dma_start3A_99, %dma_start3A_100] : memref<1024x512xf32, #tpu.memory_space<hbm>> -> memref<1024x512xf32, #tpu.memory_space<hbm>>
    tpu.enqueue_indirect_dma source(%dma_start3A_101 : memref<1024x512xf32, #tpu.memory_space<hbm>>) target(%arg6 : memref<112x512xf32, #tpu.memory_space<vmem>>) offsets(%arg5 : memref<112xi32, #tpu.memory_space<vmem>>) semaphore(%arg7 : memref<!tpu.dma_semaphore, #tpu.memory_space<semaphore_mem>>)
    %dma_wait3A_102 = arith.constant 0 : i32
    %dma_wait3A_103 = arith.constant 0 : i32
    %dma_wait3A_104 = tpu.memref_slice %arg2[%dma_wait3A_102, %dma_wait3A_103] : memref<1024x512xf32, #tpu.memory_space<hbm>> -> memref<1024x512xf32, #tpu.memory_space<hbm>>
    tpu.wait_indirect_dma semaphore(%arg7 : memref<!tpu.dma_semaphore, #tpu.memory_space<semaphore_mem>>) src(%dma_wait3A_104 : memref<1024x512xf32, #tpu.memory_space<hbm>>) dst(%arg6 : memref<112x512xf32, #tpu.memory_space<vmem>>)
    "tpu.region"() ({
      %run_scoped3A = tpu.sem_alloc : memref<!tpu.dma_semaphore, #tpu.memory_space<semaphore_mem>>
      %dma_start3A_113 = arith.constant 0 : i32
      %dma_start3A_114 = tpu.memref_slice %arg4[%add3A_98, %dma_start3A_113] : memref<50176x512xf32, #tpu.memory_space<hbm>> -> memref<112x512xf32, #tpu.memory_space<hbm>>
      %dma_start3A_115 = arith.constant 0 : i32
      %dma_start3A_116 = tpu.memref_slice %arg4[%add3A_98, %dma_start3A_115] : memref<50176x512xf32, #tpu.memory_space<hbm>> -> memref<112x512xf32, #tpu.memory_space<hbm>>
      tpu.enqueue_dma source(%arg6 : memref<112x512xf32, #tpu.memory_space<vmem>>) target(%dma_start3A_116 : memref<112x512xf32, #tpu.memory_space<hbm>>) target_semaphore(%run_scoped3A : memref<!tpu.dma_semaphore, #tpu.memory_space<semaphore_mem>>)
      %dma_wait3A_117 = arith.constant 0 : i32
      %dma_wait3A_118 = tpu.memref_slice %arg4[%add3A_98, %dma_wait3A_117] : memref<50176x512xf32, #tpu.memory_space<hbm>> -> memref<112x512xf32, #tpu.memory_space<hbm>>
      %dma_wait3A_119 = arith.constant 0 : i32
      %dma_wait3A_120 = tpu.memref_slice %arg4[%add3A_98, %dma_wait3A_119] : memref<50176x512xf32, #tpu.memory_space<hbm>> -> memref<112x512xf32, #tpu.memory_space<hbm>>
      tpu.wait_dma2 semaphore(%run_scoped3A : memref<!tpu.dma_semaphore, #tpu.memory_space<semaphore_mem>>) src(%arg6 : memref<112x512xf32, #tpu.memory_space<vmem>>) dst(%dma_wait3A_120 : memref<112x512xf32, #tpu.memory_space<hbm>>)
      tpu.yield
    }) : () -> ()
    %add3A_105 = arith.constant 1456 : i32
    %add3A_106 = arith.addi %mul3A_2, %add3A_105 : i32
    "tpu.region"() ({
      %run_scoped3A = tpu.sem_alloc : memref<!tpu.dma_semaphore, #tpu.memory_space<semaphore_mem>>
      %dma_start3A_113 = tpu.memref_slice %arg3[%add3A_106] : memref<50176xi32, #tpu.memory_space<hbm>> -> memref<112xi32, #tpu.memory_space<hbm>>
      %dma_start3A_114 = tpu.memref_slice %arg3[%add3A_106] : memref<50176xi32, #tpu.memory_space<hbm>> -> memref<112xi32, #tpu.memory_space<hbm>>
      tpu.enqueue_dma source(%dma_start3A_114 : memref<112xi32, #tpu.memory_space<hbm>>) target(%arg5 : memref<112xi32, #tpu.memory_space<vmem>>) target_semaphore(%run_scoped3A : memref<!tpu.dma_semaphore, #tpu.memory_space<semaphore_mem>>)
      %dma_wait3A_115 = tpu.memref_slice %arg3[%add3A_106] : memref<50176xi32, #tpu.memory_space<hbm>> -> memref<112xi32, #tpu.memory_space<hbm>>
      %dma_wait3A_116 = tpu.memref_slice %arg3[%add3A_106] : memref<50176xi32, #tpu.memory_space<hbm>> -> memref<112xi32, #tpu.memory_space<hbm>>
      tpu.wait_dma2 semaphore(%run_scoped3A : memref<!tpu.dma_semaphore, #tpu.memory_space<semaphore_mem>>) src(%dma_wait3A_116 : memref<112xi32, #tpu.memory_space<hbm>>) dst(%arg5 : memref<112xi32, #tpu.memory_space<vmem>>)
      tpu.yield
    }) : () -> ()
    %dma_start3A_107 = arith.constant 0 : i32
    %dma_start3A_108 = arith.constant 0 : i32
    %dma_start3A_109 = tpu.memref_slice %arg2[%dma_start3A_107, %dma_start3A_108] : memref<1024x512xf32, #tpu.memory_space<hbm>> -> memref<1024x512xf32, #tpu.memory_space<hbm>>
    tpu.enqueue_indirect_dma source(%dma_start3A_109 : memref<1024x512xf32, #tpu.memory_space<hbm>>) target(%arg6 : memref<112x512xf32, #tpu.memory_space<vmem>>) offsets(%arg5 : memref<112xi32, #tpu.memory_space<vmem>>) semaphore(%arg7 : memref<!tpu.dma_semaphore, #tpu.memory_space<semaphore_mem>>)
    %dma_wait3A_110 = arith.constant 0 : i32
    %dma_wait3A_111 = arith.constant 0 : i32
    %dma_wait3A_112 = tpu.memref_slice %arg2[%dma_wait3A_110, %dma_wait3A_111] : memref<1024x512xf32, #tpu.memory_space<hbm>> -> memref<1024x512xf32, #tpu.memory_space<hbm>>
    tpu.wait_indirect_dma semaphore(%arg7 : memref<!tpu.dma_semaphore, #tpu.memory_space<semaphore_mem>>) src(%dma_wait3A_112 : memref<1024x512xf32, #tpu.memory_space<hbm>>) dst(%arg6 : memref<112x512xf32, #tpu.memory_space<vmem>>)
    "tpu.region"() ({
      %run_scoped3A = tpu.sem_alloc : memref<!tpu.dma_semaphore, #tpu.memory_space<semaphore_mem>>
      %dma_start3A_113 = arith.constant 0 : i32
      %dma_start3A_114 = tpu.memref_slice %arg4[%add3A_106, %dma_start3A_113] : memref<50176x512xf32, #tpu.memory_space<hbm>> -> memref<112x512xf32, #tpu.memory_space<hbm>>
      %dma_start3A_115 = arith.constant 0 : i32
      %dma_start3A_116 = tpu.memref_slice %arg4[%add3A_106, %dma_start3A_115] : memref<50176x512xf32, #tpu.memory_space<hbm>> -> memref<112x512xf32, #tpu.memory_space<hbm>>
      tpu.enqueue_dma source(%arg6 : memref<112x512xf32, #tpu.memory_space<vmem>>) target(%dma_start3A_116 : memref<112x512xf32, #tpu.memory_space<hbm>>) target_semaphore(%run_scoped3A : memref<!tpu.dma_semaphore, #tpu.memory_space<semaphore_mem>>)
      %dma_wait3A_117 = arith.constant 0 : i32
      %dma_wait3A_118 = tpu.memref_slice %arg4[%add3A_106, %dma_wait3A_117] : memref<50176x512xf32, #tpu.memory_space<hbm>> -> memref<112x512xf32, #tpu.memory_space<hbm>>
      %dma_wait3A_119 = arith.constant 0 : i32
      %dma_wait3A_120 = tpu.memref_slice %arg4[%add3A_106, %dma_wait3A_119] : memref<50176x512xf32, #tpu.memory_space<hbm>> -> memref<112x512xf32, #tpu.memory_space<hbm>>
      tpu.wait_dma2 semaphore(%run_scoped3A : memref<!tpu.dma_semaphore, #tpu.memory_space<semaphore_mem>>) src(%arg6 : memref<112x512xf32, #tpu.memory_space<vmem>>) dst(%dma_wait3A_120 : memref<112x512xf32, #tpu.memory_space<hbm>>)
      tpu.yield
    }) : () -> ()
    return
  }
}

module attributes {stable_mosaic.version = 14 : i64} {
  func.func @_proj_body(%arg0: i32, %arg1: memref<1024x512xf32, #tpu.memory_space<vmem>>, %arg2: memref<1024x512xf32, #tpu.memory_space<vmem>>, %arg3: memref<512x512xf32, #tpu.memory_space<vmem>>, %arg4: memref<1x512xf32, #tpu.memory_space<vmem>>, %arg5: memref<512x512xf32, #tpu.memory_space<vmem>>, %arg6: memref<1x512xf32, #tpu.memory_space<vmem>>, %arg7: memref<1024x512xf32, #tpu.memory_space<vmem>>, %arg8: memref<1024x512xbf16, #tpu.memory_space<vmem>>) attributes {dimension_semantics = [#tpu.dimension_semantics<arbitrary>], iteration_bounds = array<i64: 1>, scalar_prefetch = 0 : i64, scratch_operands = 0 : i64, tpu.core_type = #tpu.core_type<tc>, window_params = [{pipeline_mode = #tpu.pipeline_mode<synchronous>, transform_indices = @transform_0, window_bounds = array<i64: 1024, 512>}, {pipeline_mode = #tpu.pipeline_mode<synchronous>, transform_indices = @transform_1, window_bounds = array<i64: 1024, 512>}, {pipeline_mode = #tpu.pipeline_mode<synchronous>, transform_indices = @transform_2, window_bounds = array<i64: 512, 512>}, {pipeline_mode = #tpu.pipeline_mode<synchronous>, transform_indices = @transform_3, window_bounds = array<i64: 1, 512>}, {pipeline_mode = #tpu.pipeline_mode<synchronous>, transform_indices = @transform_4, window_bounds = array<i64: 512, 512>}, {pipeline_mode = #tpu.pipeline_mode<synchronous>, transform_indices = @transform_5, window_bounds = array<i64: 1, 512>}, {pipeline_mode = #tpu.pipeline_mode<synchronous>, transform_indices = @transform_6, window_bounds = array<i64: 1024, 512>}, {pipeline_mode = #tpu.pipeline_mode<synchronous>, transform_indices = @transform_7, window_bounds = array<i64: 1024, 512>}]} {
    %get3A = arith.constant 0 : index
    %get3A_0 = arith.constant 0 : index
    %get3A_1 = vector.load %arg1[%get3A, %get3A_0] : memref<1024x512xf32, #tpu.memory_space<vmem>>, vector<1024x512xf32>
    %get3A_2 = arith.constant 0 : index
    %get3A_3 = arith.constant 0 : index
    %get3A_4 = vector.load %arg3[%get3A_2, %get3A_3] : memref<512x512xf32, #tpu.memory_space<vmem>>, vector<512x512xf32>
    %dot_general3A = arith.constant dense<0.000000e+00> : vector<1024x512xf32>
    %dot_general3A_5 = tpu.matmul %get3A_1, %get3A_4, %dot_general3A {dimension_numbers = #tpu.dot_dimension_numbers<[1], [1], [0], [0], [0, 0, 1, 0], [], []>, transpose_lhs_hint = false} : vector<1024x512xf32>, vector<512x512xf32>, vector<1024x512xf32> -> vector<1024x512xf32>
    %get3A_6 = arith.constant 0 : index
    %get3A_7 = arith.constant 0 : index
    %get3A_8 = vector.load %arg4[%get3A_6, %get3A_7] : memref<1x512xf32, #tpu.memory_space<vmem>>, vector<1x512xf32>
    %add3A = vector.broadcast %get3A_8 : vector<1x512xf32> to vector<1024x512xf32>
    %add3A_9 = arith.addf %dot_general3A_5, %add3A : vector<1024x512xf32>
    %swap3A = arith.constant 0 : index
    %swap3A_10 = arith.constant 0 : index
    %swap3A_11 = vector.load %arg7[%swap3A, %swap3A_10] : memref<1024x512xf32, #tpu.memory_space<vmem>>, vector<1024x512xf32>
    tpu.vector_store %arg7[%swap3A, %swap3A_10], %add3A_9 {strides = array<i32>} : memref<1024x512xf32, #tpu.memory_space<vmem>>, vector<1024x512xf32>,
    %get3A_12 = arith.constant 0 : index
    %get3A_13 = arith.constant 0 : index
    %get3A_14 = vector.load %arg2[%get3A_12, %get3A_13] : memref<1024x512xf32, #tpu.memory_space<vmem>>, vector<1024x512xf32>
    %get3A_15 = arith.constant 0 : index
    %get3A_16 = arith.constant 0 : index
    %get3A_17 = vector.load %arg5[%get3A_15, %get3A_16] : memref<512x512xf32, #tpu.memory_space<vmem>>, vector<512x512xf32>
    %dot_general3A_18 = arith.constant dense<0.000000e+00> : vector<1024x512xf32>
    %dot_general3A_19 = tpu.matmul %get3A_14, %get3A_17, %dot_general3A_18 {dimension_numbers = #tpu.dot_dimension_numbers<[1], [1], [0], [0], [0, 0, 1, 0], [], []>, transpose_lhs_hint = false} : vector<1024x512xf32>, vector<512x512xf32>, vector<1024x512xf32> -> vector<1024x512xf32>
    %get3A_20 = arith.constant 0 : index
    %get3A_21 = arith.constant 0 : index
    %get3A_22 = vector.load %arg6[%get3A_20, %get3A_21] : memref<1x512xf32, #tpu.memory_space<vmem>>, vector<1x512xf32>
    %add3A_23 = vector.broadcast %get3A_22 : vector<1x512xf32> to vector<1024x512xf32>
    %add3A_24 = arith.addf %dot_general3A_19, %add3A_23 : vector<1024x512xf32>
    %convert_element_type3A = arith.truncf %add3A_24 : vector<1024x512xf32> to vector<1024x512xbf16>
    %swap3A_25 = arith.constant 0 : index
    %swap3A_26 = arith.constant 0 : index
    %swap3A_27 = vector.load %arg8[%swap3A_25, %swap3A_26] : memref<1024x512xbf16, #tpu.memory_space<vmem>>, vector<1024x512xbf16>
    tpu.vector_store %arg8[%swap3A_25, %swap3A_26], %convert_element_type3A {strides = array<i32>} : memref<1024x512xbf16, #tpu.memory_space<vmem>>, vector<1024x512xbf16>,
    return
  }
  func.func @transform_0(%arg0: i32) -> (i32, i32) {
    %c0_i32 = arith.constant 0 : i32
    %c0_i32_0 = arith.constant 0 : i32
    %c0_i32_1 = arith.constant 0 : i32
    return %c0_i32, %c0_i32_0 : i32, i32
  }
  func.func @transform_1(%arg0: i32) -> (i32, i32) {
    %c0_i32 = arith.constant 0 : i32
    %c0_i32_0 = arith.constant 0 : i32
    %c0_i32_1 = arith.constant 0 : i32
    return %c0_i32, %c0_i32_0 : i32, i32
  }
  func.func @transform_2(%arg0: i32) -> (i32, i32) {
    %c0_i32 = arith.constant 0 : i32
    %c0_i32_0 = arith.constant 0 : i32
    %c0_i32_1 = arith.constant 0 : i32
    return %c0_i32, %c0_i32_0 : i32, i32
  }
  func.func @transform_3(%arg0: i32) -> (i32, i32) {
    %c0_i32 = arith.constant 0 : i32
    %c0_i32_0 = arith.constant 0 : i32
    %c0_i32_1 = arith.constant 0 : i32
    return %c0_i32, %c0_i32_0 : i32, i32
  }
  func.func @transform_4(%arg0: i32) -> (i32, i32) {
    %c0_i32 = arith.constant 0 : i32
    %c0_i32_0 = arith.constant 0 : i32
    %c0_i32_1 = arith.constant 0 : i32
    return %c0_i32, %c0_i32_0 : i32, i32
  }
  func.func @transform_5(%arg0: i32) -> (i32, i32) {
    %c0_i32 = arith.constant 0 : i32
    %c0_i32_0 = arith.constant 0 : i32
    %c0_i32_1 = arith.constant 0 : i32
    return %c0_i32, %c0_i32_0 : i32, i32
  }
  func.func @transform_6(%arg0: i32) -> (i32, i32) {
    %c0_i32 = arith.constant 0 : i32
    %c0_i32_0 = arith.constant 0 : i32
    %c0_i32_1 = arith.constant 0 : i32
    return %c0_i32, %c0_i32_0 : i32, i32
  }
  func.func @transform_7(%arg0: i32) -> (i32, i32) {
    %c0_i32 = arith.constant 0 : i32
    %c0_i32_0 = arith.constant 0 : i32
    %c0_i32_1 = arith.constant 0 : i32
    return %c0_i32, %c0_i32_0 : i32, i32
  }
}

module attributes {stable_mosaic.version = 14 : i64} {
  func.func @_pass1_body(%arg0: i32, %arg1: memref<98xi32, #tpu.memory_space<smem>>, %arg2: memref<98xi32, #tpu.memory_space<smem>>, %arg3: memref<512x512xf32, #tpu.memory_space<vmem>>, %arg4: memref<1x1x512xi32, #tpu.memory_space<vmem>>, %arg5: memref<512x512xf32, #tpu.memory_space<vmem>>, %arg6: memref<512x512xbf16, #tpu.memory_space<vmem>>, %arg7: memref<1x512xf32, #tpu.memory_space<vmem>>, %arg8: memref<512x512xbf16, #tpu.memory_space<vmem>>, %arg9: memref<1024x512xf32, #tpu.memory_space<vmem>>) attributes {dimension_semantics = [#tpu.dimension_semantics<arbitrary>], iteration_bounds = array<i64: 98>, scalar_prefetch = 0 : i64, scratch_operands = 0 : i64, tpu.core_type = #tpu.core_type<tc>, window_params = [{transform_indices = @transform_0, window_bounds = array<i64: 98>}, {transform_indices = @transform_1, window_bounds = array<i64: 98>}, {transform_indices = @transform_2, window_bounds = array<i64: 512, 512>}, {transform_indices = @transform_3, window_bounds = array<i64: 1, 1, 512>}, {transform_indices = @transform_4, window_bounds = array<i64: 512, 512>}, {pipeline_mode = #tpu.pipeline_mode<synchronous>, transform_indices = @transform_5, window_bounds = array<i64: 512, 512>}, {pipeline_mode = #tpu.pipeline_mode<synchronous>, transform_indices = @transform_6, window_bounds = array<i64: 1, 512>}, {transform_indices = @transform_7, window_bounds = array<i64: 512, 512>}, {pipeline_mode = #tpu.pipeline_mode<synchronous>, transform_indices = @transform_8, window_bounds = array<i64: 1024, 512>}]} {
    %get3A = arith.constant 0 : index
    %get3A_0 = arith.constant 0 : index
    %get3A_1 = vector.load %arg3[%get3A, %get3A_0] : memref<512x512xf32, #tpu.memory_space<vmem>>, vector<512x512xf32>
    %convert_element_type3A = arith.truncf %get3A_1 : vector<512x512xf32> to vector<512x512xbf16>
    %get3A_2 = arith.constant 0 : index
    %get3A_3 = arith.constant 0 : index
    %get3A_4 = vector.load %arg6[%get3A_2, %get3A_3] : memref<512x512xbf16, #tpu.memory_space<vmem>>, vector<512x512xbf16>
    %dot_general3A = arith.constant dense<0.000000e+00> : vector<512x512xf32>
    %dot_general3A_5 = tpu.matmul %convert_element_type3A, %get3A_4, %dot_general3A {dimension_numbers = #tpu.dot_dimension_numbers<[1], [1], [0], [0], [0, 0, 1, 0], [], []>, transpose_lhs_hint = false} : vector<512x512xbf16>, vector<512x512xbf16>, vector<512x512xf32> -> vector<512x512xf32>
    %get3A_6 = arith.constant 0 : index
    %get3A_7 = arith.constant 0 : index
    %get3A_8 = vector.load %arg7[%get3A_6, %get3A_7] : memref<1x512xf32, #tpu.memory_space<vmem>>, vector<1x512xf32>
    %add3A = vector.broadcast %get3A_8 : vector<1x512xf32> to vector<512x512xf32>
    %add3A_9 = arith.addf %dot_general3A_5, %add3A : vector<512x512xf32>
    %get3A_10 = arith.constant 0 : index
    %get3A_11 = arith.constant 0 : index
    %get3A_12 = arith.constant 0 : index
    %get3A_13 = vector.load %arg4[%get3A_10, %get3A_11, %get3A_12] : memref<1x1x512xi32, #tpu.memory_space<vmem>>, vector<1x1x512xi32>
    %get3A_14 = vector.shape_cast %get3A_13 : vector<1x1x512xi32> to vector<512xi32>
    %mul3A = arith.constant 512 : i32
    %mul3A_15 = arith.muli %arg0, %mul3A : i32
    %iota3A = tpu.iota {dimensions = array<i32: 0>} : vector<512x1xi32>
    %add3A_16 = vector.broadcast %mul3A_15 : i32 to vector<512x1xi32>
    %add3A_17 = arith.addi %add3A_16, %iota3A : vector<512x1xi32>
    %get3A_18 = arith.index_cast %arg0 : i32 to index
    %get3A_19 = memref.load %arg1[%get3A_18] : memref<98xi32, #tpu.memory_space<smem>>
    %jit3A = arith.constant 8 : i32
    %div3A = arith.divsi %get3A_19, %jit3A : i32
    %sign3A = arith.constant 0 : i32
    %sign3A_20 = arith.cmpi sgt, %get3A_19, %sign3A : i32
    %sign3A_21 = arith.extui %sign3A_20 : i1 to i32
    %sign3A_22 = arith.constant 0 : i32
    %sign3A_23 = arith.cmpi slt, %get3A_19, %sign3A_22 : i32
    %sign3A_24 = arith.extui %sign3A_23 : i1 to i32
    %sign3A_25 = arith.subi %sign3A_21, %sign3A_24 : i32
    %sign3A_26 = arith.constant 0 : i32
    %sign3A_27 = arith.cmpi sgt, %jit3A, %sign3A_26 : i32
    %sign3A_28 = arith.extui %sign3A_27 : i1 to i32
    %sign3A_29 = arith.constant 0 : i32
    %sign3A_30 = arith.cmpi slt, %jit3A, %sign3A_29 : i32
    %sign3A_31 = arith.extui %sign3A_30 : i1 to i32
    %sign3A_32 = arith.subi %sign3A_28, %sign3A_31 : i32
    %ne3A = arith.cmpi ne, %sign3A_25, %sign3A_32 : i32
    %rem3A = arith.remsi %get3A_19, %jit3A : i32
    %ne3A_33 = arith.constant 0 : i32
    %ne3A_34 = arith.cmpi ne, %rem3A, %ne3A_33 : i32
    %and3A = arith.andi %ne3A, %ne3A_34 : i1
    %sub3A = arith.constant 1 : i32
    %sub3A_35 = arith.subi %div3A, %sub3A : i32
    %select_n3A = arith.select %and3A, %sub3A_35, %div3A : i32
    %mul3A_36 = arith.constant 8 : i32
    %mul3A_37 = arith.muli %select_n3A, %mul3A_36 : i32
    %min3A = arith.constant 896 : i32
    %min3A_38 = arith.minsi %mul3A_37, %min3A : i32
    %multiple_of3A = tpu.assume_multiple %min3A_38, 8 : i32
    %get3A_39 = arith.index_cast %arg0 : i32 to index
    %get3A_40 = memref.load %arg2[%get3A_39] : memref<98xi32, #tpu.memory_space<smem>>
    %sub3A_41 = arith.subi %get3A_40, %multiple_of3A : i32
    %lt3A = arith.constant 128 : i32
    %lt3A_42 = arith.cmpi slt, %sub3A_41, %lt3A : i32
    %iota3A_43 = tpu.iota {dimensions = array<i32: 1>} : vector<512x128xi32>
    %add3A_44 = vector.broadcast %multiple_of3A : i32 to vector<512x128xi32>
    %add3A_45 = arith.addi %add3A_44, %iota3A_43 : vector<512x128xi32>
    %broadcast_in_dim3A = vector.shape_cast %get3A_14 : vector<512xi32> to vector<512x1xi32>
    %eq3A = vector.broadcast %broadcast_in_dim3A : vector<512x1xi32> to vector<512x128xi32>
    %eq3A_46 = arith.cmpi eq, %eq3A, %add3A_45 : vector<512x128xi32>
    %convert_element_type3A_47 = arith.extui %eq3A_46 : vector<512x128xi1> to vector<512x128xi32>
    %convert_element_type3A_48 = arith.sitofp %convert_element_type3A_47 : vector<512x128xi32> to vector<512x128xf32>
    %convert_element_type3A_49 = arith.truncf %convert_element_type3A_48 : vector<512x128xf32> to vector<512x128xbf16>
    %get3A_50 = arith.constant 0 : index
    %get3A_51 = arith.constant 0 : index
    %get3A_52 = vector.load %arg5[%get3A_50, %get3A_51] : memref<512x512xf32, #tpu.memory_space<vmem>>, vector<512x512xf32>
    %lt3A_53 = arith.constant 50000 : i32
    %lt3A_54 = vector.broadcast %lt3A_53 : i32 to vector<512x1xi32>
    %lt3A_55 = arith.cmpi slt, %add3A_17, %lt3A_54 : vector<512x1xi32>
    %mul3A_56 = arith.mulf %add3A_9, %get3A_52 : vector<512x512xf32>
    %mul3A_57 = arith.constant 0.176776692 : f32
    %mul3A_58 = vector.broadcast %mul3A_57 : f32 to vector<512x512xf32>
    %mul3A_59 = arith.mulf %mul3A_56, %mul3A_58 : vector<512x512xf32>
    %exp3A = math.exp %mul3A_59 : vector<512x512xf32>
    %jit3A_60 = arith.constant 0.000000e+00 : f32
    %broadcast_in_dim3A_61 = vector.shape_cast %lt3A_55 : vector<512x1xi1> to vector<512x1xi1>
    %broadcast_in_dim3A_62 = vector.broadcast %broadcast_in_dim3A_61 : vector<512x1xi1> to vector<512x512xi1>
    %broadcast_in_dim3A_63 = vector.broadcast %jit3A_60 : f32 to vector<512x512xf32>
    %select_n3A_64 = arith.select %broadcast_in_dim3A_62, %exp3A, %broadcast_in_dim3A_63 : vector<512x512xi1>, vector<512x512xf32>
    %convert_element_type3A_65 = arith.truncf %select_n3A_64 : vector<512x512xf32> to vector<512x512xbf16>
    %swap3A = arith.constant 0 : index
    %swap3A_66 = arith.constant 0 : index
    %swap3A_67 = vector.load %arg8[%swap3A, %swap3A_66] : memref<512x512xbf16, #tpu.memory_space<vmem>>, vector<512x512xbf16>
    tpu.vector_store %arg8[%swap3A, %swap3A_66], %convert_element_type3A_65 {strides = array<i32>} : memref<512x512xbf16, #tpu.memory_space<vmem>>, vector<512x512xbf16>,
    %eq3A_68 = arith.constant 0 : i32
    %eq3A_69 = arith.cmpi eq, %arg0, %eq3A_68 : i32
    %convert_element_type3A_70 = arith.extui %eq3A_69 : i1 to i32
    %cond3A = arith.constant 0 : i32
    %cond3A_71 = arith.cmpi ne, %convert_element_type3A_70, %cond3A : i32
    scf.if %cond3A_71 {
      %broadcast_in_dim3A_79 = arith.constant 0.000000e+00 : f32
      %broadcast_in_dim3A_80 = vector.broadcast %broadcast_in_dim3A_79 : f32 to vector<1024x512xf32>
      %swap3A_81 = arith.constant 0 : index
      %swap3A_82 = arith.constant 0 : index
      %swap3A_83 = vector.load %arg9[%swap3A_81, %swap3A_82] : memref<1024x512xf32, #tpu.memory_space<vmem>>, vector<1024x512xf32>
      tpu.vector_store %arg9[%swap3A_81, %swap3A_82], %broadcast_in_dim3A_80 {strides = array<i32>} : memref<1024x512xf32, #tpu.memory_space<vmem>>, vector<1024x512xf32>,
    } else {
    }
    %convert_element_type3A_72 = arith.extui %lt3A_42 : i1 to i32
    %cond3A_73 = arith.constant 0 : i32
    %cond3A_74 = arith.cmpi ne, %convert_element_type3A_72, %cond3A_73 : i32
    scf.if %cond3A_74 {
      %get3A_79 = arith.index_cast %multiple_of3A : i32 to index
      %get3A_80 = arith.constant 0 : index
      %get3A_81 = vector.load %arg9[%get3A_79, %get3A_80] : memref<1024x512xf32, #tpu.memory_space<vmem>>, vector<128x512xf32>
      %dot_general3A_82 = arith.constant dense<0.000000e+00> : vector<128x512xf32>
      %dot_general3A_83 = tpu.matmul %convert_element_type3A_49, %convert_element_type3A_65, %dot_general3A_82 {dimension_numbers = #tpu.dot_dimension_numbers<[0], [0], [1], [1], [0, 1, 1, 1], [], []>, transpose_lhs_hint = false} : vector<512x128xbf16>, vector<512x512xbf16>, vector<128x512xf32> -> vector<128x512xf32>
      %add3A_84 = arith.addf %get3A_81, %dot_general3A_83 : vector<128x512xf32>
      %swap3A_85 = arith.index_cast %multiple_of3A : i32 to index
      %swap3A_86 = arith.constant 0 : index
      %swap3A_87 = vector.load %arg9[%swap3A_85, %swap3A_86] : memref<1024x512xf32, #tpu.memory_space<vmem>>, vector<128x512xf32>
      tpu.vector_store %arg9[%swap3A_85, %swap3A_86], %add3A_84 {strides = array<i32>} : memref<1024x512xf32, #tpu.memory_space<vmem>>, vector<128x512xf32>,
    } else {
    }
    %not3A = arith.constant true
    %not3A_75 = arith.xori %lt3A_42, %not3A : i1
    %convert_element_type3A_76 = arith.extui %not3A_75 : i1 to i32
    %cond3A_77 = arith.constant 0 : i32
    %cond3A_78 = arith.cmpi ne, %convert_element_type3A_76, %cond3A_77 : i32
    scf.if %cond3A_78 {
      %iota3A_79 = tpu.iota {dimensions = array<i32: 1>} : vector<512x1024xi32>
      %broadcast_in_dim3A_80 = vector.shape_cast %get3A_14 : vector<512xi32> to vector<512x1xi32>
      %eq3A_81 = vector.broadcast %broadcast_in_dim3A_80 : vector<512x1xi32> to vector<512x1024xi32>
      %eq3A_82 = arith.cmpi eq, %eq3A_81, %iota3A_79 : vector<512x1024xi32>
      %convert_element_type3A_83 = arith.extui %eq3A_82 : vector<512x1024xi1> to vector<512x1024xi32>
      %convert_element_type3A_84 = arith.sitofp %convert_element_type3A_83 : vector<512x1024xi32> to vector<512x1024xf32>
      %convert_element_type3A_85 = arith.truncf %convert_element_type3A_84 : vector<512x1024xf32> to vector<512x1024xbf16>
      %get3A_86 = arith.constant 0 : index
      %get3A_87 = arith.constant 0 : index
      %get3A_88 = vector.load %arg9[%get3A_86, %get3A_87] : memref<1024x512xf32, #tpu.memory_space<vmem>>, vector<1024x512xf32>
      %dot_general3A_89 = arith.constant dense<0.000000e+00> : vector<1024x512xf32>
      %dot_general3A_90 = tpu.matmul %convert_element_type3A_85, %convert_element_type3A_65, %dot_general3A_89 {dimension_numbers = #tpu.dot_dimension_numbers<[0], [0], [1], [1], [0, 1, 1, 1], [], []>, transpose_lhs_hint = false} : vector<512x1024xbf16>, vector<512x512xbf16>, vector<1024x512xf32> -> vector<1024x512xf32>
      %add3A_91 = arith.addf %get3A_88, %dot_general3A_90 : vector<1024x512xf32>
      %swap3A_92 = arith.constant 0 : index
      %swap3A_93 = arith.constant 0 : index
      %swap3A_94 = vector.load %arg9[%swap3A_92, %swap3A_93] : memref<1024x512xf32, #tpu.memory_space<vmem>>, vector<1024x512xf32>
      tpu.vector_store %arg9[%swap3A_92, %swap3A_93], %add3A_91 {strides = array<i32>} : memref<1024x512xf32, #tpu.memory_space<vmem>>, vector<1024x512xf32>,
    } else {
    }
    return
  }
  func.func @transform_0(%arg0: i32) -> i32 {
    %c0_i32 = arith.constant 0 : i32
    %c0_i32_0 = arith.constant 0 : i32
    return %c0_i32 : i32
  }
  func.func @transform_1(%arg0: i32) -> i32 {
    %c0_i32 = arith.constant 0 : i32
    %c0_i32_0 = arith.constant 0 : i32
    return %c0_i32 : i32
  }
  func.func @transform_2(%arg0: i32) -> (i32, i32) {
    %c0_i32 = arith.constant 0 : i32
    %c0_i32_0 = arith.constant 0 : i32
    return %arg0, %c0_i32 : i32, i32
  }
  func.func @transform_3(%arg0: i32) -> (i32, i32, i32) {
    %c0_i32 = arith.constant 0 : i32
    %c0_i32_0 = arith.constant 0 : i32
    %c0_i32_1 = arith.constant 0 : i32
    return %arg0, %c0_i32, %c0_i32_0 : i32, i32, i32
  }
  func.func @transform_4(%arg0: i32) -> (i32, i32) {
    %c0_i32 = arith.constant 0 : i32
    %c0_i32_0 = arith.constant 0 : i32
    return %arg0, %c0_i32 : i32, i32
  }
  func.func @transform_5(%arg0: i32) -> (i32, i32) {
    %c0_i32 = arith.constant 0 : i32
    %c0_i32_0 = arith.constant 0 : i32
    %c0_i32_1 = arith.constant 0 : i32
    return %c0_i32, %c0_i32_0 : i32, i32
  }
  func.func @transform_6(%arg0: i32) -> (i32, i32) {
    %c0_i32 = arith.constant 0 : i32
    %c0_i32_0 = arith.constant 0 : i32
    %c0_i32_1 = arith.constant 0 : i32
    return %c0_i32, %c0_i32_0 : i32, i32
  }
  func.func @transform_7(%arg0: i32) -> (i32, i32) {
    %c0_i32 = arith.constant 0 : i32
    %c0_i32_0 = arith.constant 0 : i32
    return %arg0, %c0_i32 : i32, i32
  }
  func.func @transform_8(%arg0: i32) -> (i32, i32) {
    %c0_i32 = arith.constant 0 : i32
    %c0_i32_0 = arith.constant 0 : i32
    %c0_i32_1 = arith.constant 0 : i32
    return %c0_i32, %c0_i32_0 : i32, i32
  }
}

module attributes {stable_mosaic.version = 14 : i64} {
  func.func @_pass2_body(%arg0: i32, %arg1: memref<98xi32, #tpu.memory_space<smem>>, %arg2: memref<98xi32, #tpu.memory_space<smem>>, %arg3: memref<512x512xbf16, #tpu.memory_space<vmem>>, %arg4: memref<1x1x512xi32, #tpu.memory_space<vmem>>, %arg5: memref<1024x512xbf16, #tpu.memory_space<vmem>>, %arg6: memref<1024x512xf32, #tpu.memory_space<vmem>>, %arg7: memref<512x512xbf16, #tpu.memory_space<vmem>>, %arg8: memref<1x512xf32, #tpu.memory_space<vmem>>, %arg9: memref<512x512xf32, #tpu.memory_space<vmem>>) attributes {dimension_semantics = [#tpu.dimension_semantics<arbitrary>], iteration_bounds = array<i64: 98>, scalar_prefetch = 0 : i64, scratch_operands = 0 : i64, tpu.core_type = #tpu.core_type<tc>, window_params = [{transform_indices = @transform_0, window_bounds = array<i64: 98>}, {transform_indices = @transform_1, window_bounds = array<i64: 98>}, {transform_indices = @transform_2, window_bounds = array<i64: 512, 512>}, {transform_indices = @transform_3, window_bounds = array<i64: 1, 1, 512>}, {pipeline_mode = #tpu.pipeline_mode<synchronous>, transform_indices = @transform_4, window_bounds = array<i64: 1024, 512>}, {pipeline_mode = #tpu.pipeline_mode<synchronous>, transform_indices = @transform_5, window_bounds = array<i64: 1024, 512>}, {pipeline_mode = #tpu.pipeline_mode<synchronous>, transform_indices = @transform_6, window_bounds = array<i64: 512, 512>}, {pipeline_mode = #tpu.pipeline_mode<synchronous>, transform_indices = @transform_7, window_bounds = array<i64: 1, 512>}, {transform_indices = @transform_8, window_bounds = array<i64: 512, 512>}]} {
    %get3A = arith.constant 0 : index
    %get3A_0 = arith.constant 0 : index
    %get3A_1 = arith.constant 0 : index
    %get3A_2 = vector.load %arg4[%get3A, %get3A_0, %get3A_1] : memref<1x1x512xi32, #tpu.memory_space<vmem>>, vector<1x1x512xi32>
    %get3A_3 = vector.shape_cast %get3A_2 : vector<1x1x512xi32> to vector<512xi32>
    %get3A_4 = arith.index_cast %arg0 : i32 to index
    %get3A_5 = memref.load %arg1[%get3A_4] : memref<98xi32, #tpu.memory_space<smem>>
    %jit3A = arith.constant 8 : i32
    %div3A = arith.divsi %get3A_5, %jit3A : i32
    %sign3A = arith.constant 0 : i32
    %sign3A_6 = arith.cmpi sgt, %get3A_5, %sign3A : i32
    %sign3A_7 = arith.extui %sign3A_6 : i1 to i32
    %sign3A_8 = arith.constant 0 : i32
    %sign3A_9 = arith.cmpi slt, %get3A_5, %sign3A_8 : i32
    %sign3A_10 = arith.extui %sign3A_9 : i1 to i32
    %sign3A_11 = arith.subi %sign3A_7, %sign3A_10 : i32
    %sign3A_12 = arith.constant 0 : i32
    %sign3A_13 = arith.cmpi sgt, %jit3A, %sign3A_12 : i32
    %sign3A_14 = arith.extui %sign3A_13 : i1 to i32
    %sign3A_15 = arith.constant 0 : i32
    %sign3A_16 = arith.cmpi slt, %jit3A, %sign3A_15 : i32
    %sign3A_17 = arith.extui %sign3A_16 : i1 to i32
    %sign3A_18 = arith.subi %sign3A_14, %sign3A_17 : i32
    %ne3A = arith.cmpi ne, %sign3A_11, %sign3A_18 : i32
    %rem3A = arith.remsi %get3A_5, %jit3A : i32
    %ne3A_19 = arith.constant 0 : i32
    %ne3A_20 = arith.cmpi ne, %rem3A, %ne3A_19 : i32
    %and3A = arith.andi %ne3A, %ne3A_20 : i1
    %sub3A = arith.constant 1 : i32
    %sub3A_21 = arith.subi %div3A, %sub3A : i32
    %select_n3A = arith.select %and3A, %sub3A_21, %div3A : i32
    %mul3A = arith.constant 8 : i32
    %mul3A_22 = arith.muli %select_n3A, %mul3A : i32
    %min3A = arith.constant 896 : i32
    %min3A_23 = arith.minsi %mul3A_22, %min3A : i32
    %multiple_of3A = tpu.assume_multiple %min3A_23, 8 : i32
    %get3A_24 = arith.index_cast %arg0 : i32 to index
    %get3A_25 = memref.load %arg2[%get3A_24] : memref<98xi32, #tpu.memory_space<smem>>
    %sub3A_26 = arith.subi %get3A_25, %multiple_of3A : i32
    %lt3A = arith.constant 128 : i32
    %lt3A_27 = arith.cmpi slt, %sub3A_26, %lt3A : i32
    %iota3A = tpu.iota {dimensions = array<i32: 1>} : vector<512x128xi32>
    %add3A = vector.broadcast %multiple_of3A : i32 to vector<512x128xi32>
    %add3A_28 = arith.addi %add3A, %iota3A : vector<512x128xi32>
    %broadcast_in_dim3A = vector.shape_cast %get3A_3 : vector<512xi32> to vector<512x1xi32>
    %eq3A = vector.broadcast %broadcast_in_dim3A : vector<512x1xi32> to vector<512x128xi32>
    %eq3A_29 = arith.cmpi eq, %eq3A, %add3A_28 : vector<512x128xi32>
    %convert_element_type3A = arith.extui %eq3A_29 : vector<512x128xi1> to vector<512x128xi32>
    %convert_element_type3A_30 = arith.sitofp %convert_element_type3A : vector<512x128xi32> to vector<512x128xf32>
    %convert_element_type3A_31 = arith.truncf %convert_element_type3A_30 : vector<512x128xf32> to vector<512x128xbf16>
    %convert_element_type3A_32 = arith.extui %lt3A_27 : i1 to i32
    %cond3A = arith.constant 0 : i32
    %cond3A_33 = arith.cmpi ne, %convert_element_type3A_32, %cond3A : i32
    scf.if %cond3A_33 {
      %get3A_38 = arith.index_cast %multiple_of3A : i32 to index
      %get3A_39 = arith.constant 0 : index
      %get3A_40 = vector.load %arg6[%get3A_38, %get3A_39] : memref<1024x512xf32, #tpu.memory_space<vmem>>, vector<128x512xf32>
      %gt3A = arith.constant 0.000000e+00 : f32
      %gt3A_41 = vector.broadcast %gt3A : f32 to vector<128x512xf32>
      %gt3A_42 = arith.cmpf ogt, %get3A_40, %gt3A_41 : vector<128x512xf32>
      %get3A_43 = arith.index_cast %multiple_of3A : i32 to index
      %get3A_44 = arith.constant 0 : index
      %get3A_45 = vector.load %arg5[%get3A_43, %get3A_44] : memref<1024x512xbf16, #tpu.memory_space<vmem>>, vector<128x512xbf16>
      %convert_element_type3A_46 = arith.extf %get3A_45 : vector<128x512xbf16> to vector<128x512xf32>
      %div3A_47 = arith.divf %convert_element_type3A_46, %get3A_40 : vector<128x512xf32>
      %jit3A_48 = arith.constant 0.000000e+00 : f32
      %broadcast_in_dim3A_49 = vector.broadcast %jit3A_48 : f32 to vector<128x512xf32>
      %select_n3A_50 = arith.select %gt3A_42, %div3A_47, %broadcast_in_dim3A_49 : vector<128x512xi1>, vector<128x512xf32>
      %convert_element_type3A_51 = arith.truncf %select_n3A_50 : vector<128x512xf32> to vector<128x512xbf16>
      %dot_general3A = arith.constant dense<0.000000e+00> : vector<512x512xf32>
      %dot_general3A_52 = tpu.matmul %convert_element_type3A_31, %convert_element_type3A_51, %dot_general3A {dimension_numbers = #tpu.dot_dimension_numbers<[1], [0], [0], [1], [0, 0, 1, 1], [], []>, transpose_lhs_hint = false} : vector<512x128xbf16>, vector<128x512xbf16>, vector<512x512xf32> -> vector<512x512xf32>
      %get3A_53 = arith.constant 0 : index
      %get3A_54 = arith.constant 0 : index
      %get3A_55 = vector.load %arg3[%get3A_53, %get3A_54] : memref<512x512xbf16, #tpu.memory_space<vmem>>, vector<512x512xbf16>
      %convert_element_type3A_56 = arith.extf %get3A_55 : vector<512x512xbf16> to vector<512x512xf32>
      %mul3A_57 = arith.mulf %convert_element_type3A_56, %dot_general3A_52 : vector<512x512xf32>
      %convert_element_type3A_58 = arith.truncf %mul3A_57 : vector<512x512xf32> to vector<512x512xbf16>
      %get3A_59 = arith.constant 0 : index
      %get3A_60 = arith.constant 0 : index
      %get3A_61 = vector.load %arg7[%get3A_59, %get3A_60] : memref<512x512xbf16, #tpu.memory_space<vmem>>, vector<512x512xbf16>
      %dot_general3A_62 = arith.constant dense<0.000000e+00> : vector<512x512xf32>
      %dot_general3A_63 = tpu.matmul %convert_element_type3A_58, %get3A_61, %dot_general3A_62 {dimension_numbers = #tpu.dot_dimension_numbers<[1], [1], [0], [0], [0, 0, 1, 0], [], []>, transpose_lhs_hint = false} : vector<512x512xbf16>, vector<512x512xbf16>, vector<512x512xf32> -> vector<512x512xf32>
      %get3A_64 = arith.constant 0 : index
      %get3A_65 = arith.constant 0 : index
      %get3A_66 = vector.load %arg8[%get3A_64, %get3A_65] : memref<1x512xf32, #tpu.memory_space<vmem>>, vector<1x512xf32>
      %add3A_67 = vector.broadcast %get3A_66 : vector<1x512xf32> to vector<512x512xf32>
      %add3A_68 = arith.addf %dot_general3A_63, %add3A_67 : vector<512x512xf32>
      %swap3A = arith.constant 0 : index
      %swap3A_69 = arith.constant 0 : index
      %swap3A_70 = vector.load %arg9[%swap3A, %swap3A_69] : memref<512x512xf32, #tpu.memory_space<vmem>>, vector<512x512xf32>
      tpu.vector_store %arg9[%swap3A, %swap3A_69], %add3A_68 {strides = array<i32>} : memref<512x512xf32, #tpu.memory_space<vmem>>, vector<512x512xf32>,
    } else {
    }
    %not3A = arith.constant true
    %not3A_34 = arith.xori %lt3A_27, %not3A : i1
    %convert_element_type3A_35 = arith.extui %not3A_34 : i1 to i32
    %cond3A_36 = arith.constant 0 : i32
    %cond3A_37 = arith.cmpi ne, %convert_element_type3A_35, %cond3A_36 : i32
    scf.if %cond3A_37 {
      %get3A_38 = arith.constant 0 : index
      %get3A_39 = arith.constant 0 : index
      %get3A_40 = vector.load %arg6[%get3A_38, %get3A_39] : memref<1024x512xf32, #tpu.memory_space<vmem>>, vector<1024x512xf32>
      %gt3A = arith.constant 0.000000e+00 : f32
      %gt3A_41 = vector.broadcast %gt3A : f32 to vector<1024x512xf32>
      %gt3A_42 = arith.cmpf ogt, %get3A_40, %gt3A_41 : vector<1024x512xf32>
      %get3A_43 = arith.constant 0 : index
      %get3A_44 = arith.constant 0 : index
      %get3A_45 = vector.load %arg5[%get3A_43, %get3A_44] : memref<1024x512xbf16, #tpu.memory_space<vmem>>, vector<1024x512xbf16>
      %convert_element_type3A_46 = arith.extf %get3A_45 : vector<1024x512xbf16> to vector<1024x512xf32>
      %div3A_47 = arith.divf %convert_element_type3A_46, %get3A_40 : vector<1024x512xf32>
      %jit3A_48 = arith.constant 0.000000e+00 : f32
      %broadcast_in_dim3A_49 = vector.broadcast %jit3A_48 : f32 to vector<1024x512xf32>
      %select_n3A_50 = arith.select %gt3A_42, %div3A_47, %broadcast_in_dim3A_49 : vector<1024x512xi1>, vector<1024x512xf32>
      %convert_element_type3A_51 = arith.truncf %select_n3A_50 : vector<1024x512xf32> to vector<1024x512xbf16>
      %iota3A_52 = tpu.iota {dimensions = array<i32: 1>} : vector<512x1024xi32>
      %broadcast_in_dim3A_53 = vector.shape_cast %get3A_3 : vector<512xi32> to vector<512x1xi32>
      %eq3A_54 = vector.broadcast %broadcast_in_dim3A_53 : vector<512x1xi32> to vector<512x1024xi32>
      %eq3A_55 = arith.cmpi eq, %eq3A_54, %iota3A_52 : vector<512x1024xi32>
      %convert_element_type3A_56 = arith.extui %eq3A_55 : vector<512x1024xi1> to vector<512x1024xi32>
      %convert_element_type3A_57 = arith.sitofp %convert_element_type3A_56 : vector<512x1024xi32> to vector<512x1024xf32>
      %convert_element_type3A_58 = arith.truncf %convert_element_type3A_57 : vector<512x1024xf32> to vector<512x1024xbf16>
      %dot_general3A = arith.constant dense<0.000000e+00> : vector<512x512xf32>
      %dot_general3A_59 = tpu.matmul %convert_element_type3A_58, %convert_element_type3A_51, %dot_general3A {dimension_numbers = #tpu.dot_dimension_numbers<[1], [0], [0], [1], [0, 0, 1, 1], [], []>, transpose_lhs_hint = false} : vector<512x1024xbf16>, vector<1024x512xbf16>, vector<512x512xf32> -> vector<512x512xf32>
      %get3A_60 = arith.constant 0 : index
      %get3A_61 = arith.constant 0 : index
      %get3A_62 = vector.load %arg3[%get3A_60, %get3A_61] : memref<512x512xbf16, #tpu.memory_space<vmem>>, vector<512x512xbf16>
      %convert_element_type3A_63 = arith.extf %get3A_62 : vector<512x512xbf16> to vector<512x512xf32>
      %mul3A_64 = arith.mulf %convert_element_type3A_63, %dot_general3A_59 : vector<512x512xf32>
      %convert_element_type3A_65 = arith.truncf %mul3A_64 : vector<512x512xf32> to vector<512x512xbf16>
      %get3A_66 = arith.constant 0 : index
      %get3A_67 = arith.constant 0 : index
      %get3A_68 = vector.load %arg7[%get3A_66, %get3A_67] : memref<512x512xbf16, #tpu.memory_space<vmem>>, vector<512x512xbf16>
      %dot_general3A_69 = arith.constant dense<0.000000e+00> : vector<512x512xf32>
      %dot_general3A_70 = tpu.matmul %convert_element_type3A_65, %get3A_68, %dot_general3A_69 {dimension_numbers = #tpu.dot_dimension_numbers<[1], [1], [0], [0], [0, 0, 1, 0], [], []>, transpose_lhs_hint = false} : vector<512x512xbf16>, vector<512x512xbf16>, vector<512x512xf32> -> vector<512x512xf32>
      %get3A_71 = arith.constant 0 : index
      %get3A_72 = arith.constant 0 : index
      %get3A_73 = vector.load %arg8[%get3A_71, %get3A_72] : memref<1x512xf32, #tpu.memory_space<vmem>>, vector<1x512xf32>
      %add3A_74 = vector.broadcast %get3A_73 : vector<1x512xf32> to vector<512x512xf32>
      %add3A_75 = arith.addf %dot_general3A_70, %add3A_74 : vector<512x512xf32>
      %swap3A = arith.constant 0 : index
      %swap3A_76 = arith.constant 0 : index
      %swap3A_77 = vector.load %arg9[%swap3A, %swap3A_76] : memref<512x512xf32, #tpu.memory_space<vmem>>, vector<512x512xf32>
      tpu.vector_store %arg9[%swap3A, %swap3A_76], %add3A_75 {strides = array<i32>} : memref<512x512xf32, #tpu.memory_space<vmem>>, vector<512x512xf32>,
    } else {
    }
    return
  }
  func.func @transform_0(%arg0: i32) -> i32 {
    %c0_i32 = arith.constant 0 : i32
    %c0_i32_0 = arith.constant 0 : i32
    return %c0_i32 : i32
  }
  func.func @transform_1(%arg0: i32) -> i32 {
    %c0_i32 = arith.constant 0 : i32
    %c0_i32_0 = arith.constant 0 : i32
    return %c0_i32 : i32
  }
  func.func @transform_2(%arg0: i32) -> (i32, i32) {
    %c0_i32 = arith.constant 0 : i32
    %c0_i32_0 = arith.constant 0 : i32
    return %arg0, %c0_i32 : i32, i32
  }
  func.func @transform_3(%arg0: i32) -> (i32, i32, i32) {
    %c0_i32 = arith.constant 0 : i32
    %c0_i32_0 = arith.constant 0 : i32
    %c0_i32_1 = arith.constant 0 : i32
    return %arg0, %c0_i32, %c0_i32_0 : i32, i32, i32
  }
  func.func @transform_4(%arg0: i32) -> (i32, i32) {
    %c0_i32 = arith.constant 0 : i32
    %c0_i32_0 = arith.constant 0 : i32
    %c0_i32_1 = arith.constant 0 : i32
    return %c0_i32, %c0_i32_0 : i32, i32
  }
  func.func @transform_5(%arg0: i32) -> (i32, i32) {
    %c0_i32 = arith.constant 0 : i32
    %c0_i32_0 = arith.constant 0 : i32
    %c0_i32_1 = arith.constant 0 : i32
    return %c0_i32, %c0_i32_0 : i32, i32
  }
  func.func @transform_6(%arg0: i32) -> (i32, i32) {
    %c0_i32 = arith.constant 0 : i32
    %c0_i32_0 = arith.constant 0 : i32
    %c0_i32_1 = arith.constant 0 : i32
    return %c0_i32, %c0_i32_0 : i32, i32
  }
  func.func @transform_7(%arg0: i32) -> (i32, i32) {
    %c0_i32 = arith.constant 0 : i32
    %c0_i32_0 = arith.constant 0 : i32
    %c0_i32_1 = arith.constant 0 : i32
    return %c0_i32, %c0_i32_0 : i32, i32
  }
  func.func @transform_8(%arg0: i32) -> (i32, i32) {
    %c0_i32 = arith.constant 0 : i32
    %c0_i32_0 = arith.constant 0 : i32
    return %arg0, %c0_i32 : i32, i32
  }
}

</mosaic_0001>

<sc_bundles>
// kernel: kernel.6.cloned.1.call-start
scs
__scs_entry_jumppad:
0x0: {  	(pc) =	sbr.rel $0x88, $3  }
0x1: {  	(tag) =	ssettag $0x0;
	lr =	simm.s32 $0x1  }
0x2: {  	[smem:$0x3F95] =	sst lr;
	_ =	strace $0xD0000000  }
0x3: {  	_ = 	snop  }
0x4: {  	_ = 	snop  }
0x5: {  	_ = 	snop  }
0x6: {  	_ = 	snop  }
0x7: {  	_ = 	snop  }
__scs_overlays_trampoline_lowered:
0x8: {  	[smem:$0x3FA4] =	sst s0  }
0x9: {  	[smem:$0x3FA5] =	sst s1  }
0xa: {  	[smem:$0x3FA6] =	sst s2  }
0xb: {  	[smem:$0x3FA7] =	sst s3  }
0xc: {  	[smem:$0x3FA8] =	sst s4  }
0xd: {  	[smem:$0x3FA9] =	sst s5  }
0xe: {  	[smem:$0x3FAA] =	sst s6  }
0xf: {  	[smem:$0x3FAB] =	sst s7  }
0x10: {  	[smem:$0x3FAC] =	sst s8  }
0x11: {  	[smem:$0x3FAD] =	sst s9;
	s0 =	simm.s32 @!p0 $0x0  }
0x12: {  	s1 =	sld [smem:$0x3F93];
	s0 =	simm.s32 @p0 $0x1  }
0x13: {  	[smem:$0x3FAE] =	sst s0;
	s0 =	simm.s32 @!p1 $0x0  }
0x14: {  	s2 =	sld [smem:$0x3F92];
	s0 =	simm.s32 @p1 $0x1  }
0x15: {  	[smem:$0x3FAF] =	sst s0;
	s0 =	simm.s32 @!p2 $0x0  }
0x16: {  	s3 =	sld [smem:$0x3FDB];
	s0 =	simm.s32 @p2 $0x1  }
0x17: {  	s4 =	simm.s32 $0x1BF5;
	[smem:$0x3FB1] =	sst s0  }
0x18: {  	s0 =	sld [smem:$0x3F94];
	_ =	swait.ge [sflag:s4], $0x0  }
0x19: {  	s7 =	sld [smem:$0x3F95]  }
0x1a: {  	s8 =	sadd.s32 $0xFFFFE003, lr  }
0x1b: {  	s9 =	sadd.s32 $0xFFFFFEF7, lr;
	s5 =	simm.s32 $0xFFFFFFFF;
	p2 =	slt.u32 s8, $0xFFFFF086  }
0x1c: {  	p1 =	slt.u32 s9, $0xF7A;
	s5 =	simm.s32 @!p2 $0x0  }
0x1d: {  	s5 =	simm.s32 @p1 $0x1;
	p0 =	seq.s32 s7, s2  }
0x1e: {  	s7 =	smul.u32 @!p0 $0xF7A, s2;
	p2 =	seq.s32 @!p0 s5, $0x0  }
0x1f: {  	s9 =	smul.u32 $0xF7A, s1;
	s8 =	simm.s32 @!p0 $0x1BF5;
	p2 =	por !p2, p0  }
0x20: {  	[sflag:s8] =	ssyncset.s32 @!p0 $0xFFFFF086;
	s6 =	sadd.s32 @!p0 s3, s7;
	s7 =	simm.s32 @!p0 $0x108  }
0x21: {  	s3 =	sadd.s32 s3, s9;
	s6 =	sadd.s32 @!p0 $0x88, s6;
	s7 =	simm.s32 @p2 $0x1082  }
0x22: {  	[simem:s7], [sflag:s8] =	dma.local @!p0 [hbm:s6], $0xF7A  }
0x23: {  	s9 =	sor.u32 $0xD0000000, s2;
	s6 =	simm.s32 $0x108;
	_ =	swait.ge @!p0 [sflag:s8], $0x0  }
0x24: {  	s3 =	sadd.s32 $0x88, s3;
	s6 =	simm.s32 @!p1 $0x1082;
	[sflag:s4] =	ssyncset.s32 $0xFFFFF086  }
0x25: {  	[simem:s6], [sflag:s4] =	dma.local [hbm:s3], $0xF7A  }
0x26: {  	[smem:$0x3F95] =	sst s1;
	(tag) =	ssettag s2;
	_ =	strace s9  }
0x27: {  	s1 =	sld [smem:$0x3FA5]  }
0x28: {  	s2 =	sld [smem:$0x3FA6]  }
0x29: {  	s4 =	sld [smem:$0x3FA8]  }
0x2a: {  	p0 =	seq.s32 s5, $0x0;
	s5 =	sld [smem:$0x3FA9]  }
0x2b: {  	s6 =	sld [smem:$0x3FAA]  }
0x2c: {  	s7 =	sld [smem:$0x3FAB]  }
0x2d: {  	s3 =	simm.s32 $0x108;
	s8 =	sld [smem:$0x3FAC]  }
0x2e: {  	s3 =	simm.s32 @!p0 $0x1082;
	s9 =	sld [smem:$0x3FAD]  }
0x2f: {  	lr =	sadd.s32 s0, s3;
	s0 =	sld [smem:$0x3FA4]  }
0x30: {  	s3 =	sld [smem:$0x3FA7]  }
0x31: {  	[smem:$0x3FB0] =	sst s10  }
0x32: {  	s10 =	sld [smem:$0x3FAE];
	_ =	sdelay $0x3  }
0x33: {  	p0 =	seq.s32 s10, $0x1;
	s10 =	sld [smem:$0x3FB0];
	_ =	sdelay $0x3  }
0x34: {  	[smem:$0x3FB0] =	sst s10  }
0x35: {  	s10 =	sld [smem:$0x3FAF];
	_ =	sdelay $0x3  }
0x36: {  	p1 =	seq.s32 s10, $0x1;
	s10 =	sld [smem:$0x3FB0];
	_ =	sdelay $0x3  }
0x37: {  	[smem:$0x3FB0] =	sst s10  }
0x38: {  	s10 =	sld [smem:$0x3FB1]  }
0x39: {  	_ = 	snop;
	(pc) =	sbr.ind lr, $3  }
0x3a: {  	_ = 	snop  }
0x3b: {  	_ = 	snop  }
0x3c: {  	p2 =	seq.s32 s10, $0x1;
	s10 =	sld [smem:$0x3FB0]  }
0x3d: {  	_ =	shalt  }
0x3e: {  	_ =	shalt  }
0x3f: {  	_ =	shalt  }
0x40: {  	_ =	shalt  }
0x41: {  	_ =	shalt  }
0x42: {  	_ =	shalt  }
0x43: {  	_ =	shalt  }
0x44: {  	_ =	shalt  }
0x45: {  	_ =	shalt  }
0x46: {  	_ =	shalt  }
0x47: {  	_ =	shalt  }
0x48: {  	_ =	shalt  }
0x49: {  	_ =	shalt  }
0x4a: {  	_ =	shalt  }
0x4b: {  	_ =	shalt  }
0x4c: {  	_ =	shalt  }
0x4d: {  	_ =	shalt  }
0x4e: {  	_ =	shalt  }
0x4f: {  	_ =	shalt  }
0x50: {  	_ =	shalt  }
0x51: {  	_ =	shalt  }
0x52: {  	_ =	shalt  }
0x53: {  	_ =	shalt  }
0x54: {  	_ =	shalt  }
0x55: {  	_ =	shalt  }
0x56: {  	_ =	shalt  }
0x57: {  	_ =	shalt  }
0x58: {  	_ =	shalt  }
0x59: {  	_ =	shalt  }
0x5a: {  	_ =	shalt  }
0x5b: {  	_ =	shalt  }
0x5c: {  	_ =	shalt  }
0x5d: {  	_ =	shalt  }
0x5e: {  	_ =	shalt  }
0x5f: {  	_ =	shalt  }
0x60: {  	_ =	shalt  }
0x61: {  	_ =	shalt  }
0x62: {  	_ =	shalt  }
0x63: {  	_ =	shalt  }
0x64: {  	_ =	shalt  }
0x65: {  	_ =	shalt  }
0x66: {  	_ =	shalt  }
0x67: {  	_ =	shalt  }
0x68: {  	_ =	shalt  }
0x69: {  	_ =	shalt  }
0x6a: {  	_ =	shalt  }
0x6b: {  	_ =	shalt  }
0x6c: {  	_ =	shalt  }
0x6d: {  	_ =	shalt  }
0x6e: {  	_ =	shalt  }
0x6f: {  	_ =	shalt  }
0x70: {  	_ =	shalt  }
0x71: {  	_ =	shalt  }
0x72: {  	_ =	shalt  }
0x73: {  	_ =	shalt  }
0x74: {  	_ =	shalt  }
0x75: {  	_ =	shalt  }
0x76: {  	_ =	shalt  }
0x77: {  	_ =	shalt  }
0x78: {  	_ =	shalt  }
0x79: {  	_ =	shalt  }
0x7a: {  	_ =	shalt  }
0x7b: {  	_ =	shalt  }
0x7c: {  	_ =	shalt  }
0x7d: {  	_ =	shalt  }
0x7e: {  	_ =	shalt  }
0x7f: {  	_ =	shalt  }
0x80: {  	_ =	shalt  }
0x81: {  	_ =	shalt  }
0x82: {  	_ =	shalt  }
0x83: {  	_ =	shalt  }
0x84: {  	_ =	shalt  }
0x85: {  	_ =	shalt  }
0x86: {  	_ =	shalt  }
0x87: {  	_ =	shalt  }
.Lfunc_end0:
.L_simem_size_0:
called_computation_lowered:
.L_overlay_start_0:
0x88: {  	s2 =	sld [smem:$0x3FD9]  }
0x89: {  	s3 =	sld [smem:$0x3FFE];
	_ =	sdelay $0x1  }
0x8a: {  	s1 =	srdreg.scid  }
0x8b: {  	s0 =	sand.u32 $0x1, s1  }
0x8c: {  	s17 =	sshll.u32 s0, $0xA;
	s2 =	sadd.s32 s3, s2  }
0x8d: {  	s2 =	sadd.s32 s2, s17  }
0x8e: {  	[smem:$0x3FBC] =	sst s2  }
0x8f: {  	_ = 	snop  }
0x90: {  	s2 =	sld [smem:$0x3FD0];
	(tm) =	ssettm $0x1  }
0x91: {  	s18 =	sld [smem:$0x3FFB];
	_ =	sdelay $0x3  }
0x92: {  	_ =	strace s18  }
0x93: {  	s3 =	sld [smem:$0x3FFC];
	_ =	sdelay $0x3  }
0x94: {  	_ =	strace s3  }
0x95: {  	s3 =	sld [smem:$0x3FFD];
	_ =	sdelay $0x3  }
0x96: {  	_ =	strace s3  }
0x97: {  	_ =	strace $0x8FFFFFFF  }
0x98: {  	s19 =	sld [smem:$0x3FDB];
	_ =	sdelay $0x1  }
0x99: {  	s4 =	simm.s32 $_scs_section_size  }
0x9a: {  	s5 =	simm.s32 $_size__tile_overlayer_lowered;
	s6 =	simm.s32 $_tile_overlayer_lowered  }
0x9b: {  	s22 =	simm.s32 $0x1BFF;
	s21 =	sshll.u32 s6, $0x1;
	s3 =	sadd.s32 s4, s19  }
0x9c: {  	s7 =	simm.s32 $0x0;
	s20 =	sshll.u32 s5, $0x1;
	s5 =	sadd.s32 s21, s3  }
0x9d: {  	[timem:s7], [sflag:s22] =	dma.local [hbm:s5], s20  }
0x9e: {  	_ =	swait.ge [sflag:s22], s20  }
0x9f: {  	s4 =	ssub.s32 $0x0, s20;
	[sflag:s22] =	ssyncset.done $0x0  }
0xa0: {  	[sflag:s22] =	ssyncadd.s32 s4;
	_ =	sdelay $0x1  }
0xa1: {  	s23 =	simm.s32 $0x1B8B  }
0xa2: {  	_ =	swait.ge [sflag:s23], $0x1  }
0xa3: {  	[sflag:s23] =	ssyncset.done $0x0  }
0xa4: {  	s25 =	simm.s32 $0x1B8E;
	s24 =	sld [smem:$0x3FFE];
	[sflag:s23] =	ssyncadd.s32 $0xFFFFFFFF  }
0xa5: {  	s26 =	simm.s32 $execute0_lowered;
	[smem:$0x3FD2] =	sst s25  }
0xa6: {  	s5 =	sshll.u32 s26, $0x1;
	_ =	strace $0x80000046;
	[dreg:$0x1] =	wrdreg $0xFFFFFFFF  }
0xa7: {  	s28 =	simm.s32 $_size_execute0_lowered;
	s3 =	sadd.s32 s3, s5;
	[dreg:$0x0] =	wrdreg $0x0  }
0xa8: {  	s5 =	sshll.u32 s28, $0x1;
	[dreg:$0x2] =	wrdreg s3  }
0xa9: {  	[dreg:$0x3] =	wrdreg s5  }
0xaa: {  	[dreg:$0x4] =	wrdreg $0xC0  }
0xab: {  	_ =	task [dreg:s7], $0x5FFFF  }
0xac: {  	[dreg:$0x1] =	wrdreg $0xFFFFFFFF  }
0xad: {  	[dreg:$0x0] =	wrdreg $0x60  }
0xae: {  	[dreg:$0x2] =	wrdreg s2  }
0xaf: {  	[dreg:$0x3] =	wrdreg s24  }
0xb0: {  	[dreg:$0x4] =	wrdreg $0x9  }
0xb1: {  	_ =	task.clear_ibuf [dreg:s7], $0x5FFFF;
	_ =	strace $0x90000046  }
0xb2: {  	s29 =	simm.s32 $0x9;
	_ =	strace $0x80000048  }
0xb3: {  	_ =	swait.ge [sflag:s29], $0x1  }
0xb4: {  	[sflag:s29] =	ssyncadd.s32 $0xFFFFFFFF  }
0xb5: {  	_ =	strace $0x90000048  }
0xb6: {  	_ =	sfence  }
0xb7: {  	s30 =	sld [smem:$0x0];
	_ =	sdelay $0x2  }
0xb8: {  	s31 =	sshll.u32 s1, $0xD;
	s1 =	sshrl.u32 s1, $0x2  }
0xb9: {  	s3 =	sand.u32 $0x4000, s31;
	s1 =	sadd.s32 s1, s30  }
0xba: {  	s0 =	sor.u32 s3, s0;
	s1 =	sshll.u32 s1, $0x11  }
0xbb: {  	s0 =	sor.u32 s1, s0  }
0xbc: {  	s0 =	sadd.s32 $0x8F2B, s0  }
0xbd: {  	[sflag:s0] =	ssyncadd.remote.s32 $0x1  }
0xbe: {  	_ =	sfence.sel $0xFFFF  }
0xbf: {  	[dreg:$0x0] =	wrdreg $0xFFFFFFFF;
	(pc) =	sbr.abs _section_cstart, $3  }
0xc0: {  	[dreg:$0x1] =	wrdreg $0xFFFFFFFF  }
0xc1: {  	_ =	task.clear_ibuf [dreg:s7], $0x2FFFF;
	_ =	strace $0x9FFFFFFF  }
0xc2: {  	(tm) =	ssettm $0x7FFFFFFF  }
0xc3: {  	_ =	shalt  }
tec
execute0_lowered:
.L_overlay_start_1:
0x0: {  	(tag) =	ssettag $0x1  }
0x1: {  	s0 =	srdreg.scid;
	s1 =	stileid.u32  }
0x2: {  	s2 =	rddreg [dreg:$0x0];
	s5 =	sand.u32 $0x1, s0;
	s22 =	sshll.u32 s1, $0x1  }
0x3: {  	s6 =	rddreg [dreg:$0x1];
	s0 =	sor.u32 s5, s22  }
0x4: {  	s3 =	simm.s32 $0x0;
	s31 =	simm.s32 $0x80;
	s4 =	smul.u32 $0x620, s0  }
0x5: {  	[smem:$0x7FF] =	sst s3;
	s1 =	sadd.s32 $0x1A00, s6;
	s8 =	smul.u32 $0x18800, s0  }
0x6: {  	_ =	strace $0x80000047;
	s5 =	ssub.s32 $0x2, s5;
	s0 =	sadd.s32 $0xB400, s6  }
0x7: {  	s7 =	sshrl.u32 s4, $0x3;
	s24 =	sadd.s32 $0x70, s4;
	s25 =	sadd.s32 s0, s8  }
0x8: {  	s30 =	sadd.s32 $0xE0, s4;
	s9 =	sadd.s32 $0x150, s4;
	s15 =	sadd.s32 $0x1C0, s4  }
0x9: {  	s17 =	sadd.s32 $0x230, s4;
	s23 =	sadd.s32 s1, s7;
	s26 =	sshrl.u32 s24, $0x3  }
0xa: {  	[dreg:$0x4] =	wrdreg s25;
	s7 =	sshll.u32 s24, $0x6;
	s8 =	sshrl.u32 s30, $0x3  }
0xb: {  	s11 =	sshrl.u32 s9, $0x3;
	s13 =	sshll.u32 s9, $0x6;
	s16 =	sshrl.u32 s15, $0x3  }
0xc: {  	s19 =	sshrl.u32 s17, $0x3;
	s21 =	sshll.u32 s17, $0x6;
	s25 =	sadd.s32 $0x310, s4  }
0xd: {  	s9 =	sadd.s32 $0x380, s4;
	s17 =	sadd.s32 $0x460, s4;
	[dreg:$0x3] =	wrdreg s23  }
0xe: {  	s28 =	sadd.s32 s1, s26;
	s29 =	sadd.s32 s0, s7;
	s6 =	sadd.s32 s1, s8  }
0xf: {  	s7 =	sshll.u32 s30, $0x6;
	s12 =	sadd.s32 s1, s11;
	[dreg:$0x5] =	wrdreg s28  }
0x10: {  	s14 =	sadd.s32 s0, s13;
	s20 =	sadd.s32 s1, s19;
	[dreg:$0x6] =	wrdreg s29  }
0x11: {  	s22 =	sadd.s32 s0, s21;
	s23 =	sadd.s32 $0x2A0, s4;
	[dreg:$0x7] =	wrdreg s6  }
0x12: {  	s30 =	sshll.u32 s25, $0x6;
	s11 =	sadd.s32 $0x3F0, s4;
	[dreg:$0x9] =	wrdreg s12  }
0x13: {  	s19 =	sadd.s32 $0x4D0, s4;
	s10 =	sadd.s32 s0, s7;
	[dreg:$0xa] =	wrdreg s14  }
0x14: {  	s6 =	sadd.s32 s1, s16;
	s7 =	sshll.u32 s15, $0x6;
	[dreg:$0xd] =	wrdreg s20  }
0x15: {  	[dreg:$0xe] =	wrdreg s22;
	s24 =	sshrl.u32 s23, $0x3;
	s28 =	sshrl.u32 s25, $0x3  }
0x16: {  	s8 =	sadd.s32 s0, s30;
	s13 =	sshrl.u32 s11, $0x3;
	[dreg:$0x8] =	wrdreg s10  }
0x17: {  	s15 =	sshll.u32 s11, $0x6;
	s21 =	sshrl.u32 s19, $0x3;
	[dreg:$0xb] =	wrdreg s6  }
0x18: {  	s25 =	sadd.s32 $0x540, s4;
	s18 =	sadd.s32 s0, s7;
	[dreg:$0x12] =	wrdreg s8  }
0x19: {  	s4 =	sadd.s32 $0x5B0, s4;
	s6 =	sadd.s32 s1, s24;
	[dreg:$0xc] =	wrdreg s18  }
0x1a: {  	s7 =	sshll.u32 s23, $0x6;
	s29 =	sadd.s32 s1, s28;
	[dreg:$0xf] =	wrdreg s6  }
0x1b: {  	s10 =	sshrl.u32 s9, $0x3;
	s14 =	sadd.s32 s1, s13;
	[dreg:$0x11] =	wrdreg s29  }
0x1c: {  	s16 =	sadd.s32 s0, s15;
	s22 =	sadd.s32 s1, s21;
	[dreg:$0x15] =	wrdreg s14  }
0x1d: {  	s23 =	sshll.u32 s19, $0x6;
	s28 =	sshrl.u32 s25, $0x3;
	[dreg:$0x16] =	wrdreg s16  }
0x1e: {  	s30 =	sshrl.u32 s4, $0x3;
	s26 =	sadd.s32 s0, s7;
	[dreg:$0x19] =	wrdreg s22  }
0x1f: {  	s4 =	sshll.u32 s4, $0x6;
	s6 =	sadd.s32 s1, s10;
	[dreg:$0x10] =	wrdreg s26  }
0x20: {  	s7 =	sshll.u32 s9, $0x6;
	s24 =	sadd.s32 s0, s23;
	[dreg:$0x13] =	wrdreg s6  }
0x21: {  	s18 =	sshrl.u32 s17, $0x3;
	s12 =	sadd.s32 s0, s7;
	[dreg:$0x1a] =	wrdreg s24  }
0x22: {  	s6 =	sadd.s32 s1, s18;
	s7 =	sshll.u32 s17, $0x6;
	[dreg:$0x14] =	wrdreg s12  }
0x23: {  	s9 =	simm.s32 $0x1;
	[dreg:$0x17] =	wrdreg s6;
	s20 =	sadd.s32 s0, s7  }
0x24: {  	s26 =	sshrl.u32 s5, $0x1;
	s6 =	sadd.s32 s1, s28;
	[dreg:$0x18] =	wrdreg s20  }
0x25: {  	s7 =	sshll.u32 s25, $0x6;
	s1 =	sadd.s32 s1, s30;
	[dreg:$0x1b] =	wrdreg s6  }
0x26: {  	v2 =	vlaneseq.u32;
	s5 =	ssub.s32 s5, s26;
	s29 =	sadd.s32 s0, s7;
	[dreg:$0x1d] =	wrdreg s1  }
0x27: {  	vm0 =	vmmov $0xffff;
	v1 =	vshrl.u32 v2, $0x3;
	s0 =	sadd.s32 s0, s4;
	s4 =	sadd.s32 $0x100, s2;
	[dreg:$0x1c] =	wrdreg s29  }
0x28: {  	v0 =	vand.u32 $0x7, v2;
	v2 =	vor.u32 $0x8, v2;
	v1 =	vmul.u32 $0x8, v1;
	s10 =	smax.u32 s5, $0x1;
	s6 =	simm.s32 $0x2;
	[dreg:$0x1e] =	wrdreg s0  }
.LBB2_1:
0x29: {  	[dreg:$0x1f] =	wrdreg s10  }
0x2a: {  	s21 =	rddreg [dreg:$0x3]  }
0x2b: {  	[tilespmem:s3], [sflag:$0x2] =	stream.linear.gather [hbm4b:s21+s3], $0x70, $0x38;
	[tilespmem:$0xE080] =	vst v63  }
0x2c: {  	_ =	swait.ge [sflag:s6], $0x70  }
0x2d: {  	[sflag:s6] =	ssyncset.done $0x0  }
0x2e: {  	[sflag:s6] =	ssyncadd.s32 $0xFFFFFF90  }
0x2f: {  	v3 =	vld [tilespmem:$0x0];
	_ =	sdelay $0x4  }
0x30: {  	v4 =	vshll.u32 v3, $0x2  }
0x31: {  	v3 =	vand.u32 $0x7, v3;
	v4 =	vand.u32 $0xFFFFFFE0, v4  }
0x32: {  	v3 =	vor.u32 v3, v4  }
0x33: {  	v4 =	vperm.xlane v3, v0;
	_ =	sdelay $0x1  }
0x34: {  	v4 =	vadd.s32 v1, v4;
	_ =	sdelay $0x1  }
0x35: {  	v3 =	vperm.xlane v3, v2;
	_ =	sdelay $0x1  }
0x36: {  	v3 =	vadd.s32 v1, v3  }
0x37: {  	[tilespmem:s31], [sflag:$0x1] =	stream.indirect_vreg.gather [hbm4b:s2+s3], $0x80, v4, vm0, $0xb8;
	[tilespmem:$0xE080] =	vst v63  }
0x38: {  	s0 =	simm.s32 $0x880  }
0x39: {  	[tilespmem:s0], [sflag:$0x1] =	stream.indirect_vreg.gather [hbm4b:s4+s3], $0x80, v4, vm0, $0xb8;
	[tilespmem:$0xE080] =	vst v63  }
0x3a: {  	s22 =	simm.s32 $0x1080  }
0x3b: {  	[tilespmem:s22], [sflag:$0x1] =	stream.indirect_vreg.gather [hbm4b:s2+s3], $0x80, v3, vm0, $0xb8;
	[tilespmem:$0xE080] =	vst v63  }
0x3c: {  	s23 =	simm.s32 $0x1880  }
0x3d: {  	[tilespmem:s23], [sflag:$0x1] =	stream.indirect_vreg.gather [hbm4b:s4+s3], $0x80, v3, vm0, $0xb8;
	[tilespmem:$0xE080] =	vst v63  }
0x3e: {  	v3 =	vld [tilespmem:$0x10];
	_ =	sdelay $0x4  }
0x3f: {  	v23 =	vshll.u32 v3, $0x2  }
0x40: {  	v3 =	vand.u32 $0x7, v3;
	v4 =	vand.u32 $0xFFFFFFE0, v23  }
0x41: {  	v3 =	vor.u32 v3, v4  }
0x42: {  	v4 =	vperm.xlane v3, v0;
	_ =	sdelay $0x1  }
0x43: {  	v4 =	vadd.s32 v1, v4;
	_ =	sdelay $0x1  }
0x44: {  	v3 =	vperm.xlane v3, v2;
	_ =	sdelay $0x1  }
0x45: {  	s24 =	simm.s32 $0x2080;
	v3 =	vadd.s32 v1, v3  }
0x46: {  	[tilespmem:s24], [sflag:$0x1] =	stream.indirect_vreg.gather [hbm4b:s2+s3], $0x80, v4, vm0, $0xb8;
	[tilespmem:$0xE080] =	vst v63  }
0x47: {  	s25 =	simm.s32 $0x2880  }
0x48: {  	[tilespmem:s25], [sflag:$0x1] =	stream.indirect_vreg.gather [hbm4b:s4+s3], $0x80, v4, vm0, $0xb8;
	[tilespmem:$0xE080] =	vst v63  }
0x49: {  	s26 =	simm.s32 $0x3080  }
0x4a: {  	[tilespmem:s26], [sflag:$0x1] =	stream.indirect_vreg.gather [hbm4b:s2+s3], $0x80, v3, vm0, $0xb8;
	[tilespmem:$0xE080] =	vst v63  }
0x4b: {  	s28 =	simm.s32 $0x3880  }
0x4c: {  	[tilespmem:s28], [sflag:$0x1] =	stream.indirect_vreg.gather [hbm4b:s4+s3], $0x80, v3, vm0, $0xb8;
	[tilespmem:$0xE080] =	vst v63  }
0x4d: {  	v3 =	vld [tilespmem:$0x20];
	_ =	sdelay $0x4  }
0x4e: {  	v24 =	vshll.u32 v3, $0x2  }
0x4f: {  	v3 =	vand.u32 $0x7, v3;
	v4 =	vand.u32 $0xFFFFFFE0, v24  }
0x50: {  	v3 =	vor.u32 v3, v4  }
0x51: {  	v4 =	vperm.xlane v3, v0;
	_ =	sdelay $0x1  }
0x52: {  	v4 =	vadd.s32 v1, v4;
	_ =	sdelay $0x1  }
0x53: {  	v3 =	vperm.xlane v3, v2;
	_ =	sdelay $0x1  }
0x54: {  	s29 =	simm.s32 $0x4080;
	v3 =	vadd.s32 v1, v3  }
0x55: {  	[tilespmem:s29], [sflag:$0x1] =	stream.indirect_vreg.gather [hbm4b:s2+s3], $0x80, v4, vm0, $0xb8;
	[tilespmem:$0xE080] =	vst v63  }
0x56: {  	s30 =	simm.s32 $0x4880  }
0x57: {  	[tilespmem:s30], [sflag:$0x1] =	stream.indirect_vreg.gather [hbm4b:s4+s3], $0x80, v4, vm0, $0xb8;
	[tilespmem:$0xE080] =	vst v63  }
0x58: {  	s1 =	simm.s32 $0x5080  }
0x59: {  	[tilespmem:s1], [sflag:$0x1] =	stream.indirect_vreg.gather [hbm4b:s2+s3], $0x80, v3, vm0, $0xb8;
	[tilespmem:$0xE080] =	vst v63  }
0x5a: {  	s5 =	simm.s32 $0x5880  }
0x5b: {  	[tilespmem:s5], [sflag:$0x1] =	stream.indirect_vreg.gather [hbm4b:s4+s3], $0x80, v3, vm0, $0xb8;
	[tilespmem:$0xE080] =	vst v63  }
0x5c: {  	v3 =	vld [tilespmem:$0x30];
	_ =	sdelay $0x4  }
0x5d: {  	v25 =	vshll.u32 v3, $0x2  }
0x5e: {  	v3 =	vand.u32 $0x7, v3;
	v4 =	vand.u32 $0xFFFFFFE0, v25  }
0x5f: {  	v3 =	vor.u32 v3, v4  }
0x60: {  	v4 =	vperm.xlane v3, v0;
	_ =	sdelay $0x1  }
0x61: {  	v4 =	vadd.s32 v1, v4;
	_ =	sdelay $0x1  }
0x62: {  	v3 =	vperm.xlane v3, v2;
	_ =	sdelay $0x1  }
0x63: {  	s8 =	simm.s32 $0x6080;
	v3 =	vadd.s32 v1, v3  }
0x64: {  	[tilespmem:s8], [sflag:$0x1] =	stream.indirect_vreg.gather [hbm4b:s2+s3], $0x80, v4, vm0, $0xb8;
	[tilespmem:$0xE080] =	vst v63  }
0x65: {  	s10 =	simm.s32 $0x6880  }
0x66: {  	[tilespmem:s10], [sflag:$0x1] =	stream.indirect_vreg.gather [hbm4b:s4+s3], $0x80, v4, vm0, $0xb8;
	[tilespmem:$0xE080] =	vst v63  }
0x67: {  	s11 =	simm.s32 $0x7080  }
0x68: {  	[tilespmem:s11], [sflag:$0x1] =	stream.indirect_vreg.gather [hbm4b:s2+s3], $0x80, v3, vm0, $0xb8;
	[tilespmem:$0xE080] =	vst v63  }
0x69: {  	s12 =	simm.s32 $0x7880  }
0x6a: {  	[tilespmem:s12], [sflag:$0x1] =	stream.indirect_vreg.gather [hbm4b:s4+s3], $0x80, v3, vm0, $0xb8;
	[tilespmem:$0xE080] =	vst v63  }
0x6b: {  	v3 =	vld [tilespmem:$0x40];
	_ =	sdelay $0x4  }
0x6c: {  	v26 =	vshll.u32 v3, $0x2  }
0x6d: {  	v3 =	vand.u32 $0x7, v3;
	v4 =	vand.u32 $0xFFFFFFE0, v26  }
0x6e: {  	v3 =	vor.u32 v3, v4  }
0x6f: {  	v4 =	vperm.xlane v3, v0;
	_ =	sdelay $0x1  }
0x70: {  	v4 =	vadd.s32 v1, v4;
	_ =	sdelay $0x1  }
0x71: {  	v3 =	vperm.xlane v3, v2;
	_ =	sdelay $0x1  }
0x72: {  	s13 =	simm.s32 $0x8080;
	v3 =	vadd.s32 v1, v3  }
0x73: {  	[tilespmem:s13], [sflag:$0x1] =	stream.indirect_vreg.gather [hbm4b:s2+s3], $0x80, v4, vm0, $0xb8;
	[tilespmem:$0xE080] =	vst v63  }
0x74: {  	s14 =	simm.s32 $0x8880  }
0x75: {  	[tilespmem:s14], [sflag:$0x1] =	stream.indirect_vreg.gather [hbm4b:s4+s3], $0x80, v4, vm0, $0xb8;
	[tilespmem:$0xE080] =	vst v63  }
0x76: {  	s15 =	simm.s32 $0x9080  }
0x77: {  	[tilespmem:s15], [sflag:$0x1] =	stream.indirect_vreg.gather [hbm4b:s2+s3], $0x80, v3, vm0, $0xb8;
	[tilespmem:$0xE080] =	vst v63  }
0x78: {  	s16 =	simm.s32 $0x9880  }
0x79: {  	[tilespmem:s16], [sflag:$0x1] =	stream.indirect_vreg.gather [hbm4b:s4+s3], $0x80, v3, vm0, $0xb8;
	[tilespmem:$0xE080] =	vst v63  }
0x7a: {  	v3 =	vld [tilespmem:$0x50];
	_ =	sdelay $0x4  }
0x7b: {  	v27 =	vshll.u32 v3, $0x2  }
0x7c: {  	v3 =	vand.u32 $0x7, v3;
	v4 =	vand.u32 $0xFFFFFFE0, v27  }
0x7d: {  	v3 =	vor.u32 v3, v4  }
0x7e: {  	v4 =	vperm.xlane v3, v0;
	_ =	sdelay $0x1  }
0x7f: {  	v4 =	vadd.s32 v1, v4;
	_ =	sdelay $0x1  }
0x80: {  	v3 =	vperm.xlane v3, v2;
	_ =	sdelay $0x1  }
0x81: {  	s17 =	simm.s32 $0xA080;
	v3 =	vadd.s32 v1, v3  }
0x82: {  	[tilespmem:s17], [sflag:$0x1] =	stream.indirect_vreg.gather [hbm4b:s2+s3], $0x80, v4, vm0, $0xb8;
	[tilespmem:$0xE080] =	vst v63  }
0x83: {  	s18 =	simm.s32 $0xA880  }
0x84: {  	[tilespmem:s18], [sflag:$0x1] =	stream.indirect_vreg.gather [hbm4b:s4+s3], $0x80, v4, vm0, $0xb8;
	[tilespmem:$0xE080] =	vst v63  }
0x85: {  	s19 =	simm.s32 $0xB080  }
0x86: {  	[tilespmem:s19], [sflag:$0x1] =	stream.indirect_vreg.gather [hbm4b:s2+s3], $0x80, v3, vm0, $0xb8;
	[tilespmem:$0xE080] =	vst v63  }
0x87: {  	s20 =	simm.s32 $0xB880  }
0x88: {  	[tilespmem:s20], [sflag:$0x1] =	stream.indirect_vreg.gather [hbm4b:s4+s3], $0x80, v3, vm0, $0xb8;
	[tilespmem:$0xE080] =	vst v63  }
0x89: {  	v3 =	vld [tilespmem:$0x60];
	_ =	sdelay $0x4  }
0x8a: {  	v28 =	vshll.u32 v3, $0x2  }
0x8b: {  	v3 =	vand.u32 $0x7, v3;
	v4 =	vand.u32 $0xFFFFFFE0, v28  }
0x8c: {  	v3 =	vor.u32 v3, v4  }
0x8d: {  	v4 =	vperm.xlane v3, v0;
	_ =	sdelay $0x1  }
0x8e: {  	v4 =	vadd.s32 v1, v4;
	_ =	sdelay $0x1  }
0x8f: {  	v3 =	vperm.xlane v3, v2;
	_ =	sdelay $0x1  }
0x90: {  	s21 =	simm.s32 $0xC080;
	v3 =	vadd.s32 v1, v3  }
0x91: {  	[tilespmem:s21], [sflag:$0x1] =	stream.indirect_vreg.gather [hbm4b:s2+s3], $0x80, v4, vm0, $0xb8;
	[tilespmem:$0xE080] =	vst v63  }
0x92: {  	s22 =	simm.s32 $0xC880  }
0x93: {  	[tilespmem:s22], [sflag:$0x1] =	stream.indirect_vreg.gather [hbm4b:s4+s3], $0x80, v4, vm0, $0xb8;
	[tilespmem:$0xE080] =	vst v63  }
0x94: {  	s23 =	simm.s32 $0xD080  }
0x95: {  	[tilespmem:s23], [sflag:$0x1] =	stream.indirect_vreg.gather [hbm4b:s2+s3], $0x80, v3, vm0, $0xb8;
	[tilespmem:$0xE080] =	vst v63  }
0x96: {  	s24 =	simm.s32 $0xD880  }
0x97: {  	[tilespmem:s24], [sflag:$0x1] =	stream.indirect_vreg.gather [hbm4b:s4+s3], $0x80, v3, vm0, $0xb8;
	[tilespmem:$0xE080] =	vst v63  }
0x98: {  	_ =	swait.ge [sflag:s9], $0xE000  }
0x99: {  	[sflag:s9] =	ssyncset.done $0x0  }
0x9a: {  	s25 =	rddreg [dreg:$0x4];
	[sflag:s9] =	ssyncadd.s32 $0xFFFF2000  }
0x9b: {  	[hbm4b:s25+s3] =	stream.linear.scatter [tilespmem:s31], [sflag:$0x2], $0xE000, $0x38;
	[tilespmem:$0xE080] =	vst v63  }
0x9c: {  	_ =	swait.ge [sflag:s6], $0xE000  }
0x9d: {  	[sflag:s6] =	ssyncset.done $0x0  }
0x9e: {  	s26 =	rddreg [dreg:$0x5];
	[sflag:s6] =	ssyncadd.s32 $0xFFFF2000  }
0x9f: {  	[tilespmem:s3], [sflag:$0x2] =	stream.linear.gather [hbm4b:s26+s3], $0x70, $0x38;
	[tilespmem:$0xE080] =	vst v63  }
0xa0: {  	_ =	swait.ge [sflag:s6], $0x70  }
0xa1: {  	[sflag:s6] =	ssyncset.done $0x0  }
0xa2: {  	[sflag:s6] =	ssyncadd.s32 $0xFFFFFF90  }
0xa3: {  	v3 =	vld [tilespmem:$0x0];
	_ =	sdelay $0x4  }
0xa4: {  	v29 =	vshll.u32 v3, $0x2  }
0xa5: {  	v3 =	vand.u32 $0x7, v3;
	v4 =	vand.u32 $0xFFFFFFE0, v29  }
0xa6: {  	v3 =	vor.u32 v3, v4  }
0xa7: {  	v4 =	vperm.xlane v3, v0;
	_ =	sdelay $0x1  }
0xa8: {  	v4 =	vadd.s32 v1, v4;
	_ =	sdelay $0x1  }
0xa9: {  	v3 =	vperm.xlane v3, v2;
	_ =	sdelay $0x1  }
0xaa: {  	v3 =	vadd.s32 v1, v3  }
0xab: {  	[tilespmem:s31], [sflag:$0x1] =	stream.indirect_vreg.gather [hbm4b:s2+s3], $0x80, v4, vm0, $0xb8;
	[tilespmem:$0xE080] =	vst v63  }
0xac: {  	s1 =	simm.s32 $0x880  }
0xad: {  	[tilespmem:s1], [sflag:$0x1] =	stream.indirect_vreg.gather [hbm4b:s4+s3], $0x80, v4, vm0, $0xb8;
	[tilespmem:$0xE080] =	vst v63  }
0xae: {  	s5 =	simm.s32 $0x1080  }
0xaf: {  	[tilespmem:s5], [sflag:$0x1] =	stream.indirect_vreg.gather [hbm4b:s2+s3], $0x80, v3, vm0, $0xb8;
	[tilespmem:$0xE080] =	vst v63  }
0xb0: {  	s7 =	simm.s32 $0x1880  }
0xb1: {  	[tilespmem:s7], [sflag:$0x1] =	stream.indirect_vreg.gather [hbm4b:s4+s3], $0x80, v3, vm0, $0xb8;
	[tilespmem:$0xE080] =	vst v63  }
0xb2: {  	v3 =	vld [tilespmem:$0x10];
	_ =	sdelay $0x4  }
0xb3: {  	v30 =	vshll.u32 v3, $0x2  }
0xb4: {  	v3 =	vand.u32 $0x7, v3;
	v4 =	vand.u32 $0xFFFFFFE0, v30  }
0xb5: {  	v3 =	vor.u32 v3, v4  }
0xb6: {  	v4 =	vperm.xlane v3, v0;
	_ =	sdelay $0x1  }
0xb7: {  	v4 =	vadd.s32 v1, v4;
	_ =	sdelay $0x1  }
0xb8: {  	v3 =	vperm.xlane v3, v2;
	_ =	sdelay $0x1  }
0xb9: {  	s7 =	simm.s32 $0x2080;
	v3 =	vadd.s32 v1, v3  }
0xba: {  	[tilespmem:s7], [sflag:$0x1] =	stream.indirect_vreg.gather [hbm4b:s2+s3], $0x80, v4, vm0, $0xb8;
	[tilespmem:$0xE080] =	vst v63  }
0xbb: {  	s8 =	simm.s32 $0x2880  }
0xbc: {  	[tilespmem:s8], [sflag:$0x1] =	stream.indirect_vreg.gather [hbm4b:s4+s3], $0x80, v4, vm0, $0xb8;
	[tilespmem:$0xE080] =	vst v63  }
0xbd: {  	s11 =	simm.s32 $0x3080  }
0xbe: {  	[tilespmem:s11], [sflag:$0x1] =	stream.indirect_vreg.gather [hbm4b:s2+s3], $0x80, v3, vm0, $0xb8;
	[tilespmem:$0xE080] =	vst v63  }
0xbf: {  	s12 =	simm.s32 $0x3880  }
0xc0: {  	[tilespmem:s12], [sflag:$0x1] =	stream.indirect_vreg.gather [hbm4b:s4+s3], $0x80, v3, vm0, $0xb8;
	[tilespmem:$0xE080] =	vst v63  }
0xc1: {  	v3 =	vld [tilespmem:$0x20];
	_ =	sdelay $0x4  }
0xc2: {  	v31 =	vshll.u32 v3, $0x2  }
0xc3: {  	v3 =	vand.u32 $0x7, v3;
	v4 =	vand.u32 $0xFFFFFFE0, v31  }
0xc4: {  	v3 =	vor.u32 v3, v4  }
0xc5: {  	v4 =	vperm.xlane v3, v0;
	_ =	sdelay $0x1  }
0xc6: {  	v4 =	vadd.s32 v1, v4;
	_ =	sdelay $0x1  }
0xc7: {  	v3 =	vperm.xlane v3, v2;
	_ =	sdelay $0x1  }
0xc8: {  	s14 =	simm.s32 $0x4080;
	v3 =	vadd.s32 v1, v3  }
0xc9: {  	[tilespmem:s14], [sflag:$0x1] =	stream.indirect_vreg.gather [hbm4b:s2+s3], $0x80, v4, vm0, $0xb8;
	[tilespmem:$0xE080] =	vst v63  }
0xca: {  	s15 =	simm.s32 $0x4880  }
0xcb: {  	[tilespmem:s15], [sflag:$0x1] =	stream.indirect_vreg.gather [hbm4b:s4+s3], $0x80, v4, vm0, $0xb8;
	[tilespmem:$0xE080] =	vst v63  }
0xcc: {  	s16 =	simm.s32 $0x5080  }
0xcd: {  	[tilespmem:s16], [sflag:$0x1] =	stream.indirect_vreg.gather [hbm4b:s2+s3], $0x80, v3, vm0, $0xb8;
	[tilespmem:$0xE080] =	vst v63  }
0xce: {  	s17 =	simm.s32 $0x5880  }
0xcf: {  	[tilespmem:s17], [sflag:$0x1] =	stream.indirect_vreg.gather [hbm4b:s4+s3], $0x80, v3, vm0, $0xb8;
	[tilespmem:$0xE080] =	vst v63  }
0xd0: {  	v3 =	vld [tilespmem:$0x30];
	_ =	sdelay $0x4  }
0xd1: {  	v32 =	vshll.u32 v3, $0x2  }
0xd2: {  	v3 =	vand.u32 $0x7, v3;
	v4 =	vand.u32 $0xFFFFFFE0, v32  }
0xd3: {  	v3 =	vor.u32 v3, v4  }
0xd4: {  	v4 =	vperm.xlane v3, v0;
	_ =	sdelay $0x1  }
0xd5: {  	v4 =	vadd.s32 v1, v4;
	_ =	sdelay $0x1  }
0xd6: {  	v3 =	vperm.xlane v3, v2;
	_ =	sdelay $0x1  }
0xd7: {  	s18 =	simm.s32 $0x6080;
	v3 =	vadd.s32 v1, v3  }
0xd8: {  	[tilespmem:s18], [sflag:$0x1] =	stream.indirect_vreg.gather [hbm4b:s2+s3], $0x80, v4, vm0, $0xb8;
	[tilespmem:$0xE080] =	vst v63  }
0xd9: {  	s19 =	simm.s32 $0x6880  }
0xda: {  	[tilespmem:s19], [sflag:$0x1] =	stream.indirect_vreg.gather [hbm4b:s4+s3], $0x80, v4, vm0, $0xb8;
	[tilespmem:$0xE080] =	vst v63  }
0xdb: {  	s20 =	simm.s32 $0x7080  }
0xdc: {  	[tilespmem:s20], [sflag:$0x1] =	stream.indirect_vreg.gather [hbm4b:s2+s3], $0x80, v3, vm0, $0xb8;
	[tilespmem:$0xE080] =	vst v63  }
0xdd: {  	s21 =	simm.s32 $0x7880  }
0xde: {  	[tilespmem:s21], [sflag:$0x1] =	stream.indirect_vreg.gather [hbm4b:s4+s3], $0x80, v3, vm0, $0xb8;
	[tilespmem:$0xE080] =	vst v63  }
0xdf: {  	v3 =	vld [tilespmem:$0x40];
	_ =	sdelay $0x4  }
0xe0: {  	v33 =	vshll.u32 v3, $0x2  }
0xe1: {  	v3 =	vand.u32 $0x7, v3;
	v4 =	vand.u32 $0xFFFFFFE0, v33  }
0xe2: {  	v3 =	vor.u32 v3, v4  }
0xe3: {  	v4 =	vperm.xlane v3, v0;
	_ =	sdelay $0x1  }
0xe4: {  	v4 =	vadd.s32 v1, v4;
	_ =	sdelay $0x1  }
0xe5: {  	v3 =	vperm.xlane v3, v2;
	_ =	sdelay $0x1  }
0xe6: {  	s22 =	simm.s32 $0x8080;
	v3 =	vadd.s32 v1, v3  }
0xe7: {  	[tilespmem:s22], [sflag:$0x1] =	stream.indirect_vreg.gather [hbm4b:s2+s3], $0x80, v4, vm0, $0xb8;
	[tilespmem:$0xE080] =	vst v63  }
0xe8: {  	s23 =	simm.s32 $0x8880  }
0xe9: {  	[tilespmem:s23], [sflag:$0x1] =	stream.indirect_vreg.gather [hbm4b:s4+s3], $0x80, v4, vm0, $0xb8;
	[tilespmem:$0xE080] =	vst v63  }
0xea: {  	s24 =	simm.s32 $0x9080  }
0xeb: {  	[tilespmem:s24], [sflag:$0x1] =	stream.indirect_vreg.gather [hbm4b:s2+s3], $0x80, v3, vm0, $0xb8;
	[tilespmem:$0xE080] =	vst v63  }
0xec: {  	s25 =	simm.s32 $0x9880  }
0xed: {  	[tilespmem:s25], [sflag:$0x1] =	stream.indirect_vreg.gather [hbm4b:s4+s3], $0x80, v3, vm0, $0xb8;
	[tilespmem:$0xE080] =	vst v63  }
0xee: {  	v3 =	vld [tilespmem:$0x50];
	_ =	sdelay $0x4  }
0xef: {  	v34 =	vshll.u32 v3, $0x2  }
0xf0: {  	v3 =	vand.u32 $0x7, v3;
	v4 =	vand.u32 $0xFFFFFFE0, v34  }
0xf1: {  	v3 =	vor.u32 v3, v4  }
0xf2: {  	v4 =	vperm.xlane v3, v0;
	_ =	sdelay $0x1  }
0xf3: {  	v4 =	vadd.s32 v1, v4;
	_ =	sdelay $0x1  }
0xf4: {  	v3 =	vperm.xlane v3, v2;
	_ =	sdelay $0x1  }
0xf5: {  	s26 =	simm.s32 $0xA080;
	v3 =	vadd.s32 v1, v3  }
0xf6: {  	[tilespmem:s26], [sflag:$0x1] =	stream.indirect_vreg.gather [hbm4b:s2+s3], $0x80, v4, vm0, $0xb8;
	[tilespmem:$0xE080] =	vst v63  }
0xf7: {  	s0 =	simm.s32 $0xA880  }
0xf8: {  	[tilespmem:s0], [sflag:$0x1] =	stream.indirect_vreg.gather [hbm4b:s4+s3], $0x80, v4, vm0, $0xb8;
	[tilespmem:$0xE080] =	vst v63  }
0xf9: {  	s13 =	simm.s32 $0xB080  }
0xfa: {  	[tilespmem:s13], [sflag:$0x1] =	stream.indirect_vreg.gather [hbm4b:s2+s3], $0x80, v3, vm0, $0xb8;
	[tilespmem:$0xE080] =	vst v63  }
0xfb: {  	s13 =	simm.s32 $0xB880  }
0xfc: {  	[tilespmem:s13], [sflag:$0x1] =	stream.indirect_vreg.gather [hbm4b:s4+s3], $0x80, v3, vm0, $0xb8;
	[tilespmem:$0xE080] =	vst v63  }
0xfd: {  	v3 =	vld [tilespmem:$0x60];
	_ =	sdelay $0x4  }
0xfe: {  	v35 =	vshll.u32 v3, $0x2  }
0xff: {  	v3 =	vand.u32 $0x7, v3;
	v4 =	vand.u32 $0xFFFFFFE0, v35  }
0x100: {  	v3 =	vor.u32 v3, v4  }
0x101: {  	v4 =	vperm.xlane v3, v0;
	_ =	sdelay $0x1  }
0x102: {  	v4 =	vadd.s32 v1, v4;
	_ =	sdelay $0x1  }
0x103: {  	v3 =	vperm.xlane v3, v2;
	_ =	sdelay $0x1  }
0x104: {  	s29 =	simm.s32 $0xC080;
	v3 =	vadd.s32 v1, v3  }
0x105: {  	[tilespmem:s29], [sflag:$0x1] =	stream.indirect_vreg.gather [hbm4b:s2+s3], $0x80, v4, vm0, $0xb8;
	[tilespmem:$0xE080] =	vst v63  }
0x106: {  	s30 =	simm.s32 $0xC880  }
0x107: {  	[tilespmem:s30], [sflag:$0x1] =	stream.indirect_vreg.gather [hbm4b:s4+s3], $0x80, v4, vm0, $0xb8;
	[tilespmem:$0xE080] =	vst v63  }
0x108: {  	s30 =	simm.s32 $0xD080  }
0x109: {  	[tilespmem:s30], [sflag:$0x1] =	stream.indirect_vreg.gather [hbm4b:s2+s3], $0x80, v3, vm0, $0xb8;
	[tilespmem:$0xE080] =	vst v63  }
0x10a: {  	s28 =	simm.s32 $0xD880  }
0x10b: {  	[tilespmem:s28], [sflag:$0x1] =	stream.indirect_vreg.gather [hbm4b:s4+s3], $0x80, v3, vm0, $0xb8;
	[tilespmem:$0xE080] =	vst v63  }
0x10c: {  	_ =	swait.ge [sflag:s9], $0xE000  }
0x10d: {  	[sflag:s9] =	ssyncset.done $0x0  }
0x10e: {  	s10 =	rddreg [dreg:$0x6];
	[sflag:s9] =	ssyncadd.s32 $0xFFFF2000  }
0x10f: {  	[hbm4b:s10+s3] =	stream.linear.scatter [tilespmem:s31], [sflag:$0x2], $0xE000, $0x38;
	[tilespmem:$0xE080] =	vst v63  }
0x110: {  	_ =	swait.ge [sflag:s6], $0xE000  }
0x111: {  	[sflag:s6] =	ssyncset.done $0x0  }
0x112: {  	s10 =	rddreg [dreg:$0x7];
	[sflag:s6] =	ssyncadd.s32 $0xFFFF2000  }
0x113: {  	[tilespmem:s3], [sflag:$0x2] =	stream.linear.gather [hbm4b:s10+s3], $0x70, $0x38;
	[tilespmem:$0xE080] =	vst v63  }
0x114: {  	_ =	swait.ge [sflag:s6], $0x70  }
0x115: {  	[sflag:s6] =	ssyncset.done $0x0  }
0x116: {  	[sflag:s6] =	ssyncadd.s32 $0xFFFFFF90  }
0x117: {  	v3 =	vld [tilespmem:$0x0];
	_ =	sdelay $0x4  }
0x118: {  	v36 =	vshll.u32 v3, $0x2  }
0x119: {  	v3 =	vand.u32 $0x7, v3;
	v4 =	vand.u32 $0xFFFFFFE0, v36  }
0x11a: {  	v3 =	vor.u32 v3, v4  }
0x11b: {  	v4 =	vperm.xlane v3, v0;
	_ =	sdelay $0x1  }
0x11c: {  	v4 =	vadd.s32 v1, v4;
	_ =	sdelay $0x1  }
0x11d: {  	v3 =	vperm.xlane v3, v2;
	_ =	sdelay $0x1  }
0x11e: {  	v3 =	vadd.s32 v1, v3  }
0x11f: {  	[tilespmem:s31], [sflag:$0x1] =	stream.indirect_vreg.gather [hbm4b:s2+s3], $0x80, v4, vm0, $0xb8;
	[tilespmem:$0xE080] =	vst v63  }
0x120: {  	_ = 	snop  }
0x121: {  	[tilespmem:s1], [sflag:$0x1] =	stream.indirect_vreg.gather [hbm4b:s4+s3], $0x80, v4, vm0, $0xb8;
	[tilespmem:$0xE080] =	vst v63  }
0x122: {  	_ = 	snop  }
0x123: {  	[tilespmem:s5], [sflag:$0x1] =	stream.indirect_vreg.gather [hbm4b:s2+s3], $0x80, v3, vm0, $0xb8;
	[tilespmem:$0xE080] =	vst v63  }
0x124: {  	s10 =	simm.s32 $0x1880  }
0x125: {  	[tilespmem:s10], [sflag:$0x1] =	stream.indirect_vreg.gather [hbm4b:s4+s3], $0x80, v3, vm0, $0xb8;
	[tilespmem:$0xE080] =	vst v63  }
0x126: {  	v3 =	vld [tilespmem:$0x10];
	_ =	sdelay $0x4  }
0x127: {  	v37 =	vshll.u32 v3, $0x2  }
0x128: {  	v3 =	vand.u32 $0x7, v3;
	v4 =	vand.u32 $0xFFFFFFE0, v37  }
0x129: {  	v3 =	vor.u32 v3, v4  }
0x12a: {  	v4 =	vperm.xlane v3, v0;
	_ =	sdelay $0x1  }
0x12b: {  	v4 =	vadd.s32 v1, v4;
	_ =	sdelay $0x1  }
0x12c: {  	v3 =	vperm.xlane v3, v2;
	_ =	sdelay $0x1  }
0x12d: {  	v3 =	vadd.s32 v1, v3  }
0x12e: {  	[tilespmem:s7], [sflag:$0x1] =	stream.indirect_vreg.gather [hbm4b:s2+s3], $0x80, v4, vm0, $0xb8;
	[tilespmem:$0xE080] =	vst v63  }
0x12f: {  	_ = 	snop  }
0x130: {  	[tilespmem:s8], [sflag:$0x1] =	stream.indirect_vreg.gather [hbm4b:s4+s3], $0x80, v4, vm0, $0xb8;
	[tilespmem:$0xE080] =	vst v63  }
0x131: {  	_ = 	snop  }
0x132: {  	[tilespmem:s11], [sflag:$0x1] =	stream.indirect_vreg.gather [hbm4b:s2+s3], $0x80, v3, vm0, $0xb8;
	[tilespmem:$0xE080] =	vst v63  }
0x133: {  	_ = 	snop  }
0x134: {  	[tilespmem:s12], [sflag:$0x1] =	stream.indirect_vreg.gather [hbm4b:s4+s3], $0x80, v3, vm0, $0xb8;
	[tilespmem:$0xE080] =	vst v63  }
0x135: {  	v3 =	vld [tilespmem:$0x20];
	_ =	sdelay $0x4  }
0x136: {  	v38 =	vshll.u32 v3, $0x2  }
0x137: {  	v3 =	vand.u32 $0x7, v3;
	v4 =	vand.u32 $0xFFFFFFE0, v38  }
0x138: {  	v3 =	vor.u32 v3, v4  }
0x139: {  	v4 =	vperm.xlane v3, v0;
	_ =	sdelay $0x1  }
0x13a: {  	v4 =	vadd.s32 v1, v4;
	_ =	sdelay $0x1  }
0x13b: {  	v3 =	vperm.xlane v3, v2;
	_ =	sdelay $0x1  }
0x13c: {  	v3 =	vadd.s32 v1, v3  }
0x13d: {  	[tilespmem:s14], [sflag:$0x1] =	stream.indirect_vreg.gather [hbm4b:s2+s3], $0x80, v4, vm0, $0xb8;
	[tilespmem:$0xE080] =	vst v63  }
0x13e: {  	_ = 	snop  }
0x13f: {  	[tilespmem:s15], [sflag:$0x1] =	stream.indirect_vreg.gather [hbm4b:s4+s3], $0x80, v4, vm0, $0xb8;
	[tilespmem:$0xE080] =	vst v63  }
0x140: {  	_ = 	snop  }
0x141: {  	[tilespmem:s16], [sflag:$0x1] =	stream.indirect_vreg.gather [hbm4b:s2+s3], $0x80, v3, vm0, $0xb8;
	[tilespmem:$0xE080] =	vst v63  }
0x142: {  	_ = 	snop  }
0x143: {  	[tilespmem:s17], [sflag:$0x1] =	stream.indirect_vreg.gather [hbm4b:s4+s3], $0x80, v3, vm0, $0xb8;
	[tilespmem:$0xE080] =	vst v63  }
0x144: {  	v3 =	vld [tilespmem:$0x30];
	_ =	sdelay $0x4  }
0x145: {  	v39 =	vshll.u32 v3, $0x2  }
0x146: {  	v3 =	vand.u32 $0x7, v3;
	v4 =	vand.u32 $0xFFFFFFE0, v39  }
0x147: {  	v3 =	vor.u32 v3, v4  }
0x148: {  	v4 =	vperm.xlane v3, v0;
	_ =	sdelay $0x1  }
0x149: {  	v4 =	vadd.s32 v1, v4;
	_ =	sdelay $0x1  }
0x14a: {  	v3 =	vperm.xlane v3, v2;
	_ =	sdelay $0x1  }
0x14b: {  	v3 =	vadd.s32 v1, v3  }
0x14c: {  	[tilespmem:s18], [sflag:$0x1] =	stream.indirect_vreg.gather [hbm4b:s2+s3], $0x80, v4, vm0, $0xb8;
	[tilespmem:$0xE080] =	vst v63  }
0x14d: {  	_ = 	snop  }
0x14e: {  	[tilespmem:s19], [sflag:$0x1] =	stream.indirect_vreg.gather [hbm4b:s4+s3], $0x80, v4, vm0, $0xb8;
	[tilespmem:$0xE080] =	vst v63  }
0x14f: {  	_ = 	snop  }
0x150: {  	[tilespmem:s20], [sflag:$0x1] =	stream.indirect_vreg.gather [hbm4b:s2+s3], $0x80, v3, vm0, $0xb8;
	[tilespmem:$0xE080] =	vst v63  }
0x151: {  	_ = 	snop  }
0x152: {  	[tilespmem:s21], [sflag:$0x1] =	stream.indirect_vreg.gather [hbm4b:s4+s3], $0x80, v3, vm0, $0xb8;
	[tilespmem:$0xE080] =	vst v63  }
0x153: {  	v3 =	vld [tilespmem:$0x40];
	_ =	sdelay $0x4  }
0x154: {  	v40 =	vshll.u32 v3, $0x2  }
0x155: {  	v3 =	vand.u32 $0x7, v3;
	v4 =	vand.u32 $0xFFFFFFE0, v40  }
0x156: {  	v3 =	vor.u32 v3, v4  }
0x157: {  	v4 =	vperm.xlane v3, v0;
	_ =	sdelay $0x1  }
0x158: {  	v4 =	vadd.s32 v1, v4;
	_ =	sdelay $0x1  }
0x159: {  	v3 =	vperm.xlane v3, v2;
	_ =	sdelay $0x1  }
0x15a: {  	v3 =	vadd.s32 v1, v3  }
0x15b: {  	[tilespmem:s22], [sflag:$0x1] =	stream.indirect_vreg.gather [hbm4b:s2+s3], $0x80, v4, vm0, $0xb8;
	[tilespmem:$0xE080] =	vst v63  }
0x15c: {  	_ = 	snop  }
0x15d: {  	[tilespmem:s23], [sflag:$0x1] =	stream.indirect_vreg.gather [hbm4b:s4+s3], $0x80, v4, vm0, $0xb8;
	[tilespmem:$0xE080] =	vst v63  }
0x15e: {  	_ = 	snop  }
0x15f: {  	[tilespmem:s24], [sflag:$0x1] =	stream.indirect_vreg.gather [hbm4b:s2+s3], $0x80, v3, vm0, $0xb8;
	[tilespmem:$0xE080] =	vst v63  }
0x160: {  	_ = 	snop  }
0x161: {  	[tilespmem:s25], [sflag:$0x1] =	stream.indirect_vreg.gather [hbm4b:s4+s3], $0x80, v3, vm0, $0xb8;
	[tilespmem:$0xE080] =	vst v63  }
0x162: {  	v3 =	vld [tilespmem:$0x50];
	_ =	sdelay $0x4  }
0x163: {  	v41 =	vshll.u32 v3, $0x2  }
0x164: {  	v3 =	vand.u32 $0x7, v3;
	v4 =	vand.u32 $0xFFFFFFE0, v41  }
0x165: {  	v3 =	vor.u32 v3, v4  }
0x166: {  	v4 =	vperm.xlane v3, v0;
	_ =	sdelay $0x1  }
0x167: {  	v4 =	vadd.s32 v1, v4;
	_ =	sdelay $0x1  }
0x168: {  	v3 =	vperm.xlane v3, v2;
	_ =	sdelay $0x1  }
0x169: {  	v3 =	vadd.s32 v1, v3  }
0x16a: {  	[tilespmem:s26], [sflag:$0x1] =	stream.indirect_vreg.gather [hbm4b:s2+s3], $0x80, v4, vm0, $0xb8;
	[tilespmem:$0xE080] =	vst v63  }
0x16b: {  	_ = 	snop  }
0x16c: {  	[tilespmem:s0], [sflag:$0x1] =	stream.indirect_vreg.gather [hbm4b:s4+s3], $0x80, v4, vm0, $0xb8;
	[tilespmem:$0xE080] =	vst v63  }
0x16d: {  	s12 =	simm.s32 $0xB080  }
0x16e: {  	[tilespmem:s12], [sflag:$0x1] =	stream.indirect_vreg.gather [hbm4b:s2+s3], $0x80, v3, vm0, $0xb8;
	[tilespmem:$0xE080] =	vst v63  }
0x16f: {  	_ = 	snop  }
0x170: {  	[tilespmem:s13], [sflag:$0x1] =	stream.indirect_vreg.gather [hbm4b:s4+s3], $0x80, v3, vm0, $0xb8;
	[tilespmem:$0xE080] =	vst v63  }
0x171: {  	v3 =	vld [tilespmem:$0x60];
	_ =	sdelay $0x4  }
0x172: {  	v42 =	vshll.u32 v3, $0x2  }
0x173: {  	v3 =	vand.u32 $0x7, v3;
	v4 =	vand.u32 $0xFFFFFFE0, v42  }
0x174: {  	v3 =	vor.u32 v3, v4  }
0x175: {  	v4 =	vperm.xlane v3, v0;
	_ =	sdelay $0x1  }
0x176: {  	v4 =	vadd.s32 v1, v4;
	_ =	sdelay $0x1  }
0x177: {  	v3 =	vperm.xlane v3, v2;
	_ =	sdelay $0x1  }
0x178: {  	s13 =	simm.s32 $0xC080;
	v3 =	vadd.s32 v1, v3  }
0x179: {  	[tilespmem:s13], [sflag:$0x1] =	stream.indirect_vreg.gather [hbm4b:s2+s3], $0x80, v4, vm0, $0xb8;
	[tilespmem:$0xE080] =	vst v63  }
0x17a: {  	s29 =	simm.s32 $0xC880  }
0x17b: {  	[tilespmem:s29], [sflag:$0x1] =	stream.indirect_vreg.gather [hbm4b:s4+s3], $0x80, v4, vm0, $0xb8;
	[tilespmem:$0xE080] =	vst v63  }
0x17c: {  	s30 =	simm.s32 $0xD080  }
0x17d: {  	[tilespmem:s30], [sflag:$0x1] =	stream.indirect_vreg.gather [hbm4b:s2+s3], $0x80, v3, vm0, $0xb8;
	[tilespmem:$0xE080] =	vst v63  }
0x17e: {  	s28 =	simm.s32 $0xD880  }
0x17f: {  	[tilespmem:s28], [sflag:$0x1] =	stream.indirect_vreg.gather [hbm4b:s4+s3], $0x80, v3, vm0, $0xb8;
	[tilespmem:$0xE080] =	vst v63  }
0x180: {  	_ =	swait.ge [sflag:s9], $0xE000  }
0x181: {  	[sflag:s9] =	ssyncset.done $0x0  }
0x182: {  	[sflag:s9] =	ssyncadd.s32 $0xFFFF2000  }
0x183: {  	s30 =	rddreg [dreg:$0x8]  }
0x184: {  	[hbm4b:s30+s3] =	stream.linear.scatter [tilespmem:s31], [sflag:$0x2], $0xE000, $0x38;
	[tilespmem:$0xE080] =	vst v63  }
0x185: {  	_ =	swait.ge [sflag:s6], $0xE000  }
0x186: {  	[sflag:s6] =	ssyncset.done $0x0  }
0x187: {  	s30 =	rddreg [dreg:$0x9];
	[sflag:s6] =	ssyncadd.s32 $0xFFFF2000  }
0x188: {  	[tilespmem:s3], [sflag:$0x2] =	stream.linear.gather [hbm4b:s30+s3], $0x70, $0x38;
	[tilespmem:$0xE080] =	vst v63  }
0x189: {  	_ =	swait.ge [sflag:s6], $0x70  }
0x18a: {  	[sflag:s6] =	ssyncset.done $0x0  }
0x18b: {  	[sflag:s6] =	ssyncadd.s32 $0xFFFFFF90  }
0x18c: {  	v3 =	vld [tilespmem:$0x0];
	_ =	sdelay $0x4  }
0x18d: {  	v43 =	vshll.u32 v3, $0x2  }
0x18e: {  	v3 =	vand.u32 $0x7, v3;
	v4 =	vand.u32 $0xFFFFFFE0, v43  }
0x18f: {  	v3 =	vor.u32 v3, v4  }
0x190: {  	v4 =	vperm.xlane v3, v0;
	_ =	sdelay $0x1  }
0x191: {  	v4 =	vadd.s32 v1, v4;
	_ =	sdelay $0x1  }
0x192: {  	v3 =	vperm.xlane v3, v2;
	_ =	sdelay $0x1  }
0x193: {  	v3 =	vadd.s32 v1, v3  }
0x194: {  	[tilespmem:s31], [sflag:$0x1] =	stream.indirect_vreg.gather [hbm4b:s2+s3], $0x80, v4, vm0, $0xb8;
	[tilespmem:$0xE080] =	vst v63  }
0x195: {  	s1 =	simm.s32 $0x880  }
0x196: {  	[tilespmem:s1], [sflag:$0x1] =	stream.indirect_vreg.gather [hbm4b:s4+s3], $0x80, v4, vm0, $0xb8;
	[tilespmem:$0xE080] =	vst v63  }
0x197: {  	s5 =	simm.s32 $0x1080  }
0x198: {  	[tilespmem:s5], [sflag:$0x1] =	stream.indirect_vreg.gather [hbm4b:s2+s3], $0x80, v3, vm0, $0xb8;
	[tilespmem:$0xE080] =	vst v63  }
0x199: {  	s10 =	simm.s32 $0x1880  }
0x19a: {  	[tilespmem:s10], [sflag:$0x1] =	stream.indirect_vreg.gather [hbm4b:s4+s3], $0x80, v3, vm0, $0xb8;
	[tilespmem:$0xE080] =	vst v63  }
0x19b: {  	v3 =	vld [tilespmem:$0x10];
	_ =	sdelay $0x4  }
0x19c: {  	v44 =	vshll.u32 v3, $0x2  }
0x19d: {  	v3 =	vand.u32 $0x7, v3;
	v4 =	vand.u32 $0xFFFFFFE0, v44  }
0x19e: {  	v3 =	vor.u32 v3, v4  }
0x19f: {  	v4 =	vperm.xlane v3, v0;
	_ =	sdelay $0x1  }
0x1a0: {  	v4 =	vadd.s32 v1, v4;
	_ =	sdelay $0x1  }
0x1a1: {  	v3 =	vperm.xlane v3, v2;
	_ =	sdelay $0x1  }
0x1a2: {  	s7 =	simm.s32 $0x2080;
	v3 =	vadd.s32 v1, v3  }
0x1a3: {  	[tilespmem:s7], [sflag:$0x1] =	stream.indirect_vreg.gather [hbm4b:s2+s3], $0x80, v4, vm0, $0xb8;
	[tilespmem:$0xE080] =	vst v63  }
0x1a4: {  	s8 =	simm.s32 $0x2880  }
0x1a5: {  	[tilespmem:s8], [sflag:$0x1] =	stream.indirect_vreg.gather [hbm4b:s4+s3], $0x80, v4, vm0, $0xb8;
	[tilespmem:$0xE080] =	vst v63  }
0x1a6: {  	s11 =	simm.s32 $0x3080  }
0x1a7: {  	[tilespmem:s11], [sflag:$0x1] =	stream.indirect_vreg.gather [hbm4b:s2+s3], $0x80, v3, vm0, $0xb8;
	[tilespmem:$0xE080] =	vst v63  }
0x1a8: {  	s30 =	simm.s32 $0x3880  }
0x1a9: {  	[tilespmem:s30], [sflag:$0x1] =	stream.indirect_vreg.gather [hbm4b:s4+s3], $0x80, v3, vm0, $0xb8;
	[tilespmem:$0xE080] =	vst v63  }
0x1aa: {  	v3 =	vld [tilespmem:$0x20];
	_ =	sdelay $0x4  }
0x1ab: {  	v45 =	vshll.u32 v3, $0x2  }
0x1ac: {  	v3 =	vand.u32 $0x7, v3;
	v4 =	vand.u32 $0xFFFFFFE0, v45  }
0x1ad: {  	v3 =	vor.u32 v3, v4  }
0x1ae: {  	v4 =	vperm.xlane v3, v0;
	_ =	sdelay $0x1  }
0x1af: {  	v4 =	vadd.s32 v1, v4;
	_ =	sdelay $0x1  }
0x1b0: {  	v3 =	vperm.xlane v3, v2;
	_ =	sdelay $0x1  }
0x1b1: {  	s14 =	simm.s32 $0x4080;
	v3 =	vadd.s32 v1, v3  }
0x1b2: {  	[tilespmem:s14], [sflag:$0x1] =	stream.indirect_vreg.gather [hbm4b:s2+s3], $0x80, v4, vm0, $0xb8;
	[tilespmem:$0xE080] =	vst v63  }
0x1b3: {  	s15 =	simm.s32 $0x4880  }
0x1b4: {  	[tilespmem:s15], [sflag:$0x1] =	stream.indirect_vreg.gather [hbm4b:s4+s3], $0x80, v4, vm0, $0xb8;
	[tilespmem:$0xE080] =	vst v63  }
0x1b5: {  	s16 =	simm.s32 $0x5080  }
0x1b6: {  	[tilespmem:s16], [sflag:$0x1] =	stream.indirect_vreg.gather [hbm4b:s2+s3], $0x80, v3, vm0, $0xb8;
	[tilespmem:$0xE080] =	vst v63  }
0x1b7: {  	s17 =	simm.s32 $0x5880  }
0x1b8: {  	[tilespmem:s17], [sflag:$0x1] =	stream.indirect_vreg.gather [hbm4b:s4+s3], $0x80, v3, vm0, $0xb8;
	[tilespmem:$0xE080] =	vst v63  }
0x1b9: {  	v3 =	vld [tilespmem:$0x30];
	_ =	sdelay $0x4  }
0x1ba: {  	v46 =	vshll.u32 v3, $0x2  }
0x1bb: {  	v3 =	vand.u32 $0x7, v3;
	v4 =	vand.u32 $0xFFFFFFE0, v46  }
0x1bc: {  	v3 =	vor.u32 v3, v4  }
0x1bd: {  	v4 =	vperm.xlane v3, v0;
	_ =	sdelay $0x1  }
0x1be: {  	v4 =	vadd.s32 v1, v4;
	_ =	sdelay $0x1  }
0x1bf: {  	v3 =	vperm.xlane v3, v2;
	_ =	sdelay $0x1  }
0x1c0: {  	s18 =	simm.s32 $0x6080;
	v3 =	vadd.s32 v1, v3  }
0x1c1: {  	[tilespmem:s18], [sflag:$0x1] =	stream.indirect_vreg.gather [hbm4b:s2+s3], $0x80, v4, vm0, $0xb8;
	[tilespmem:$0xE080] =	vst v63  }
0x1c2: {  	s19 =	simm.s32 $0x6880  }
0x1c3: {  	[tilespmem:s19], [sflag:$0x1] =	stream.indirect_vreg.gather [hbm4b:s4+s3], $0x80, v4, vm0, $0xb8;
	[tilespmem:$0xE080] =	vst v63  }
0x1c4: {  	s20 =	simm.s32 $0x7080  }
0x1c5: {  	[tilespmem:s20], [sflag:$0x1] =	stream.indirect_vreg.gather [hbm4b:s2+s3], $0x80, v3, vm0, $0xb8;
	[tilespmem:$0xE080] =	vst v63  }
0x1c6: {  	s21 =	simm.s32 $0x7880  }
0x1c7: {  	[tilespmem:s21], [sflag:$0x1] =	stream.indirect_vreg.gather [hbm4b:s4+s3], $0x80, v3, vm0, $0xb8;
	[tilespmem:$0xE080] =	vst v63  }
0x1c8: {  	v3 =	vld [tilespmem:$0x40];
	_ =	sdelay $0x4  }
0x1c9: {  	v47 =	vshll.u32 v3, $0x2  }
0x1ca: {  	v3 =	vand.u32 $0x7, v3;
	v4 =	vand.u32 $0xFFFFFFE0, v47  }
0x1cb: {  	v3 =	vor.u32 v3, v4  }
0x1cc: {  	v4 =	vperm.xlane v3, v0;
	_ =	sdelay $0x1  }
0x1cd: {  	v4 =	vadd.s32 v1, v4;
	_ =	sdelay $0x1  }
0x1ce: {  	v3 =	vperm.xlane v3, v2;
	_ =	sdelay $0x1  }
0x1cf: {  	s22 =	simm.s32 $0x8080;
	v3 =	vadd.s32 v1, v3  }
0x1d0: {  	[tilespmem:s22], [sflag:$0x1] =	stream.indirect_vreg.gather [hbm4b:s2+s3], $0x80, v4, vm0, $0xb8;
	[tilespmem:$0xE080] =	vst v63  }
0x1d1: {  	s23 =	simm.s32 $0x8880  }
0x1d2: {  	[tilespmem:s23], [sflag:$0x1] =	stream.indirect_vreg.gather [hbm4b:s4+s3], $0x80, v4, vm0, $0xb8;
	[tilespmem:$0xE080] =	vst v63  }
0x1d3: {  	s24 =	simm.s32 $0x9080  }
0x1d4: {  	[tilespmem:s24], [sflag:$0x1] =	stream.indirect_vreg.gather [hbm4b:s2+s3], $0x80, v3, vm0, $0xb8;
	[tilespmem:$0xE080] =	vst v63  }
0x1d5: {  	s25 =	simm.s32 $0x9880  }
0x1d6: {  	[tilespmem:s25], [sflag:$0x1] =	stream.indirect_vreg.gather [hbm4b:s4+s3], $0x80, v3, vm0, $0xb8;
	[tilespmem:$0xE080] =	vst v63  }
0x1d7: {  	v3 =	vld [tilespmem:$0x50];
	_ =	sdelay $0x4  }
0x1d8: {  	v48 =	vshll.u32 v3, $0x2  }
0x1d9: {  	v3 =	vand.u32 $0x7, v3;
	v4 =	vand.u32 $0xFFFFFFE0, v48  }
0x1da: {  	v3 =	vor.u32 v3, v4  }
0x1db: {  	v4 =	vperm.xlane v3, v0;
	_ =	sdelay $0x1  }
0x1dc: {  	v4 =	vadd.s32 v1, v4;
	_ =	sdelay $0x1  }
0x1dd: {  	v3 =	vperm.xlane v3, v2;
	_ =	sdelay $0x1  }
0x1de: {  	s26 =	simm.s32 $0xA080;
	v3 =	vadd.s32 v1, v3  }
0x1df: {  	[tilespmem:s26], [sflag:$0x1] =	stream.indirect_vreg.gather [hbm4b:s2+s3], $0x80, v4, vm0, $0xb8;
	[tilespmem:$0xE080] =	vst v63  }
0x1e0: {  	s0 =	simm.s32 $0xA880  }
0x1e1: {  	[tilespmem:s0], [sflag:$0x1] =	stream.indirect_vreg.gather [hbm4b:s4+s3], $0x80, v4, vm0, $0xb8;
	[tilespmem:$0xE080] =	vst v63  }
0x1e2: {  	s10 =	simm.s32 $0xB080  }
0x1e3: {  	[tilespmem:s10], [sflag:$0x1] =	stream.indirect_vreg.gather [hbm4b:s2+s3], $0x80, v3, vm0, $0xb8;
	[tilespmem:$0xE080] =	vst v63  }
0x1e4: {  	s12 =	simm.s32 $0xB880  }
0x1e5: {  	[tilespmem:s12], [sflag:$0x1] =	stream.indirect_vreg.gather [hbm4b:s4+s3], $0x80, v3, vm0, $0xb8;
	[tilespmem:$0xE080] =	vst v63  }
0x1e6: {  	v3 =	vld [tilespmem:$0x60];
	_ =	sdelay $0x4  }
0x1e7: {  	v49 =	vshll.u32 v3, $0x2  }
0x1e8: {  	v3 =	vand.u32 $0x7, v3;
	v4 =	vand.u32 $0xFFFFFFE0, v49  }
0x1e9: {  	v3 =	vor.u32 v3, v4  }
0x1ea: {  	v4 =	vperm.xlane v3, v0;
	_ =	sdelay $0x1  }
0x1eb: {  	v4 =	vadd.s32 v1, v4;
	_ =	sdelay $0x1  }
0x1ec: {  	v3 =	vperm.xlane v3, v2;
	_ =	sdelay $0x1  }
0x1ed: {  	s12 =	simm.s32 $0xC080;
	v3 =	vadd.s32 v1, v3  }
0x1ee: {  	[tilespmem:s12], [sflag:$0x1] =	stream.indirect_vreg.gather [hbm4b:s2+s3], $0x80, v4, vm0, $0xb8;
	[tilespmem:$0xE080] =	vst v63  }
0x1ef: {  	s13 =	simm.s32 $0xC880  }
0x1f0: {  	[tilespmem:s13], [sflag:$0x1] =	stream.indirect_vreg.gather [hbm4b:s4+s3], $0x80, v4, vm0, $0xb8;
	[tilespmem:$0xE080] =	vst v63  }
0x1f1: {  	s29 =	simm.s32 $0xD080  }
0x1f2: {  	[tilespmem:s29], [sflag:$0x1] =	stream.indirect_vreg.gather [hbm4b:s2+s3], $0x80, v3, vm0, $0xb8;
	[tilespmem:$0xE080] =	vst v63  }
0x1f3: {  	s28 =	simm.s32 $0xD880  }
0x1f4: {  	[tilespmem:s28], [sflag:$0x1] =	stream.indirect_vreg.gather [hbm4b:s4+s3], $0x80, v3, vm0, $0xb8;
	[tilespmem:$0xE080] =	vst v63  }
0x1f5: {  	_ =	swait.ge [sflag:s9], $0xE000  }
0x1f6: {  	[sflag:s9] =	ssyncset.done $0x0  }
0x1f7: {  	s29 =	rddreg [dreg:$0xa];
	[sflag:s9] =	ssyncadd.s32 $0xFFFF2000  }
0x1f8: {  	[hbm4b:s29+s3] =	stream.linear.scatter [tilespmem:s31], [sflag:$0x2], $0xE000, $0x38;
	[tilespmem:$0xE080] =	vst v63  }
0x1f9: {  	_ =	swait.ge [sflag:s6], $0xE000  }
0x1fa: {  	[sflag:s6] =	ssyncset.done $0x0  }
0x1fb: {  	s29 =	rddreg [dreg:$0xb];
	[sflag:s6] =	ssyncadd.s32 $0xFFFF2000  }
0x1fc: {  	[tilespmem:s3], [sflag:$0x2] =	stream.linear.gather [hbm4b:s29+s3], $0x70, $0x38;
	[tilespmem:$0xE080] =	vst v63  }
0x1fd: {  	_ =	swait.ge [sflag:s6], $0x70  }
0x1fe: {  	[sflag:s6] =	ssyncset.done $0x0  }
0x1ff: {  	[sflag:s6] =	ssyncadd.s32 $0xFFFFFF90  }
0x200: {  	v3 =	vld [tilespmem:$0x0];
	_ =	sdelay $0x4  }
0x201: {  	v50 =	vshll.u32 v3, $0x2  }
0x202: {  	v3 =	vand.u32 $0x7, v3;
	v4 =	vand.u32 $0xFFFFFFE0, v50  }
0x203: {  	v3 =	vor.u32 v3, v4  }
0x204: {  	v4 =	vperm.xlane v3, v0;
	_ =	sdelay $0x1  }
0x205: {  	v4 =	vadd.s32 v1, v4;
	_ =	sdelay $0x1  }
0x206: {  	v3 =	vperm.xlane v3, v2;
	_ =	sdelay $0x1  }
0x207: {  	v3 =	vadd.s32 v1, v3  }
0x208: {  	[tilespmem:s31], [sflag:$0x1] =	stream.indirect_vreg.gather [hbm4b:s2+s3], $0x80, v4, vm0, $0xb8;
	[tilespmem:$0xE080] =	vst v63  }
0x209: {  	s1 =	simm.s32 $0x880  }
0x20a: {  	[tilespmem:s1], [sflag:$0x1] =	stream.indirect_vreg.gather [hbm4b:s4+s3], $0x80, v4, vm0, $0xb8;
	[tilespmem:$0xE080] =	vst v63  }
0x20b: {  	s29 =	simm.s32 $0x1080  }
0x20c: {  	[tilespmem:s29], [sflag:$0x1] =	stream.indirect_vreg.gather [hbm4b:s2+s3], $0x80, v3, vm0, $0xb8;
	[tilespmem:$0xE080] =	vst v63  }
0x20d: {  	s10 =	simm.s32 $0x1880  }
0x20e: {  	[tilespmem:s10], [sflag:$0x1] =	stream.indirect_vreg.gather [hbm4b:s4+s3], $0x80, v3, vm0, $0xb8;
	[tilespmem:$0xE080] =	vst v63  }
0x20f: {  	v3 =	vld [tilespmem:$0x10];
	_ =	sdelay $0x4  }
0x210: {  	v51 =	vshll.u32 v3, $0x2  }
0x211: {  	v3 =	vand.u32 $0x7, v3;
	v4 =	vand.u32 $0xFFFFFFE0, v51  }
0x212: {  	v3 =	vor.u32 v3, v4  }
0x213: {  	v4 =	vperm.xlane v3, v0;
	_ =	sdelay $0x1  }
0x214: {  	v4 =	vadd.s32 v1, v4;
	_ =	sdelay $0x1  }
0x215: {  	v3 =	vperm.xlane v3, v2;
	_ =	sdelay $0x1  }
0x216: {  	s7 =	simm.s32 $0x2080;
	v3 =	vadd.s32 v1, v3  }
0x217: {  	[tilespmem:s7], [sflag:$0x1] =	stream.indirect_vreg.gather [hbm4b:s2+s3], $0x80, v4, vm0, $0xb8;
	[tilespmem:$0xE080] =	vst v63  }
0x218: {  	s8 =	simm.s32 $0x2880  }
0x219: {  	[tilespmem:s8], [sflag:$0x1] =	stream.indirect_vreg.gather [hbm4b:s4+s3], $0x80, v4, vm0, $0xb8;
	[tilespmem:$0xE080] =	vst v63  }
0x21a: {  	s11 =	simm.s32 $0x3080  }
0x21b: {  	[tilespmem:s11], [sflag:$0x1] =	stream.indirect_vreg.gather [hbm4b:s2+s3], $0x80, v3, vm0, $0xb8;
	[tilespmem:$0xE080] =	vst v63  }
0x21c: {  	s30 =	simm.s32 $0x3880  }
0x21d: {  	[tilespmem:s30], [sflag:$0x1] =	stream.indirect_vreg.gather [hbm4b:s4+s3], $0x80, v3, vm0, $0xb8;
	[tilespmem:$0xE080] =	vst v63  }
0x21e: {  	v3 =	vld [tilespmem:$0x20];
	_ =	sdelay $0x4  }
0x21f: {  	v52 =	vshll.u32 v3, $0x2  }
0x220: {  	v3 =	vand.u32 $0x7, v3;
	v4 =	vand.u32 $0xFFFFFFE0, v52  }
0x221: {  	v3 =	vor.u32 v3, v4  }
0x222: {  	v4 =	vperm.xlane v3, v0;
	_ =	sdelay $0x1  }
0x223: {  	v4 =	vadd.s32 v1, v4;
	_ =	sdelay $0x1  }
0x224: {  	v3 =	vperm.xlane v3, v2;
	_ =	sdelay $0x1  }
0x225: {  	s14 =	simm.s32 $0x4080;
	v3 =	vadd.s32 v1, v3  }
0x226: {  	[tilespmem:s14], [sflag:$0x1] =	stream.indirect_vreg.gather [hbm4b:s2+s3], $0x80, v4, vm0, $0xb8;
	[tilespmem:$0xE080] =	vst v63  }
0x227: {  	s15 =	simm.s32 $0x4880  }
0x228: {  	[tilespmem:s15], [sflag:$0x1] =	stream.indirect_vreg.gather [hbm4b:s4+s3], $0x80, v4, vm0, $0xb8;
	[tilespmem:$0xE080] =	vst v63  }
0x229: {  	s16 =	simm.s32 $0x5080  }
0x22a: {  	[tilespmem:s16], [sflag:$0x1] =	stream.indirect_vreg.gather [hbm4b:s2+s3], $0x80, v3, vm0, $0xb8;
	[tilespmem:$0xE080] =	vst v63  }
0x22b: {  	s17 =	simm.s32 $0x5880  }
0x22c: {  	[tilespmem:s17], [sflag:$0x1] =	stream.indirect_vreg.gather [hbm4b:s4+s3], $0x80, v3, vm0, $0xb8;
	[tilespmem:$0xE080] =	vst v63  }
0x22d: {  	v3 =	vld [tilespmem:$0x30];
	_ =	sdelay $0x4  }
0x22e: {  	v53 =	vshll.u32 v3, $0x2  }
0x22f: {  	v3 =	vand.u32 $0x7, v3;
	v4 =	vand.u32 $0xFFFFFFE0, v53  }
0x230: {  	v3 =	vor.u32 v3, v4  }
0x231: {  	v4 =	vperm.xlane v3, v0;
	_ =	sdelay $0x1  }
0x232: {  	v4 =	vadd.s32 v1, v4;
	_ =	sdelay $0x1  }
0x233: {  	v3 =	vperm.xlane v3, v2;
	_ =	sdelay $0x1  }
0x234: {  	s18 =	simm.s32 $0x6080;
	v3 =	vadd.s32 v1, v3  }
0x235: {  	[tilespmem:s18], [sflag:$0x1] =	stream.indirect_vreg.gather [hbm4b:s2+s3], $0x80, v4, vm0, $0xb8;
	[tilespmem:$0xE080] =	vst v63  }
0x236: {  	s19 =	simm.s32 $0x6880  }
0x237: {  	[tilespmem:s19], [sflag:$0x1] =	stream.indirect_vreg.gather [hbm4b:s4+s3], $0x80, v4, vm0, $0xb8;
	[tilespmem:$0xE080] =	vst v63  }
0x238: {  	s20 =	simm.s32 $0x7080  }
0x239: {  	[tilespmem:s20], [sflag:$0x1] =	stream.indirect_vreg.gather [hbm4b:s2+s3], $0x80, v3, vm0, $0xb8;
	[tilespmem:$0xE080] =	vst v63  }
0x23a: {  	s21 =	simm.s32 $0x7880  }
0x23b: {  	[tilespmem:s21], [sflag:$0x1] =	stream.indirect_vreg.gather [hbm4b:s4+s3], $0x80, v3, vm0, $0xb8;
	[tilespmem:$0xE080] =	vst v63  }
0x23c: {  	v3 =	vld [tilespmem:$0x40];
	_ =	sdelay $0x4  }
0x23d: {  	v54 =	vshll.u32 v3, $0x2  }
0x23e: {  	v3 =	vand.u32 $0x7, v3;
	v4 =	vand.u32 $0xFFFFFFE0, v54  }
0x23f: {  	v3 =	vor.u32 v3, v4  }
0x240: {  	v4 =	vperm.xlane v3, v0;
	_ =	sdelay $0x1  }
0x241: {  	v4 =	vadd.s32 v1, v4;
	_ =	sdelay $0x1  }
0x242: {  	v3 =	vperm.xlane v3, v2;
	_ =	sdelay $0x1  }
0x243: {  	s22 =	simm.s32 $0x8080;
	v3 =	vadd.s32 v1, v3  }
0x244: {  	[tilespmem:s22], [sflag:$0x1] =	stream.indirect_vreg.gather [hbm4b:s2+s3], $0x80, v4, vm0, $0xb8;
	[tilespmem:$0xE080] =	vst v63  }
0x245: {  	s23 =	simm.s32 $0x8880  }
0x246: {  	[tilespmem:s23], [sflag:$0x1] =	stream.indirect_vreg.gather [hbm4b:s4+s3], $0x80, v4, vm0, $0xb8;
	[tilespmem:$0xE080] =	vst v63  }
0x247: {  	s24 =	simm.s32 $0x9080  }
0x248: {  	[tilespmem:s24], [sflag:$0x1] =	stream.indirect_vreg.gather [hbm4b:s2+s3], $0x80, v3, vm0, $0xb8;
	[tilespmem:$0xE080] =	vst v63  }
0x249: {  	s25 =	simm.s32 $0x9880  }
0x24a: {  	[tilespmem:s25], [sflag:$0x1] =	stream.indirect_vreg.gather [hbm4b:s4+s3], $0x80, v3, vm0, $0xb8;
	[tilespmem:$0xE080] =	vst v63  }
0x24b: {  	v3 =	vld [tilespmem:$0x50];
	_ =	sdelay $0x4  }
0x24c: {  	v55 =	vshll.u32 v3, $0x2  }
0x24d: {  	v3 =	vand.u32 $0x7, v3;
	v4 =	vand.u32 $0xFFFFFFE0, v55  }
0x24e: {  	v3 =	vor.u32 v3, v4  }
0x24f: {  	v4 =	vperm.xlane v3, v0;
	_ =	sdelay $0x1  }
0x250: {  	v4 =	vadd.s32 v1, v4;
	_ =	sdelay $0x1  }
0x251: {  	v3 =	vperm.xlane v3, v2;
	_ =	sdelay $0x1  }
0x252: {  	s26 =	simm.s32 $0xA080;
	v3 =	vadd.s32 v1, v3  }
0x253: {  	[tilespmem:s26], [sflag:$0x1] =	stream.indirect_vreg.gather [hbm4b:s2+s3], $0x80, v4, vm0, $0xb8;
	[tilespmem:$0xE080] =	vst v63  }
0x254: {  	s0 =	simm.s32 $0xA880  }
0x255: {  	[tilespmem:s0], [sflag:$0x1] =	stream.indirect_vreg.gather [hbm4b:s4+s3], $0x80, v4, vm0, $0xb8;
	[tilespmem:$0xE080] =	vst v63  }
0x256: {  	s10 =	simm.s32 $0xB080  }
0x257: {  	[tilespmem:s10], [sflag:$0x1] =	stream.indirect_vreg.gather [hbm4b:s2+s3], $0x80, v3, vm0, $0xb8;
	[tilespmem:$0xE080] =	vst v63  }
0x258: {  	s5 =	simm.s32 $0xB880  }
0x259: {  	[tilespmem:s5], [sflag:$0x1] =	stream.indirect_vreg.gather [hbm4b:s4+s3], $0x80, v3, vm0, $0xb8;
	[tilespmem:$0xE080] =	vst v63  }
0x25a: {  	v3 =	vld [tilespmem:$0x60];
	_ =	sdelay $0x4  }
0x25b: {  	v56 =	vshll.u32 v3, $0x2  }
0x25c: {  	v3 =	vand.u32 $0x7, v3;
	v4 =	vand.u32 $0xFFFFFFE0, v56  }
0x25d: {  	v3 =	vor.u32 v3, v4  }
0x25e: {  	v4 =	vperm.xlane v3, v0;
	_ =	sdelay $0x1  }
0x25f: {  	v4 =	vadd.s32 v1, v4;
	_ =	sdelay $0x1  }
0x260: {  	v3 =	vperm.xlane v3, v2;
	_ =	sdelay $0x1  }
0x261: {  	s10 =	simm.s32 $0xC080;
	v3 =	vadd.s32 v1, v3  }
0x262: {  	[tilespmem:s10], [sflag:$0x1] =	stream.indirect_vreg.gather [hbm4b:s2+s3], $0x80, v4, vm0, $0xb8;
	[tilespmem:$0xE080] =	vst v63  }
0x263: {  	s12 =	simm.s32 $0xC880  }
0x264: {  	[tilespmem:s12], [sflag:$0x1] =	stream.indirect_vreg.gather [hbm4b:s4+s3], $0x80, v4, vm0, $0xb8;
	[tilespmem:$0xE080] =	vst v63  }
0x265: {  	s13 =	simm.s32 $0xD080  }
0x266: {  	[tilespmem:s13], [sflag:$0x1] =	stream.indirect_vreg.gather [hbm4b:s2+s3], $0x80, v3, vm0, $0xb8;
	[tilespmem:$0xE080] =	vst v63  }
0x267: {  	s28 =	simm.s32 $0xD880  }
0x268: {  	[tilespmem:s28], [sflag:$0x1] =	stream.indirect_vreg.gather [hbm4b:s4+s3], $0x80, v3, vm0, $0xb8;
	[tilespmem:$0xE080] =	vst v63  }
0x269: {  	_ =	swait.ge [sflag:s9], $0xE000  }
0x26a: {  	[sflag:s9] =	ssyncset.done $0x0  }
0x26b: {  	s10 =	rddreg [dreg:$0xc];
	[sflag:s9] =	ssyncadd.s32 $0xFFFF2000  }
0x26c: {  	[hbm4b:s10+s3] =	stream.linear.scatter [tilespmem:s31], [sflag:$0x2], $0xE000, $0x38;
	[tilespmem:$0xE080] =	vst v63  }
0x26d: {  	_ =	swait.ge [sflag:s6], $0xE000  }
0x26e: {  	[sflag:s6] =	ssyncset.done $0x0  }
0x26f: {  	s10 =	rddreg [dreg:$0xd];
	[sflag:s6] =	ssyncadd.s32 $0xFFFF2000  }
0x270: {  	[tilespmem:s3], [sflag:$0x2] =	stream.linear.gather [hbm4b:s10+s3], $0x70, $0x38;
	[tilespmem:$0xE080] =	vst v63  }
0x271: {  	_ =	swait.ge [sflag:s6], $0x70  }
0x272: {  	[sflag:s6] =	ssyncset.done $0x0  }
0x273: {  	[sflag:s6] =	ssyncadd.s32 $0xFFFFFF90  }
0x274: {  	v3 =	vld [tilespmem:$0x0];
	_ =	sdelay $0x4  }
0x275: {  	v57 =	vshll.u32 v3, $0x2  }
0x276: {  	v3 =	vand.u32 $0x7, v3;
	v4 =	vand.u32 $0xFFFFFFE0, v57  }
0x277: {  	v3 =	vor.u32 v3, v4  }
0x278: {  	v4 =	vperm.xlane v3, v0;
	_ =	sdelay $0x1  }
0x279: {  	v4 =	vadd.s32 v1, v4;
	_ =	sdelay $0x1  }
0x27a: {  	v3 =	vperm.xlane v3, v2;
	_ =	sdelay $0x1  }
0x27b: {  	v3 =	vadd.s32 v1, v3  }
0x27c: {  	[tilespmem:s31], [sflag:$0x1] =	stream.indirect_vreg.gather [hbm4b:s2+s3], $0x80, v4, vm0, $0xb8;
	[tilespmem:$0xE080] =	vst v63  }
0x27d: {  	s1 =	simm.s32 $0x880  }
0x27e: {  	[tilespmem:s1], [sflag:$0x1] =	stream.indirect_vreg.gather [hbm4b:s4+s3], $0x80, v4, vm0, $0xb8;
	[tilespmem:$0xE080] =	vst v63  }
0x27f: {  	s29 =	simm.s32 $0x1080  }
0x280: {  	[tilespmem:s29], [sflag:$0x1] =	stream.indirect_vreg.gather [hbm4b:s2+s3], $0x80, v3, vm0, $0xb8;
	[tilespmem:$0xE080] =	vst v63  }
0x281: {  	s10 =	simm.s32 $0x1880  }
0x282: {  	[tilespmem:s10], [sflag:$0x1] =	stream.indirect_vreg.gather [hbm4b:s4+s3], $0x80, v3, vm0, $0xb8;
	[tilespmem:$0xE080] =	vst v63  }
0x283: {  	v3 =	vld [tilespmem:$0x10];
	_ =	sdelay $0x4  }
0x284: {  	v58 =	vshll.u32 v3, $0x2  }
0x285: {  	v3 =	vand.u32 $0x7, v3;
	v4 =	vand.u32 $0xFFFFFFE0, v58  }
0x286: {  	v3 =	vor.u32 v3, v4  }
0x287: {  	v4 =	vperm.xlane v3, v0;
	_ =	sdelay $0x1  }
0x288: {  	v4 =	vadd.s32 v1, v4;
	_ =	sdelay $0x1  }
0x289: {  	v3 =	vperm.xlane v3, v2;
	_ =	sdelay $0x1  }
0x28a: {  	s7 =	simm.s32 $0x2080;
	v3 =	vadd.s32 v1, v3  }
0x28b: {  	[tilespmem:s7], [sflag:$0x1] =	stream.indirect_vreg.gather [hbm4b:s2+s3], $0x80, v4, vm0, $0xb8;
	[tilespmem:$0xE080] =	vst v63  }
0x28c: {  	s8 =	simm.s32 $0x2880  }
0x28d: {  	[tilespmem:s8], [sflag:$0x1] =	stream.indirect_vreg.gather [hbm4b:s4+s3], $0x80, v4, vm0, $0xb8;
	[tilespmem:$0xE080] =	vst v63  }
0x28e: {  	s11 =	simm.s32 $0x3080  }
0x28f: {  	[tilespmem:s11], [sflag:$0x1] =	stream.indirect_vreg.gather [hbm4b:s2+s3], $0x80, v3, vm0, $0xb8;
	[tilespmem:$0xE080] =	vst v63  }
0x290: {  	s30 =	simm.s32 $0x3880  }
0x291: {  	[tilespmem:s30], [sflag:$0x1] =	stream.indirect_vreg.gather [hbm4b:s4+s3], $0x80, v3, vm0, $0xb8;
	[tilespmem:$0xE080] =	vst v63  }
0x292: {  	v3 =	vld [tilespmem:$0x20];
	_ =	sdelay $0x4  }
0x293: {  	v59 =	vshll.u32 v3, $0x2  }
0x294: {  	v3 =	vand.u32 $0x7, v3;
	v4 =	vand.u32 $0xFFFFFFE0, v59  }
0x295: {  	v3 =	vor.u32 v3, v4  }
0x296: {  	v4 =	vperm.xlane v3, v0;
	_ =	sdelay $0x1  }
0x297: {  	v4 =	vadd.s32 v1, v4;
	_ =	sdelay $0x1  }
0x298: {  	v3 =	vperm.xlane v3, v2;
	_ =	sdelay $0x1  }
0x299: {  	s14 =	simm.s32 $0x4080;
	v3 =	vadd.s32 v1, v3  }
0x29a: {  	[tilespmem:s14], [sflag:$0x1] =	stream.indirect_vreg.gather [hbm4b:s2+s3], $0x80, v4, vm0, $0xb8;
	[tilespmem:$0xE080] =	vst v63  }
0x29b: {  	s15 =	simm.s32 $0x4880  }
0x29c: {  	[tilespmem:s15], [sflag:$0x1] =	stream.indirect_vreg.gather [hbm4b:s4+s3], $0x80, v4, vm0, $0xb8;
	[tilespmem:$0xE080] =	vst v63  }
0x29d: {  	s16 =	simm.s32 $0x5080  }
0x29e: {  	[tilespmem:s16], [sflag:$0x1] =	stream.indirect_vreg.gather [hbm4b:s2+s3], $0x80, v3, vm0, $0xb8;
	[tilespmem:$0xE080] =	vst v63  }
0x29f: {  	s17 =	simm.s32 $0x5880  }
0x2a0: {  	[tilespmem:s17], [sflag:$0x1] =	stream.indirect_vreg.gather [hbm4b:s4+s3], $0x80, v3, vm0, $0xb8;
	[tilespmem:$0xE080] =	vst v63  }
0x2a1: {  	v3 =	vld [tilespmem:$0x30];
	_ =	sdelay $0x4  }
0x2a2: {  	v60 =	vshll.u32 v3, $0x2  }
0x2a3: {  	v3 =	vand.u32 $0x7, v3;
	v4 =	vand.u32 $0xFFFFFFE0, v60  }
0x2a4: {  	v3 =	vor.u32 v3, v4  }
0x2a5: {  	v4 =	vperm.xlane v3, v0;
	_ =	sdelay $0x1  }
0x2a6: {  	v4 =	vadd.s32 v1, v4;
	_ =	sdelay $0x1  }
0x2a7: {  	v3 =	vperm.xlane v3, v2;
	_ =	sdelay $0x1  }
0x2a8: {  	s18 =	simm.s32 $0x6080;
	v3 =	vadd.s32 v1, v3  }
0x2a9: {  	[tilespmem:s18], [sflag:$0x1] =	stream.indirect_vreg.gather [hbm4b:s2+s3], $0x80, v4, vm0, $0xb8;
	[tilespmem:$0xE080] =	vst v63  }
0x2aa: {  	s19 =	simm.s32 $0x6880  }
0x2ab: {  	[tilespmem:s19], [sflag:$0x1] =	stream.indirect_vreg.gather [hbm4b:s4+s3], $0x80, v4, vm0, $0xb8;
	[tilespmem:$0xE080] =	vst v63  }
0x2ac: {  	s20 =	simm.s32 $0x7080  }
0x2ad: {  	[tilespmem:s20], [sflag:$0x1] =	stream.indirect_vreg.gather [hbm4b:s2+s3], $0x80, v3, vm0, $0xb8;
	[tilespmem:$0xE080] =	vst v63  }
0x2ae: {  	s21 =	simm.s32 $0x7880  }
0x2af: {  	[tilespmem:s21], [sflag:$0x1] =	stream.indirect_vreg.gather [hbm4b:s4+s3], $0x80, v3, vm0, $0xb8;
	[tilespmem:$0xE080] =	vst v63  }
0x2b0: {  	v3 =	vld [tilespmem:$0x40];
	_ =	sdelay $0x4  }
0x2b1: {  	v61 =	vshll.u32 v3, $0x2  }
0x2b2: {  	v3 =	vand.u32 $0x7, v3;
	v4 =	vand.u32 $0xFFFFFFE0, v61  }
0x2b3: {  	v3 =	vor.u32 v3, v4  }
0x2b4: {  	v4 =	vperm.xlane v3, v0;
	_ =	sdelay $0x1  }
0x2b5: {  	v4 =	vadd.s32 v1, v4;
	_ =	sdelay $0x1  }
0x2b6: {  	v3 =	vperm.xlane v3, v2;
	_ =	sdelay $0x1  }
0x2b7: {  	s22 =	simm.s32 $0x8080;
	v3 =	vadd.s32 v1, v3  }
0x2b8: {  	[tilespmem:s22], [sflag:$0x1] =	stream.indirect_vreg.gather [hbm4b:s2+s3], $0x80, v4, vm0, $0xb8;
	[tilespmem:$0xE080] =	vst v63  }
0x2b9: {  	s23 =	simm.s32 $0x8880  }
0x2ba: {  	[tilespmem:s23], [sflag:$0x1] =	stream.indirect_vreg.gather [hbm4b:s4+s3], $0x80, v4, vm0, $0xb8;
	[tilespmem:$0xE080] =	vst v63  }
0x2bb: {  	s24 =	simm.s32 $0x9080  }
0x2bc: {  	[tilespmem:s24], [sflag:$0x1] =	stream.indirect_vreg.gather [hbm4b:s2+s3], $0x80, v3, vm0, $0xb8;
	[tilespmem:$0xE080] =	vst v63  }
0x2bd: {  	s25 =	simm.s32 $0x9880  }
0x2be: {  	[tilespmem:s25], [sflag:$0x1] =	stream.indirect_vreg.gather [hbm4b:s4+s3], $0x80, v3, vm0, $0xb8;
	[tilespmem:$0xE080] =	vst v63  }
0x2bf: {  	v3 =	vld [tilespmem:$0x50];
	_ =	sdelay $0x4  }
0x2c0: {  	v62 =	vshll.u32 v3, $0x2  }
0x2c1: {  	v3 =	vand.u32 $0x7, v3;
	v4 =	vand.u32 $0xFFFFFFE0, v62  }
0x2c2: {  	v3 =	vor.u32 v3, v4  }
0x2c3: {  	v4 =	vperm.xlane v3, v0;
	_ =	sdelay $0x1  }
0x2c4: {  	v4 =	vadd.s32 v1, v4;
	_ =	sdelay $0x1  }
0x2c5: {  	v3 =	vperm.xlane v3, v2;
	_ =	sdelay $0x1  }
0x2c6: {  	s26 =	simm.s32 $0xA080;
	v3 =	vadd.s32 v1, v3  }
0x2c7: {  	[tilespmem:s26], [sflag:$0x1] =	stream.indirect_vreg.gather [hbm4b:s2+s3], $0x80, v4, vm0, $0xb8;
	[tilespmem:$0xE080] =	vst v63  }
0x2c8: {  	s0 =	simm.s32 $0xA880  }
0x2c9: {  	[tilespmem:s0], [sflag:$0x1] =	stream.indirect_vreg.gather [hbm4b:s4+s3], $0x80, v4, vm0, $0xb8;
	[tilespmem:$0xE080] =	vst v63  }
0x2ca: {  	s10 =	simm.s32 $0xB080  }
0x2cb: {  	[tilespmem:s10], [sflag:$0x1] =	stream.indirect_vreg.gather [hbm4b:s2+s3], $0x80, v3, vm0, $0xb8;
	[tilespmem:$0xE080] =	vst v63  }
0x2cc: {  	s5 =	simm.s32 $0xB880  }
0x2cd: {  	[tilespmem:s5], [sflag:$0x1] =	stream.indirect_vreg.gather [hbm4b:s4+s3], $0x80, v3, vm0, $0xb8;
	[tilespmem:$0xE080] =	vst v63  }
0x2ce: {  	v3 =	vld [tilespmem:$0x60];
	_ =	sdelay $0x4  }
0x2cf: {  	v63 =	vshll.u32 v3, $0x2  }
0x2d0: {  	v3 =	vand.u32 $0x7, v3;
	v4 =	vand.u32 $0xFFFFFFE0, v63  }
0x2d1: {  	v3 =	vor.u32 v3, v4  }
0x2d2: {  	v4 =	vperm.xlane v3, v0;
	_ =	sdelay $0x1  }
0x2d3: {  	v4 =	vadd.s32 v1, v4;
	_ =	sdelay $0x1  }
0x2d4: {  	v3 =	vperm.xlane v3, v2;
	_ =	sdelay $0x1  }
0x2d5: {  	s10 =	simm.s32 $0xC080;
	v3 =	vadd.s32 v1, v3  }
0x2d6: {  	[tilespmem:s10], [sflag:$0x1] =	stream.indirect_vreg.gather [hbm4b:s2+s3], $0x80, v4, vm0, $0xb8;
	[tilespmem:$0xE080] =	vst v63  }
0x2d7: {  	s12 =	simm.s32 $0xC880  }
0x2d8: {  	[tilespmem:s12], [sflag:$0x1] =	stream.indirect_vreg.gather [hbm4b:s4+s3], $0x80, v4, vm0, $0xb8;
	[tilespmem:$0xE080] =	vst v63  }
0x2d9: {  	s13 =	simm.s32 $0xD080  }
0x2da: {  	[tilespmem:s13], [sflag:$0x1] =	stream.indirect_vreg.gather [hbm4b:s2+s3], $0x80, v3, vm0, $0xb8;
	[tilespmem:$0xE080] =	vst v63  }
0x2db: {  	s28 =	simm.s32 $0xD880  }
0x2dc: {  	[tilespmem:s28], [sflag:$0x1] =	stream.indirect_vreg.gather [hbm4b:s4+s3], $0x80, v3, vm0, $0xb8;
	[tilespmem:$0xE080] =	vst v63  }
0x2dd: {  	_ =	swait.ge [sflag:s9], $0xE000  }
0x2de: {  	[sflag:s9] =	ssyncset.done $0x0  }
0x2df: {  	s10 =	rddreg [dreg:$0xe];
	[sflag:s9] =	ssyncadd.s32 $0xFFFF2000  }
0x2e0: {  	[hbm4b:s10+s3] =	stream.linear.scatter [tilespmem:s31], [sflag:$0x2], $0xE000, $0x38;
	[tilespmem:$0xE080] =	vst v63  }
0x2e1: {  	_ =	swait.ge [sflag:s6], $0xE000  }
0x2e2: {  	[sflag:s6] =	ssyncset.done $0x0  }
0x2e3: {  	s10 =	rddreg [dreg:$0xf];
	[sflag:s6] =	ssyncadd.s32 $0xFFFF2000  }
0x2e4: {  	[tilespmem:s3], [sflag:$0x2] =	stream.linear.gather [hbm4b:s10+s3], $0x70, $0x38;
	[tilespmem:$0xE080] =	vst v63  }
0x2e5: {  	_ =	swait.ge [sflag:s6], $0x70  }
0x2e6: {  	[sflag:s6] =	ssyncset.done $0x0  }
0x2e7: {  	[sflag:s6] =	ssyncadd.s32 $0xFFFFFF90  }
0x2e8: {  	v3 =	vld [tilespmem:$0x0];
	_ =	sdelay $0x4  }
0x2e9: {  	v8 =	vshll.u32 v3, $0x2  }
0x2ea: {  	v3 =	vand.u32 $0x7, v3;
	v4 =	vand.u32 $0xFFFFFFE0, v8  }
0x2eb: {  	v3 =	vor.u32 v3, v4  }
0x2ec: {  	v4 =	vperm.xlane v3, v0;
	_ =	sdelay $0x1  }
0x2ed: {  	v4 =	vadd.s32 v1, v4;
	_ =	sdelay $0x1  }
0x2ee: {  	v3 =	vperm.xlane v3, v2;
	_ =	sdelay $0x1  }
0x2ef: {  	v3 =	vadd.s32 v1, v3  }
0x2f0: {  	[tilespmem:s31], [sflag:$0x1] =	stream.indirect_vreg.gather [hbm4b:s2+s3], $0x80, v4, vm0, $0xb8;
	[tilespmem:$0xE080] =	vst v63  }
0x2f1: {  	s1 =	simm.s32 $0x880  }
0x2f2: {  	[tilespmem:s1], [sflag:$0x1] =	stream.indirect_vreg.gather [hbm4b:s4+s3], $0x80, v4, vm0, $0xb8;
	[tilespmem:$0xE080] =	vst v63  }
0x2f3: {  	s29 =	simm.s32 $0x1080  }
0x2f4: {  	[tilespmem:s29], [sflag:$0x1] =	stream.indirect_vreg.gather [hbm4b:s2+s3], $0x80, v3, vm0, $0xb8;
	[tilespmem:$0xE080] =	vst v63  }
0x2f5: {  	s10 =	simm.s32 $0x1880  }
0x2f6: {  	[tilespmem:s10], [sflag:$0x1] =	stream.indirect_vreg.gather [hbm4b:s4+s3], $0x80, v3, vm0, $0xb8;
	[tilespmem:$0xE080] =	vst v63  }
0x2f7: {  	v3 =	vld [tilespmem:$0x10];
	_ =	sdelay $0x4  }
0x2f8: {  	v9 =	vshll.u32 v3, $0x2  }
0x2f9: {  	v3 =	vand.u32 $0x7, v3;
	v4 =	vand.u32 $0xFFFFFFE0, v9  }
0x2fa: {  	v3 =	vor.u32 v3, v4  }
0x2fb: {  	v4 =	vperm.xlane v3, v0;
	_ =	sdelay $0x1  }
0x2fc: {  	v4 =	vadd.s32 v1, v4;
	_ =	sdelay $0x1  }
0x2fd: {  	v3 =	vperm.xlane v3, v2;
	_ =	sdelay $0x1  }
0x2fe: {  	s7 =	simm.s32 $0x2080;
	v3 =	vadd.s32 v1, v3  }
0x2ff: {  	[tilespmem:s7], [sflag:$0x1] =	stream.indirect_vreg.gather [hbm4b:s2+s3], $0x80, v4, vm0, $0xb8;
	[tilespmem:$0xE080] =	vst v63  }
0x300: {  	s8 =	simm.s32 $0x2880  }
0x301: {  	[tilespmem:s8], [sflag:$0x1] =	stream.indirect_vreg.gather [hbm4b:s4+s3], $0x80, v4, vm0, $0xb8;
	[tilespmem:$0xE080] =	vst v63  }
0x302: {  	s11 =	simm.s32 $0x3080  }
0x303: {  	[tilespmem:s11], [sflag:$0x1] =	stream.indirect_vreg.gather [hbm4b:s2+s3], $0x80, v3, vm0, $0xb8;
	[tilespmem:$0xE080] =	vst v63  }
0x304: {  	s30 =	simm.s32 $0x3880  }
0x305: {  	[tilespmem:s30], [sflag:$0x1] =	stream.indirect_vreg.gather [hbm4b:s4+s3], $0x80, v3, vm0, $0xb8;
	[tilespmem:$0xE080] =	vst v63  }
0x306: {  	v3 =	vld [tilespmem:$0x20];
	_ =	sdelay $0x4  }
0x307: {  	v10 =	vshll.u32 v3, $0x2  }
0x308: {  	v3 =	vand.u32 $0x7, v3;
	v4 =	vand.u32 $0xFFFFFFE0, v10  }
0x309: {  	v3 =	vor.u32 v3, v4  }
0x30a: {  	v4 =	vperm.xlane v3, v0;
	_ =	sdelay $0x1  }
0x30b: {  	v4 =	vadd.s32 v1, v4;
	_ =	sdelay $0x1  }
0x30c: {  	v3 =	vperm.xlane v3, v2;
	_ =	sdelay $0x1  }
0x30d: {  	s14 =	simm.s32 $0x4080;
	v3 =	vadd.s32 v1, v3  }
0x30e: {  	[tilespmem:s14], [sflag:$0x1] =	stream.indirect_vreg.gather [hbm4b:s2+s3], $0x80, v4, vm0, $0xb8;
	[tilespmem:$0xE080] =	vst v63  }
0x30f: {  	s15 =	simm.s32 $0x4880  }
0x310: {  	[tilespmem:s15], [sflag:$0x1] =	stream.indirect_vreg.gather [hbm4b:s4+s3], $0x80, v4, vm0, $0xb8;
	[tilespmem:$0xE080] =	vst v63  }
0x311: {  	s16 =	simm.s32 $0x5080  }
0x312: {  	[tilespmem:s16], [sflag:$0x1] =	stream.indirect_vreg.gather [hbm4b:s2+s3], $0x80, v3, vm0, $0xb8;
	[tilespmem:$0xE080] =	vst v63  }
0x313: {  	s17 =	simm.s32 $0x5880  }
0x314: {  	[tilespmem:s17], [sflag:$0x1] =	stream.indirect_vreg.gather [hbm4b:s4+s3], $0x80, v3, vm0, $0xb8;
	[tilespmem:$0xE080] =	vst v63  }
0x315: {  	v3 =	vld [tilespmem:$0x30];
	_ =	sdelay $0x4  }
0x316: {  	v11 =	vshll.u32 v3, $0x2  }
0x317: {  	v3 =	vand.u32 $0x7, v3;
	v4 =	vand.u32 $0xFFFFFFE0, v11  }
0x318: {  	v3 =	vor.u32 v3, v4  }
0x319: {  	v4 =	vperm.xlane v3, v0;
	_ =	sdelay $0x1  }
0x31a: {  	v4 =	vadd.s32 v1, v4;
	_ =	sdelay $0x1  }
0x31b: {  	v3 =	vperm.xlane v3, v2;
	_ =	sdelay $0x1  }
0x31c: {  	s18 =	simm.s32 $0x6080;
	v3 =	vadd.s32 v1, v3  }
0x31d: {  	[tilespmem:s18], [sflag:$0x1] =	stream.indirect_vreg.gather [hbm4b:s2+s3], $0x80, v4, vm0, $0xb8;
	[tilespmem:$0xE080] =	vst v63  }
0x31e: {  	s19 =	simm.s32 $0x6880  }
0x31f: {  	[tilespmem:s19], [sflag:$0x1] =	stream.indirect_vreg.gather [hbm4b:s4+s3], $0x80, v4, vm0, $0xb8;
	[tilespmem:$0xE080] =	vst v63  }
0x320: {  	s20 =	simm.s32 $0x7080  }
0x321: {  	[tilespmem:s20], [sflag:$0x1] =	stream.indirect_vreg.gather [hbm4b:s2+s3], $0x80, v3, vm0, $0xb8;
	[tilespmem:$0xE080] =	vst v63  }
0x322: {  	s21 =	simm.s32 $0x7880  }
0x323: {  	[tilespmem:s21], [sflag:$0x1] =	stream.indirect_vreg.gather [hbm4b:s4+s3], $0x80, v3, vm0, $0xb8;
	[tilespmem:$0xE080] =	vst v63  }
0x324: {  	v3 =	vld [tilespmem:$0x40];
	_ =	sdelay $0x4  }
0x325: {  	v12 =	vshll.u32 v3, $0x2  }
0x326: {  	v3 =	vand.u32 $0x7, v3;
	v4 =	vand.u32 $0xFFFFFFE0, v12  }
0x327: {  	v3 =	vor.u32 v3, v4  }
0x328: {  	v4 =	vperm.xlane v3, v0;
	_ =	sdelay $0x1  }
0x329: {  	v4 =	vadd.s32 v1, v4;
	_ =	sdelay $0x1  }
0x32a: {  	v3 =	vperm.xlane v3, v2;
	_ =	sdelay $0x1  }
0x32b: {  	s22 =	simm.s32 $0x8080;
	v3 =	vadd.s32 v1, v3  }
0x32c: {  	[tilespmem:s22], [sflag:$0x1] =	stream.indirect_vreg.gather [hbm4b:s2+s3], $0x80, v4, vm0, $0xb8;
	[tilespmem:$0xE080] =	vst v63  }
0x32d: {  	s23 =	simm.s32 $0x8880  }
0x32e: {  	[tilespmem:s23], [sflag:$0x1] =	stream.indirect_vreg.gather [hbm4b:s4+s3], $0x80, v4, vm0, $0xb8;
	[tilespmem:$0xE080] =	vst v63  }
0x32f: {  	s24 =	simm.s32 $0x9080  }
0x330: {  	[tilespmem:s24], [sflag:$0x1] =	stream.indirect_vreg.gather [hbm4b:s2+s3], $0x80, v3, vm0, $0xb8;
	[tilespmem:$0xE080] =	vst v63  }
0x331: {  	s25 =	simm.s32 $0x9880  }
0x332: {  	[tilespmem:s25], [sflag:$0x1] =	stream.indirect_vreg.gather [hbm4b:s4+s3], $0x80, v3, vm0, $0xb8;
	[tilespmem:$0xE080] =	vst v63  }
0x333: {  	v3 =	vld [tilespmem:$0x50];
	_ =	sdelay $0x4  }
0x334: {  	v13 =	vshll.u32 v3, $0x2  }
0x335: {  	v3 =	vand.u32 $0x7, v3;
	v4 =	vand.u32 $0xFFFFFFE0, v13  }
0x336: {  	v3 =	vor.u32 v3, v4  }
0x337: {  	v4 =	vperm.xlane v3, v0;
	_ =	sdelay $0x1  }
0x338: {  	v4 =	vadd.s32 v1, v4;
	_ =	sdelay $0x1  }
0x339: {  	v3 =	vperm.xlane v3, v2;
	_ =	sdelay $0x1  }
0x33a: {  	s26 =	simm.s32 $0xA080;
	v3 =	vadd.s32 v1, v3  }
0x33b: {  	[tilespmem:s26], [sflag:$0x1] =	stream.indirect_vreg.gather [hbm4b:s2+s3], $0x80, v4, vm0, $0xb8;
	[tilespmem:$0xE080] =	vst v63  }
0x33c: {  	s0 =	simm.s32 $0xA880  }
0x33d: {  	[tilespmem:s0], [sflag:$0x1] =	stream.indirect_vreg.gather [hbm4b:s4+s3], $0x80, v4, vm0, $0xb8;
	[tilespmem:$0xE080] =	vst v63  }
0x33e: {  	s10 =	simm.s32 $0xB080  }
0x33f: {  	[tilespmem:s10], [sflag:$0x1] =	stream.indirect_vreg.gather [hbm4b:s2+s3], $0x80, v3, vm0, $0xb8;
	[tilespmem:$0xE080] =	vst v63  }
0x340: {  	s5 =	simm.s32 $0xB880  }
0x341: {  	[tilespmem:s5], [sflag:$0x1] =	stream.indirect_vreg.gather [hbm4b:s4+s3], $0x80, v3, vm0, $0xb8;
	[tilespmem:$0xE080] =	vst v63  }
0x342: {  	v3 =	vld [tilespmem:$0x60];
	_ =	sdelay $0x4  }
0x343: {  	v14 =	vshll.u32 v3, $0x2  }
0x344: {  	v3 =	vand.u32 $0x7, v3;
	v4 =	vand.u32 $0xFFFFFFE0, v14  }
0x345: {  	v3 =	vor.u32 v3, v4  }
0x346: {  	v4 =	vperm.xlane v3, v0;
	_ =	sdelay $0x1  }
0x347: {  	v4 =	vadd.s32 v1, v4;
	_ =	sdelay $0x1  }
0x348: {  	v3 =	vperm.xlane v3, v2;
	_ =	sdelay $0x1  }
0x349: {  	s10 =	simm.s32 $0xC080;
	v3 =	vadd.s32 v1, v3  }
0x34a: {  	[tilespmem:s10], [sflag:$0x1] =	stream.indirect_vreg.gather [hbm4b:s2+s3], $0x80, v4, vm0, $0xb8;
	[tilespmem:$0xE080] =	vst v63  }
0x34b: {  	s12 =	simm.s32 $0xC880  }
0x34c: {  	[tilespmem:s12], [sflag:$0x1] =	stream.indirect_vreg.gather [hbm4b:s4+s3], $0x80, v4, vm0, $0xb8;
	[tilespmem:$0xE080] =	vst v63  }
0x34d: {  	s13 =	simm.s32 $0xD080  }
0x34e: {  	[tilespmem:s13], [sflag:$0x1] =	stream.indirect_vreg.gather [hbm4b:s2+s3], $0x80, v3, vm0, $0xb8;
	[tilespmem:$0xE080] =	vst v63  }
0x34f: {  	s28 =	simm.s32 $0xD880  }
0x350: {  	[tilespmem:s28], [sflag:$0x1] =	stream.indirect_vreg.gather [hbm4b:s4+s3], $0x80, v3, vm0, $0xb8;
	[tilespmem:$0xE080] =	vst v63  }
0x351: {  	_ =	swait.ge [sflag:s9], $0xE000  }
0x352: {  	[sflag:s9] =	ssyncset.done $0x0  }
0x353: {  	s10 =	rddreg [dreg:$0x10];
	[sflag:s9] =	ssyncadd.s32 $0xFFFF2000  }
0x354: {  	[hbm4b:s10+s3] =	stream.linear.scatter [tilespmem:s31], [sflag:$0x2], $0xE000, $0x38;
	[tilespmem:$0xE080] =	vst v63  }
0x355: {  	_ =	swait.ge [sflag:s6], $0xE000  }
0x356: {  	[sflag:s6] =	ssyncset.done $0x0  }
0x357: {  	s10 =	rddreg [dreg:$0x11];
	[sflag:s6] =	ssyncadd.s32 $0xFFFF2000  }
0x358: {  	[tilespmem:s3], [sflag:$0x2] =	stream.linear.gather [hbm4b:s10+s3], $0x70, $0x38;
	[tilespmem:$0xE080] =	vst v63  }
0x359: {  	_ =	swait.ge [sflag:s6], $0x70  }
0x35a: {  	[sflag:s6] =	ssyncset.done $0x0  }
0x35b: {  	[sflag:s6] =	ssyncadd.s32 $0xFFFFFF90  }
0x35c: {  	v3 =	vld [tilespmem:$0x0];
	_ =	sdelay $0x4  }
0x35d: {  	v15 =	vshll.u32 v3, $0x2  }
0x35e: {  	v3 =	vand.u32 $0x7, v3;
	v4 =	vand.u32 $0xFFFFFFE0, v15  }
0x35f: {  	v3 =	vor.u32 v3, v4  }
0x360: {  	v4 =	vperm.xlane v3, v0;
	_ =	sdelay $0x1  }
0x361: {  	v4 =	vadd.s32 v1, v4;
	_ =	sdelay $0x1  }
0x362: {  	v3 =	vperm.xlane v3, v2;
	_ =	sdelay $0x1  }
0x363: {  	v3 =	vadd.s32 v1, v3  }
0x364: {  	[tilespmem:s31], [sflag:$0x1] =	stream.indirect_vreg.gather [hbm4b:s2+s3], $0x80, v4, vm0, $0xb8;
	[tilespmem:$0xE080] =	vst v63  }
0x365: {  	s1 =	simm.s32 $0x880  }
0x366: {  	[tilespmem:s1], [sflag:$0x1] =	stream.indirect_vreg.gather [hbm4b:s4+s3], $0x80, v4, vm0, $0xb8;
	[tilespmem:$0xE080] =	vst v63  }
0x367: {  	s29 =	simm.s32 $0x1080  }
0x368: {  	[tilespmem:s29], [sflag:$0x1] =	stream.indirect_vreg.gather [hbm4b:s2+s3], $0x80, v3, vm0, $0xb8;
	[tilespmem:$0xE080] =	vst v63  }
0x369: {  	s10 =	simm.s32 $0x1880  }
0x36a: {  	[tilespmem:s10], [sflag:$0x1] =	stream.indirect_vreg.gather [hbm4b:s4+s3], $0x80, v3, vm0, $0xb8;
	[tilespmem:$0xE080] =	vst v63  }
0x36b: {  	v3 =	vld [tilespmem:$0x10];
	_ =	sdelay $0x4  }
0x36c: {  	v16 =	vshll.u32 v3, $0x2  }
0x36d: {  	v3 =	vand.u32 $0x7, v3;
	v4 =	vand.u32 $0xFFFFFFE0, v16  }
0x36e: {  	v3 =	vor.u32 v3, v4  }
0x36f: {  	v4 =	vperm.xlane v3, v0;
	_ =	sdelay $0x1  }
0x370: {  	v4 =	vadd.s32 v1, v4;
	_ =	sdelay $0x1  }
0x371: {  	v3 =	vperm.xlane v3, v2;
	_ =	sdelay $0x1  }
0x372: {  	s7 =	simm.s32 $0x2080;
	v3 =	vadd.s32 v1, v3  }
0x373: {  	[tilespmem:s7], [sflag:$0x1] =	stream.indirect_vreg.gather [hbm4b:s2+s3], $0x80, v4, vm0, $0xb8;
	[tilespmem:$0xE080] =	vst v63  }
0x374: {  	s8 =	simm.s32 $0x2880  }
0x375: {  	[tilespmem:s8], [sflag:$0x1] =	stream.indirect_vreg.gather [hbm4b:s4+s3], $0x80, v4, vm0, $0xb8;
	[tilespmem:$0xE080] =	vst v63  }
0x376: {  	s11 =	simm.s32 $0x3080  }
0x377: {  	[tilespmem:s11], [sflag:$0x1] =	stream.indirect_vreg.gather [hbm4b:s2+s3], $0x80, v3, vm0, $0xb8;
	[tilespmem:$0xE080] =	vst v63  }
0x378: {  	s30 =	simm.s32 $0x3880  }
0x379: {  	[tilespmem:s30], [sflag:$0x1] =	stream.indirect_vreg.gather [hbm4b:s4+s3], $0x80, v3, vm0, $0xb8;
	[tilespmem:$0xE080] =	vst v63  }
0x37a: {  	v3 =	vld [tilespmem:$0x20];
	_ =	sdelay $0x4  }
0x37b: {  	v17 =	vshll.u32 v3, $0x2  }
0x37c: {  	v3 =	vand.u32 $0x7, v3;
	v4 =	vand.u32 $0xFFFFFFE0, v17  }
0x37d: {  	v3 =	vor.u32 v3, v4  }
0x37e: {  	v4 =	vperm.xlane v3, v0;
	_ =	sdelay $0x1  }
0x37f: {  	v4 =	vadd.s32 v1, v4;
	_ =	sdelay $0x1  }
0x380: {  	v3 =	vperm.xlane v3, v2;
	_ =	sdelay $0x1  }
0x381: {  	s14 =	simm.s32 $0x4080;
	v3 =	vadd.s32 v1, v3  }
0x382: {  	[tilespmem:s14], [sflag:$0x1] =	stream.indirect_vreg.gather [hbm4b:s2+s3], $0x80, v4, vm0, $0xb8;
	[tilespmem:$0xE080] =	vst v63  }
0x383: {  	s15 =	simm.s32 $0x4880  }
0x384: {  	[tilespmem:s15], [sflag:$0x1] =	stream.indirect_vreg.gather [hbm4b:s4+s3], $0x80, v4, vm0, $0xb8;
	[tilespmem:$0xE080] =	vst v63  }
0x385: {  	s16 =	simm.s32 $0x5080  }
0x386: {  	[tilespmem:s16], [sflag:$0x1] =	stream.indirect_vreg.gather [hbm4b:s2+s3], $0x80, v3, vm0, $0xb8;
	[tilespmem:$0xE080] =	vst v63  }
0x387: {  	s17 =	simm.s32 $0x5880  }
0x388: {  	[tilespmem:s17], [sflag:$0x1] =	stream.indirect_vreg.gather [hbm4b:s4+s3], $0x80, v3, vm0, $0xb8;
	[tilespmem:$0xE080] =	vst v63  }
0x389: {  	v3 =	vld [tilespmem:$0x30];
	_ =	sdelay $0x4  }
0x38a: {  	v18 =	vshll.u32 v3, $0x2  }
0x38b: {  	v3 =	vand.u32 $0x7, v3;
	v4 =	vand.u32 $0xFFFFFFE0, v18  }
0x38c: {  	v3 =	vor.u32 v3, v4  }
0x38d: {  	v4 =	vperm.xlane v3, v0;
	_ =	sdelay $0x1  }
0x38e: {  	v4 =	vadd.s32 v1, v4;
	_ =	sdelay $0x1  }
0x38f: {  	v3 =	vperm.xlane v3, v2;
	_ =	sdelay $0x1  }
0x390: {  	s18 =	simm.s32 $0x6080;
	v3 =	vadd.s32 v1, v3  }
0x391: {  	[tilespmem:s18], [sflag:$0x1] =	stream.indirect_vreg.gather [hbm4b:s2+s3], $0x80, v4, vm0, $0xb8;
	[tilespmem:$0xE080] =	vst v63  }
0x392: {  	s19 =	simm.s32 $0x6880  }
0x393: {  	[tilespmem:s19], [sflag:$0x1] =	stream.indirect_vreg.gather [hbm4b:s4+s3], $0x80, v4, vm0, $0xb8;
	[tilespmem:$0xE080] =	vst v63  }
0x394: {  	s20 =	simm.s32 $0x7080  }
0x395: {  	[tilespmem:s20], [sflag:$0x1] =	stream.indirect_vreg.gather [hbm4b:s2+s3], $0x80, v3, vm0, $0xb8;
	[tilespmem:$0xE080] =	vst v63  }
0x396: {  	s21 =	simm.s32 $0x7880  }
0x397: {  	[tilespmem:s21], [sflag:$0x1] =	stream.indirect_vreg.gather [hbm4b:s4+s3], $0x80, v3, vm0, $0xb8;
	[tilespmem:$0xE080] =	vst v63  }
0x398: {  	v3 =	vld [tilespmem:$0x40];
	_ =	sdelay $0x4  }
0x399: {  	v19 =	vshll.u32 v3, $0x2  }
0x39a: {  	v3 =	vand.u32 $0x7, v3;
	v4 =	vand.u32 $0xFFFFFFE0, v19  }
0x39b: {  	v3 =	vor.u32 v3, v4  }
0x39c: {  	v4 =	vperm.xlane v3, v0;
	_ =	sdelay $0x1  }
0x39d: {  	v4 =	vadd.s32 v1, v4;
	_ =	sdelay $0x1  }
0x39e: {  	v3 =	vperm.xlane v3, v2;
	_ =	sdelay $0x1  }
0x39f: {  	s22 =	simm.s32 $0x8080;
	v3 =	vadd.s32 v1, v3  }
0x3a0: {  	[tilespmem:s22], [sflag:$0x1] =	stream.indirect_vreg.gather [hbm4b:s2+s3], $0x80, v4, vm0, $0xb8;
	[tilespmem:$0xE080] =	vst v63  }
0x3a1: {  	s23 =	simm.s32 $0x8880  }
0x3a2: {  	[tilespmem:s23], [sflag:$0x1] =	stream.indirect_vreg.gather [hbm4b:s4+s3], $0x80, v4, vm0, $0xb8;
	[tilespmem:$0xE080] =	vst v63  }
0x3a3: {  	s24 =	simm.s32 $0x9080  }
0x3a4: {  	[tilespmem:s24], [sflag:$0x1] =	stream.indirect_vreg.gather [hbm4b:s2+s3], $0x80, v3, vm0, $0xb8;
	[tilespmem:$0xE080] =	vst v63  }
0x3a5: {  	s25 =	simm.s32 $0x9880  }
0x3a6: {  	[tilespmem:s25], [sflag:$0x1] =	stream.indirect_vreg.gather [hbm4b:s4+s3], $0x80, v3, vm0, $0xb8;
	[tilespmem:$0xE080] =	vst v63  }
0x3a7: {  	v3 =	vld [tilespmem:$0x50];
	_ =	sdelay $0x4  }
0x3a8: {  	v20 =	vshll.u32 v3, $0x2  }
0x3a9: {  	v3 =	vand.u32 $0x7, v3;
	v4 =	vand.u32 $0xFFFFFFE0, v20  }
0x3aa: {  	v3 =	vor.u32 v3, v4  }
0x3ab: {  	v4 =	vperm.xlane v3, v0;
	_ =	sdelay $0x1  }
0x3ac: {  	v4 =	vadd.s32 v1, v4;
	_ =	sdelay $0x1  }
0x3ad: {  	v3 =	vperm.xlane v3, v2;
	_ =	sdelay $0x1  }
0x3ae: {  	s26 =	simm.s32 $0xA080;
	v3 =	vadd.s32 v1, v3  }
0x3af: {  	[tilespmem:s26], [sflag:$0x1] =	stream.indirect_vreg.gather [hbm4b:s2+s3], $0x80, v4, vm0, $0xb8;
	[tilespmem:$0xE080] =	vst v63  }
0x3b0: {  	s0 =	simm.s32 $0xA880  }
0x3b1: {  	[tilespmem:s0], [sflag:$0x1] =	stream.indirect_vreg.gather [hbm4b:s4+s3], $0x80, v4, vm0, $0xb8;
	[tilespmem:$0xE080] =	vst v63  }
0x3b2: {  	s10 =	simm.s32 $0xB080  }
0x3b3: {  	[tilespmem:s10], [sflag:$0x1] =	stream.indirect_vreg.gather [hbm4b:s2+s3], $0x80, v3, vm0, $0xb8;
	[tilespmem:$0xE080] =	vst v63  }
0x3b4: {  	s5 =	simm.s32 $0xB880  }
0x3b5: {  	[tilespmem:s5], [sflag:$0x1] =	stream.indirect_vreg.gather [hbm4b:s4+s3], $0x80, v3, vm0, $0xb8;
	[tilespmem:$0xE080] =	vst v63  }
0x3b6: {  	v3 =	vld [tilespmem:$0x60];
	_ =	sdelay $0x4  }
0x3b7: {  	v21 =	vshll.u32 v3, $0x2  }
0x3b8: {  	v3 =	vand.u32 $0x7, v3;
	v4 =	vand.u32 $0xFFFFFFE0, v21  }
0x3b9: {  	v3 =	vor.u32 v3, v4  }
0x3ba: {  	v4 =	vperm.xlane v3, v0;
	_ =	sdelay $0x1  }
0x3bb: {  	v4 =	vadd.s32 v1, v4;
	_ =	sdelay $0x1  }
0x3bc: {  	v3 =	vperm.xlane v3, v2;
	_ =	sdelay $0x1  }
0x3bd: {  	s10 =	simm.s32 $0xC080;
	v3 =	vadd.s32 v1, v3  }
0x3be: {  	[tilespmem:s10], [sflag:$0x1] =	stream.indirect_vreg.gather [hbm4b:s2+s3], $0x80, v4, vm0, $0xb8;
	[tilespmem:$0xE080] =	vst v63  }
0x3bf: {  	s12 =	simm.s32 $0xC880  }
0x3c0: {  	[tilespmem:s12], [sflag:$0x1] =	stream.indirect_vreg.gather [hbm4b:s4+s3], $0x80, v4, vm0, $0xb8;
	[tilespmem:$0xE080] =	vst v63  }
0x3c1: {  	s13 =	simm.s32 $0xD080  }
0x3c2: {  	[tilespmem:s13], [sflag:$0x1] =	stream.indirect_vreg.gather [hbm4b:s2+s3], $0x80, v3, vm0, $0xb8;
	[tilespmem:$0xE080] =	vst v63  }
0x3c3: {  	s28 =	simm.s32 $0xD880  }
0x3c4: {  	[tilespmem:s28], [sflag:$0x1] =	stream.indirect_vreg.gather [hbm4b:s4+s3], $0x80, v3, vm0, $0xb8;
	[tilespmem:$0xE080] =	vst v63  }
0x3c5: {  	_ =	swait.ge [sflag:s9], $0xE000  }
0x3c6: {  	[sflag:s9] =	ssyncset.done $0x0  }
0x3c7: {  	s10 =	rddreg [dreg:$0x12];
	[sflag:s9] =	ssyncadd.s32 $0xFFFF2000  }
0x3c8: {  	[hbm4b:s10+s3] =	stream.linear.scatter [tilespmem:s31], [sflag:$0x2], $0xE000, $0x38;
	[tilespmem:$0xE080] =	vst v63  }
0x3c9: {  	_ =	swait.ge [sflag:s6], $0xE000  }
0x3ca: {  	[sflag:s6] =	ssyncset.done $0x0  }
0x3cb: {  	s10 =	rddreg [dreg:$0x13];
	[sflag:s6] =	ssyncadd.s32 $0xFFFF2000  }
0x3cc: {  	[tilespmem:s3], [sflag:$0x2] =	stream.linear.gather [hbm4b:s10+s3], $0x70, $0x38;
	[tilespmem:$0xE080] =	vst v63  }
0x3cd: {  	_ =	swait.ge [sflag:s6], $0x70  }
0x3ce: {  	[sflag:s6] =	ssyncset.done $0x0  }
0x3cf: {  	[sflag:s6] =	ssyncadd.s32 $0xFFFFFF90  }
0x3d0: {  	v3 =	vld [tilespmem:$0x0];
	_ =	sdelay $0x4  }
0x3d1: {  	v22 =	vshll.u32 v3, $0x2  }
0x3d2: {  	v3 =	vand.u32 $0x7, v3;
	v4 =	vand.u32 $0xFFFFFFE0, v22  }
0x3d3: {  	v3 =	vor.u32 v3, v4  }
0x3d4: {  	v4 =	vperm.xlane v3, v0;
	_ =	sdelay $0x1  }
0x3d5: {  	v4 =	vadd.s32 v1, v4;
	_ =	sdelay $0x1  }
0x3d6: {  	v3 =	vperm.xlane v3, v2;
	_ =	sdelay $0x1  }
0x3d7: {  	v3 =	vadd.s32 v1, v3  }
0x3d8: {  	[tilespmem:s31], [sflag:$0x1] =	stream.indirect_vreg.gather [hbm4b:s2+s3], $0x80, v4, vm0, $0xb8;
	[tilespmem:$0xE080] =	vst v63  }
0x3d9: {  	s1 =	simm.s32 $0x880  }
0x3da: {  	[tilespmem:s1], [sflag:$0x1] =	stream.indirect_vreg.gather [hbm4b:s4+s3], $0x80, v4, vm0, $0xb8;
	[tilespmem:$0xE080] =	vst v63  }
0x3db: {  	s29 =	simm.s32 $0x1080  }
0x3dc: {  	[tilespmem:s29], [sflag:$0x1] =	stream.indirect_vreg.gather [hbm4b:s2+s3], $0x80, v3, vm0, $0xb8;
	[tilespmem:$0xE080] =	vst v63  }
0x3dd: {  	s10 =	simm.s32 $0x1880  }
0x3de: {  	[tilespmem:s10], [sflag:$0x1] =	stream.indirect_vreg.gather [hbm4b:s4+s3], $0x80, v3, vm0, $0xb8;
	[tilespmem:$0xE080] =	vst v63  }
0x3df: {  	v3 =	vld [tilespmem:$0x10];
	_ =	sdelay $0x4  }
0x3e0: {  	v23 =	vshll.u32 v3, $0x2  }
0x3e1: {  	v3 =	vand.u32 $0x7, v3;
	v4 =	vand.u32 $0xFFFFFFE0, v23  }
0x3e2: {  	v3 =	vor.u32 v3, v4  }
0x3e3: {  	v4 =	vperm.xlane v3, v0;
	_ =	sdelay $0x1  }
0x3e4: {  	v4 =	vadd.s32 v1, v4;
	_ =	sdelay $0x1  }
0x3e5: {  	v3 =	vperm.xlane v3, v2;
	_ =	sdelay $0x1  }
0x3e6: {  	s7 =	simm.s32 $0x2080;
	v3 =	vadd.s32 v1, v3  }
0x3e7: {  	[tilespmem:s7], [sflag:$0x1] =	stream.indirect_vreg.gather [hbm4b:s2+s3], $0x80, v4, vm0, $0xb8;
	[tilespmem:$0xE080] =	vst v63  }
0x3e8: {  	s8 =	simm.s32 $0x2880  }
0x3e9: {  	[tilespmem:s8], [sflag:$0x1] =	stream.indirect_vreg.gather [hbm4b:s4+s3], $0x80, v4, vm0, $0xb8;
	[tilespmem:$0xE080] =	vst v63  }
0x3ea: {  	s11 =	simm.s32 $0x3080  }
0x3eb: {  	[tilespmem:s11], [sflag:$0x1] =	stream.indirect_vreg.gather [hbm4b:s2+s3], $0x80, v3, vm0, $0xb8;
	[tilespmem:$0xE080] =	vst v63  }
0x3ec: {  	s30 =	simm.s32 $0x3880  }
0x3ed: {  	[tilespmem:s30], [sflag:$0x1] =	stream.indirect_vreg.gather [hbm4b:s4+s3], $0x80, v3, vm0, $0xb8;
	[tilespmem:$0xE080] =	vst v63  }
0x3ee: {  	v3 =	vld [tilespmem:$0x20];
	_ =	sdelay $0x4  }
0x3ef: {  	v24 =	vshll.u32 v3, $0x2  }
0x3f0: {  	v3 =	vand.u32 $0x7, v3;
	v4 =	vand.u32 $0xFFFFFFE0, v24  }
0x3f1: {  	v3 =	vor.u32 v3, v4  }
0x3f2: {  	v4 =	vperm.xlane v3, v0;
	_ =	sdelay $0x1  }
0x3f3: {  	v4 =	vadd.s32 v1, v4;
	_ =	sdelay $0x1  }
0x3f4: {  	v3 =	vperm.xlane v3, v2;
	_ =	sdelay $0x1  }
0x3f5: {  	s14 =	simm.s32 $0x4080;
	v3 =	vadd.s32 v1, v3  }
0x3f6: {  	[tilespmem:s14], [sflag:$0x1] =	stream.indirect_vreg.gather [hbm4b:s2+s3], $0x80, v4, vm0, $0xb8;
	[tilespmem:$0xE080] =	vst v63  }
0x3f7: {  	s15 =	simm.s32 $0x4880  }
0x3f8: {  	[tilespmem:s15], [sflag:$0x1] =	stream.indirect_vreg.gather [hbm4b:s4+s3], $0x80, v4, vm0, $0xb8;
	[tilespmem:$0xE080] =	vst v63  }
0x3f9: {  	s16 =	simm.s32 $0x5080  }
0x3fa: {  	[tilespmem:s16], [sflag:$0x1] =	stream.indirect_vreg.gather [hbm4b:s2+s3], $0x80, v3, vm0, $0xb8;
	[tilespmem:$0xE080] =	vst v63  }
0x3fb: {  	s17 =	simm.s32 $0x5880  }
0x3fc: {  	[tilespmem:s17], [sflag:$0x1] =	stream.indirect_vreg.gather [hbm4b:s4+s3], $0x80, v3, vm0, $0xb8;
	[tilespmem:$0xE080] =	vst v63  }
0x3fd: {  	v3 =	vld [tilespmem:$0x30];
	_ =	sdelay $0x4  }
0x3fe: {  	v25 =	vshll.u32 v3, $0x2  }
0x3ff: {  	v3 =	vand.u32 $0x7, v3;
	v4 =	vand.u32 $0xFFFFFFE0, v25  }
0x400: {  	v3 =	vor.u32 v3, v4  }
0x401: {  	v4 =	vperm.xlane v3, v0;
	_ =	sdelay $0x1  }
0x402: {  	v4 =	vadd.s32 v1, v4;
	_ =	sdelay $0x1  }
0x403: {  	v3 =	vperm.xlane v3, v2;
	_ =	sdelay $0x1  }
0x404: {  	s18 =	simm.s32 $0x6080;
	v3 =	vadd.s32 v1, v3  }
0x405: {  	[tilespmem:s18], [sflag:$0x1] =	stream.indirect_vreg.gather [hbm4b:s2+s3], $0x80, v4, vm0, $0xb8;
	[tilespmem:$0xE080] =	vst v63  }
0x406: {  	s19 =	simm.s32 $0x6880  }
0x407: {  	[tilespmem:s19], [sflag:$0x1] =	stream.indirect_vreg.gather [hbm4b:s4+s3], $0x80, v4, vm0, $0xb8;
	[tilespmem:$0xE080] =	vst v63  }
0x408: {  	s20 =	simm.s32 $0x7080  }
0x409: {  	[tilespmem:s20], [sflag:$0x1] =	stream.indirect_vreg.gather [hbm4b:s2+s3], $0x80, v3, vm0, $0xb8;
	[tilespmem:$0xE080] =	vst v63  }
0x40a: {  	s21 =	simm.s32 $0x7880  }
0x40b: {  	[tilespmem:s21], [sflag:$0x1] =	stream.indirect_vreg.gather [hbm4b:s4+s3], $0x80, v3, vm0, $0xb8;
	[tilespmem:$0xE080] =	vst v63  }
0x40c: {  	v3 =	vld [tilespmem:$0x40];
	_ =	sdelay $0x4  }
0x40d: {  	v26 =	vshll.u32 v3, $0x2  }
0x40e: {  	v3 =	vand.u32 $0x7, v3;
	v4 =	vand.u32 $0xFFFFFFE0, v26  }
0x40f: {  	v3 =	vor.u32 v3, v4  }
0x410: {  	v4 =	vperm.xlane v3, v0;
	_ =	sdelay $0x1  }
0x411: {  	v4 =	vadd.s32 v1, v4;
	_ =	sdelay $0x1  }
0x412: {  	v3 =	vperm.xlane v3, v2;
	_ =	sdelay $0x1  }
0x413: {  	s22 =	simm.s32 $0x8080;
	v3 =	vadd.s32 v1, v3  }
0x414: {  	[tilespmem:s22], [sflag:$0x1] =	stream.indirect_vreg.gather [hbm4b:s2+s3], $0x80, v4, vm0, $0xb8;
	[tilespmem:$0xE080] =	vst v63  }
0x415: {  	s23 =	simm.s32 $0x8880  }
0x416: {  	[tilespmem:s23], [sflag:$0x1] =	stream.indirect_vreg.gather [hbm4b:s4+s3], $0x80, v4, vm0, $0xb8;
	[tilespmem:$0xE080] =	vst v63  }
0x417: {  	s24 =	simm.s32 $0x9080  }
0x418: {  	[tilespmem:s24], [sflag:$0x1] =	stream.indirect_vreg.gather [hbm4b:s2+s3], $0x80, v3, vm0, $0xb8;
	[tilespmem:$0xE080] =	vst v63  }
0x419: {  	s25 =	simm.s32 $0x9880  }
0x41a: {  	[tilespmem:s25], [sflag:$0x1] =	stream.indirect_vreg.gather [hbm4b:s4+s3], $0x80, v3, vm0, $0xb8;
	[tilespmem:$0xE080] =	vst v63  }
0x41b: {  	v3 =	vld [tilespmem:$0x50];
	_ =	sdelay $0x4  }
0x41c: {  	v27 =	vshll.u32 v3, $0x2  }
0x41d: {  	v3 =	vand.u32 $0x7, v3;
	v4 =	vand.u32 $0xFFFFFFE0, v27  }
0x41e: {  	v3 =	vor.u32 v3, v4  }
0x41f: {  	v4 =	vperm.xlane v3, v0;
	_ =	sdelay $0x1  }
0x420: {  	v4 =	vadd.s32 v1, v4;
	_ =	sdelay $0x1  }
0x421: {  	v3 =	vperm.xlane v3, v2;
	_ =	sdelay $0x1  }
0x422: {  	s26 =	simm.s32 $0xA080;
	v3 =	vadd.s32 v1, v3  }
0x423: {  	[tilespmem:s26], [sflag:$0x1] =	stream.indirect_vreg.gather [hbm4b:s2+s3], $0x80, v4, vm0, $0xb8;
	[tilespmem:$0xE080] =	vst v63  }
0x424: {  	s0 =	simm.s32 $0xA880  }
0x425: {  	[tilespmem:s0], [sflag:$0x1] =	stream.indirect_vreg.gather [hbm4b:s4+s3], $0x80, v4, vm0, $0xb8;
	[tilespmem:$0xE080] =	vst v63  }
0x426: {  	s10 =	simm.s32 $0xB080  }
0x427: {  	[tilespmem:s10], [sflag:$0x1] =	stream.indirect_vreg.gather [hbm4b:s2+s3], $0x80, v3, vm0, $0xb8;
	[tilespmem:$0xE080] =	vst v63  }
0x428: {  	s5 =	simm.s32 $0xB880  }
0x429: {  	[tilespmem:s5], [sflag:$0x1] =	stream.indirect_vreg.gather [hbm4b:s4+s3], $0x80, v3, vm0, $0xb8;
	[tilespmem:$0xE080] =	vst v63  }
0x42a: {  	v3 =	vld [tilespmem:$0x60];
	_ =	sdelay $0x4  }
0x42b: {  	v28 =	vshll.u32 v3, $0x2  }
0x42c: {  	v3 =	vand.u32 $0x7, v3;
	v4 =	vand.u32 $0xFFFFFFE0, v28  }
0x42d: {  	v3 =	vor.u32 v3, v4  }
0x42e: {  	v4 =	vperm.xlane v3, v0;
	_ =	sdelay $0x1  }
0x42f: {  	v4 =	vadd.s32 v1, v4;
	_ =	sdelay $0x1  }
0x430: {  	v3 =	vperm.xlane v3, v2;
	_ =	sdelay $0x1  }
0x431: {  	s10 =	simm.s32 $0xC080;
	v3 =	vadd.s32 v1, v3  }
0x432: {  	[tilespmem:s10], [sflag:$0x1] =	stream.indirect_vreg.gather [hbm4b:s2+s3], $0x80, v4, vm0, $0xb8;
	[tilespmem:$0xE080] =	vst v63  }
0x433: {  	s12 =	simm.s32 $0xC880  }
0x434: {  	[tilespmem:s12], [sflag:$0x1] =	stream.indirect_vreg.gather [hbm4b:s4+s3], $0x80, v4, vm0, $0xb8;
	[tilespmem:$0xE080] =	vst v63  }
0x435: {  	s13 =	simm.s32 $0xD080  }
0x436: {  	[tilespmem:s13], [sflag:$0x1] =	stream.indirect_vreg.gather [hbm4b:s2+s3], $0x80, v3, vm0, $0xb8;
	[tilespmem:$0xE080] =	vst v63  }
0x437: {  	s28 =	simm.s32 $0xD880  }
0x438: {  	[tilespmem:s28], [sflag:$0x1] =	stream.indirect_vreg.gather [hbm4b:s4+s3], $0x80, v3, vm0, $0xb8;
	[tilespmem:$0xE080] =	vst v63  }
0x439: {  	_ =	swait.ge [sflag:s9], $0xE000  }
0x43a: {  	[sflag:s9] =	ssyncset.done $0x0  }
0x43b: {  	s10 =	rddreg [dreg:$0x14];
	[sflag:s9] =	ssyncadd.s32 $0xFFFF2000  }
0x43c: {  	[hbm4b:s10+s3] =	stream.linear.scatter [tilespmem:s31], [sflag:$0x2], $0xE000, $0x38;
	[tilespmem:$0xE080] =	vst v63  }
0x43d: {  	_ =	swait.ge [sflag:s6], $0xE000  }
0x43e: {  	[sflag:s6] =	ssyncset.done $0x0  }
0x43f: {  	s10 =	rddreg [dreg:$0x15];
	[sflag:s6] =	ssyncadd.s32 $0xFFFF2000  }
0x440: {  	[tilespmem:s3], [sflag:$0x2] =	stream.linear.gather [hbm4b:s10+s3], $0x70, $0x38;
	[tilespmem:$0xE080] =	vst v63  }
0x441: {  	_ =	swait.ge [sflag:s6], $0x70  }
0x442: {  	[sflag:s6] =	ssyncset.done $0x0  }
0x443: {  	[sflag:s6] =	ssyncadd.s32 $0xFFFFFF90  }
0x444: {  	v3 =	vld [tilespmem:$0x0];
	_ =	sdelay $0x4  }
0x445: {  	v29 =	vshll.u32 v3, $0x2  }
0x446: {  	v3 =	vand.u32 $0x7, v3;
	v4 =	vand.u32 $0xFFFFFFE0, v29  }
0x447: {  	v3 =	vor.u32 v3, v4  }
0x448: {  	v4 =	vperm.xlane v3, v0;
	_ =	sdelay $0x1  }
0x449: {  	v4 =	vadd.s32 v1, v4;
	_ =	sdelay $0x1  }
0x44a: {  	v3 =	vperm.xlane v3, v2;
	_ =	sdelay $0x1  }
0x44b: {  	v3 =	vadd.s32 v1, v3  }
0x44c: {  	[tilespmem:s31], [sflag:$0x1] =	stream.indirect_vreg.gather [hbm4b:s2+s3], $0x80, v4, vm0, $0xb8;
	[tilespmem:$0xE080] =	vst v63  }
0x44d: {  	s1 =	simm.s32 $0x880  }
0x44e: {  	[tilespmem:s1], [sflag:$0x1] =	stream.indirect_vreg.gather [hbm4b:s4+s3], $0x80, v4, vm0, $0xb8;
	[tilespmem:$0xE080] =	vst v63  }
0x44f: {  	s29 =	simm.s32 $0x1080  }
0x450: {  	[tilespmem:s29], [sflag:$0x1] =	stream.indirect_vreg.gather [hbm4b:s2+s3], $0x80, v3, vm0, $0xb8;
	[tilespmem:$0xE080] =	vst v63  }
0x451: {  	s10 =	simm.s32 $0x1880  }
0x452: {  	[tilespmem:s10], [sflag:$0x1] =	stream.indirect_vreg.gather [hbm4b:s4+s3], $0x80, v3, vm0, $0xb8;
	[tilespmem:$0xE080] =	vst v63  }
0x453: {  	v3 =	vld [tilespmem:$0x10];
	_ =	sdelay $0x4  }
0x454: {  	v30 =	vshll.u32 v3, $0x2  }
0x455: {  	v3 =	vand.u32 $0x7, v3;
	v4 =	vand.u32 $0xFFFFFFE0, v30  }
0x456: {  	v3 =	vor.u32 v3, v4  }
0x457: {  	v4 =	vperm.xlane v3, v0;
	_ =	sdelay $0x1  }
0x458: {  	v4 =	vadd.s32 v1, v4;
	_ =	sdelay $0x1  }
0x459: {  	v3 =	vperm.xlane v3, v2;
	_ =	sdelay $0x1  }
0x45a: {  	s7 =	simm.s32 $0x2080;
	v3 =	vadd.s32 v1, v3  }
0x45b: {  	[tilespmem:s7], [sflag:$0x1] =	stream.indirect_vreg.gather [hbm4b:s2+s3], $0x80, v4, vm0, $0xb8;
	[tilespmem:$0xE080] =	vst v63  }
0x45c: {  	s8 =	simm.s32 $0x2880  }
0x45d: {  	[tilespmem:s8], [sflag:$0x1] =	stream.indirect_vreg.gather [hbm4b:s4+s3], $0x80, v4, vm0, $0xb8;
	[tilespmem:$0xE080] =	vst v63  }
0x45e: {  	s11 =	simm.s32 $0x3080  }
0x45f: {  	[tilespmem:s11], [sflag:$0x1] =	stream.indirect_vreg.gather [hbm4b:s2+s3], $0x80, v3, vm0, $0xb8;
	[tilespmem:$0xE080] =	vst v63  }
0x460: {  	s30 =	simm.s32 $0x3880  }
0x461: {  	[tilespmem:s30], [sflag:$0x1] =	stream.indirect_vreg.gather [hbm4b:s4+s3], $0x80, v3, vm0, $0xb8;
	[tilespmem:$0xE080] =	vst v63  }
0x462: {  	v3 =	vld [tilespmem:$0x20];
	_ =	sdelay $0x4  }
0x463: {  	v31 =	vshll.u32 v3, $0x2  }
0x464: {  	v3 =	vand.u32 $0x7, v3;
	v4 =	vand.u32 $0xFFFFFFE0, v31  }
0x465: {  	v3 =	vor.u32 v3, v4  }
0x466: {  	v4 =	vperm.xlane v3, v0;
	_ =	sdelay $0x1  }
0x467: {  	v4 =	vadd.s32 v1, v4;
	_ =	sdelay $0x1  }
0x468: {  	v3 =	vperm.xlane v3, v2;
	_ =	sdelay $0x1  }
0x469: {  	s14 =	simm.s32 $0x4080;
	v3 =	vadd.s32 v1, v3  }
0x46a: {  	[tilespmem:s14], [sflag:$0x1] =	stream.indirect_vreg.gather [hbm4b:s2+s3], $0x80, v4, vm0, $0xb8;
	[tilespmem:$0xE080] =	vst v63  }
0x46b: {  	s15 =	simm.s32 $0x4880  }
0x46c: {  	[tilespmem:s15], [sflag:$0x1] =	stream.indirect_vreg.gather [hbm4b:s4+s3], $0x80, v4, vm0, $0xb8;
	[tilespmem:$0xE080] =	vst v63  }
0x46d: {  	s16 =	simm.s32 $0x5080  }
0x46e: {  	[tilespmem:s16], [sflag:$0x1] =	stream.indirect_vreg.gather [hbm4b:s2+s3], $0x80, v3, vm0, $0xb8;
	[tilespmem:$0xE080] =	vst v63  }
0x46f: {  	s17 =	simm.s32 $0x5880  }
0x470: {  	[tilespmem:s17], [sflag:$0x1] =	stream.indirect_vreg.gather [hbm4b:s4+s3], $0x80, v3, vm0, $0xb8;
	[tilespmem:$0xE080] =	vst v63  }
0x471: {  	v3 =	vld [tilespmem:$0x30];
	_ =	sdelay $0x4  }
0x472: {  	v32 =	vshll.u32 v3, $0x2  }
0x473: {  	v3 =	vand.u32 $0x7, v3;
	v4 =	vand.u32 $0xFFFFFFE0, v32  }
0x474: {  	v3 =	vor.u32 v3, v4  }
0x475: {  	v4 =	vperm.xlane v3, v0;
	_ =	sdelay $0x1  }
0x476: {  	v4 =	vadd.s32 v1, v4;
	_ =	sdelay $0x1  }
0x477: {  	v3 =	vperm.xlane v3, v2;
	_ =	sdelay $0x1  }
0x478: {  	s18 =	simm.s32 $0x6080;
	v3 =	vadd.s32 v1, v3  }
0x479: {  	[tilespmem:s18], [sflag:$0x1] =	stream.indirect_vreg.gather [hbm4b:s2+s3], $0x80, v4, vm0, $0xb8;
	[tilespmem:$0xE080] =	vst v63  }
0x47a: {  	s19 =	simm.s32 $0x6880  }
0x47b: {  	[tilespmem:s19], [sflag:$0x1] =	stream.indirect_vreg.gather [hbm4b:s4+s3], $0x80, v4, vm0, $0xb8;
	[tilespmem:$0xE080] =	vst v63  }
0x47c: {  	s20 =	simm.s32 $0x7080  }
0x47d: {  	[tilespmem:s20], [sflag:$0x1] =	stream.indirect_vreg.gather [hbm4b:s2+s3], $0x80, v3, vm0, $0xb8;
	[tilespmem:$0xE080] =	vst v63  }
0x47e: {  	s21 =	simm.s32 $0x7880  }
0x47f: {  	[tilespmem:s21], [sflag:$0x1] =	stream.indirect_vreg.gather [hbm4b:s4+s3], $0x80, v3, vm0, $0xb8;
	[tilespmem:$0xE080] =	vst v63  }
0x480: {  	v3 =	vld [tilespmem:$0x40];
	_ =	sdelay $0x4  }
0x481: {  	v33 =	vshll.u32 v3, $0x2  }
0x482: {  	v3 =	vand.u32 $0x7, v3;
	v4 =	vand.u32 $0xFFFFFFE0, v33  }
0x483: {  	v3 =	vor.u32 v3, v4  }
0x484: {  	v4 =	vperm.xlane v3, v0;
	_ =	sdelay $0x1  }
0x485: {  	v4 =	vadd.s32 v1, v4;
	_ =	sdelay $0x1  }
0x486: {  	v3 =	vperm.xlane v3, v2;
	_ =	sdelay $0x1  }
0x487: {  	s22 =	simm.s32 $0x8080;
	v3 =	vadd.s32 v1, v3  }
0x488: {  	[tilespmem:s22], [sflag:$0x1] =	stream.indirect_vreg.gather [hbm4b:s2+s3], $0x80, v4, vm0, $0xb8;
	[tilespmem:$0xE080] =	vst v63  }
0x489: {  	s23 =	simm.s32 $0x8880  }
0x48a: {  	[tilespmem:s23], [sflag:$0x1] =	stream.indirect_vreg.gather [hbm4b:s4+s3], $0x80, v4, vm0, $0xb8;
	[tilespmem:$0xE080] =	vst v63  }
0x48b: {  	s24 =	simm.s32 $0x9080  }
0x48c: {  	[tilespmem:s24], [sflag:$0x1] =	stream.indirect_vreg.gather [hbm4b:s2+s3], $0x80, v3, vm0, $0xb8;
	[tilespmem:$0xE080] =	vst v63  }
0x48d: {  	s25 =	simm.s32 $0x9880  }
0x48e: {  	[tilespmem:s25], [sflag:$0x1] =	stream.indirect_vreg.gather [hbm4b:s4+s3], $0x80, v3, vm0, $0xb8;
	[tilespmem:$0xE080] =	vst v63  }
0x48f: {  	v3 =	vld [tilespmem:$0x50];
	_ =	sdelay $0x4  }
0x490: {  	v34 =	vshll.u32 v3, $0x2  }
0x491: {  	v3 =	vand.u32 $0x7, v3;
	v4 =	vand.u32 $0xFFFFFFE0, v34  }
0x492: {  	v3 =	vor.u32 v3, v4  }
0x493: {  	v4 =	vperm.xlane v3, v0;
	_ =	sdelay $0x1  }
0x494: {  	v4 =	vadd.s32 v1, v4;
	_ =	sdelay $0x1  }
0x495: {  	v3 =	vperm.xlane v3, v2;
	_ =	sdelay $0x1  }
0x496: {  	s26 =	simm.s32 $0xA080;
	v3 =	vadd.s32 v1, v3  }
0x497: {  	[tilespmem:s26], [sflag:$0x1] =	stream.indirect_vreg.gather [hbm4b:s2+s3], $0x80, v4, vm0, $0xb8;
	[tilespmem:$0xE080] =	vst v63  }
0x498: {  	s0 =	simm.s32 $0xA880  }
0x499: {  	[tilespmem:s0], [sflag:$0x1] =	stream.indirect_vreg.gather [hbm4b:s4+s3], $0x80, v4, vm0, $0xb8;
	[tilespmem:$0xE080] =	vst v63  }
0x49a: {  	s10 =	simm.s32 $0xB080  }
0x49b: {  	[tilespmem:s10], [sflag:$0x1] =	stream.indirect_vreg.gather [hbm4b:s2+s3], $0x80, v3, vm0, $0xb8;
	[tilespmem:$0xE080] =	vst v63  }
0x49c: {  	s5 =	simm.s32 $0xB880  }
0x49d: {  	[tilespmem:s5], [sflag:$0x1] =	stream.indirect_vreg.gather [hbm4b:s4+s3], $0x80, v3, vm0, $0xb8;
	[tilespmem:$0xE080] =	vst v63  }
0x49e: {  	v3 =	vld [tilespmem:$0x60];
	_ =	sdelay $0x4  }
0x49f: {  	v35 =	vshll.u32 v3, $0x2  }
0x4a0: {  	v3 =	vand.u32 $0x7, v3;
	v4 =	vand.u32 $0xFFFFFFE0, v35  }
0x4a1: {  	v3 =	vor.u32 v3, v4  }
0x4a2: {  	v4 =	vperm.xlane v3, v0;
	_ =	sdelay $0x1  }
0x4a3: {  	v4 =	vadd.s32 v1, v4;
	_ =	sdelay $0x1  }
0x4a4: {  	v3 =	vperm.xlane v3, v2;
	_ =	sdelay $0x1  }
0x4a5: {  	s10 =	simm.s32 $0xC080;
	v3 =	vadd.s32 v1, v3  }
0x4a6: {  	[tilespmem:s10], [sflag:$0x1] =	stream.indirect_vreg.gather [hbm4b:s2+s3], $0x80, v4, vm0, $0xb8;
	[tilespmem:$0xE080] =	vst v63  }
0x4a7: {  	s12 =	simm.s32 $0xC880  }
0x4a8: {  	[tilespmem:s12], [sflag:$0x1] =	stream.indirect_vreg.gather [hbm4b:s4+s3], $0x80, v4, vm0, $0xb8;
	[tilespmem:$0xE080] =	vst v63  }
0x4a9: {  	s13 =	simm.s32 $0xD080  }
0x4aa: {  	[tilespmem:s13], [sflag:$0x1] =	stream.indirect_vreg.gather [hbm4b:s2+s3], $0x80, v3, vm0, $0xb8;
	[tilespmem:$0xE080] =	vst v63  }
0x4ab: {  	s28 =	simm.s32 $0xD880  }
0x4ac: {  	[tilespmem:s28], [sflag:$0x1] =	stream.indirect_vreg.gather [hbm4b:s4+s3], $0x80, v3, vm0, $0xb8;
	[tilespmem:$0xE080] =	vst v63  }
0x4ad: {  	_ =	swait.ge [sflag:s9], $0xE000  }
0x4ae: {  	[sflag:s9] =	ssyncset.done $0x0  }
0x4af: {  	s10 =	rddreg [dreg:$0x16];
	[sflag:s9] =	ssyncadd.s32 $0xFFFF2000  }
0x4b0: {  	[hbm4b:s10+s3] =	stream.linear.scatter [tilespmem:s31], [sflag:$0x2], $0xE000, $0x38;
	[tilespmem:$0xE080] =	vst v63  }
0x4b1: {  	_ =	swait.ge [sflag:s6], $0xE000  }
0x4b2: {  	[sflag:s6] =	ssyncset.done $0x0  }
0x4b3: {  	s10 =	rddreg [dreg:$0x17];
	[sflag:s6] =	ssyncadd.s32 $0xFFFF2000  }
0x4b4: {  	[tilespmem:s3], [sflag:$0x2] =	stream.linear.gather [hbm4b:s10+s3], $0x70, $0x38;
	[tilespmem:$0xE080] =	vst v63  }
0x4b5: {  	_ =	swait.ge [sflag:s6], $0x70  }
0x4b6: {  	[sflag:s6] =	ssyncset.done $0x0  }
0x4b7: {  	[sflag:s6] =	ssyncadd.s32 $0xFFFFFF90  }
0x4b8: {  	v3 =	vld [tilespmem:$0x0];
	_ =	sdelay $0x4  }
0x4b9: {  	v36 =	vshll.u32 v3, $0x2  }
0x4ba: {  	v3 =	vand.u32 $0x7, v3;
	v4 =	vand.u32 $0xFFFFFFE0, v36  }
0x4bb: {  	v3 =	vor.u32 v3, v4  }
0x4bc: {  	v4 =	vperm.xlane v3, v0;
	_ =	sdelay $0x1  }
0x4bd: {  	v4 =	vadd.s32 v1, v4;
	_ =	sdelay $0x1  }
0x4be: {  	v3 =	vperm.xlane v3, v2;
	_ =	sdelay $0x1  }
0x4bf: {  	v3 =	vadd.s32 v1, v3  }
0x4c0: {  	[tilespmem:s31], [sflag:$0x1] =	stream.indirect_vreg.gather [hbm4b:s2+s3], $0x80, v4, vm0, $0xb8;
	[tilespmem:$0xE080] =	vst v63  }
0x4c1: {  	s1 =	simm.s32 $0x880  }
0x4c2: {  	[tilespmem:s1], [sflag:$0x1] =	stream.indirect_vreg.gather [hbm4b:s4+s3], $0x80, v4, vm0, $0xb8;
	[tilespmem:$0xE080] =	vst v63  }
0x4c3: {  	s29 =	simm.s32 $0x1080  }
0x4c4: {  	[tilespmem:s29], [sflag:$0x1] =	stream.indirect_vreg.gather [hbm4b:s2+s3], $0x80, v3, vm0, $0xb8;
	[tilespmem:$0xE080] =	vst v63  }
0x4c5: {  	s10 =	simm.s32 $0x1880  }
0x4c6: {  	[tilespmem:s10], [sflag:$0x1] =	stream.indirect_vreg.gather [hbm4b:s4+s3], $0x80, v3, vm0, $0xb8;
	[tilespmem:$0xE080] =	vst v63  }
0x4c7: {  	v3 =	vld [tilespmem:$0x10];
	_ =	sdelay $0x4  }
0x4c8: {  	v37 =	vshll.u32 v3, $0x2  }
0x4c9: {  	v3 =	vand.u32 $0x7, v3;
	v4 =	vand.u32 $0xFFFFFFE0, v37  }
0x4ca: {  	v3 =	vor.u32 v3, v4  }
0x4cb: {  	v4 =	vperm.xlane v3, v0;
	_ =	sdelay $0x1  }
0x4cc: {  	v4 =	vadd.s32 v1, v4;
	_ =	sdelay $0x1  }
0x4cd: {  	v3 =	vperm.xlane v3, v2;
	_ =	sdelay $0x1  }
0x4ce: {  	s7 =	simm.s32 $0x2080;
	v3 =	vadd.s32 v1, v3  }
0x4cf: {  	[tilespmem:s7], [sflag:$0x1] =	stream.indirect_vreg.gather [hbm4b:s2+s3], $0x80, v4, vm0, $0xb8;
	[tilespmem:$0xE080] =	vst v63  }
0x4d0: {  	s8 =	simm.s32 $0x2880  }
0x4d1: {  	[tilespmem:s8], [sflag:$0x1] =	stream.indirect_vreg.gather [hbm4b:s4+s3], $0x80, v4, vm0, $0xb8;
	[tilespmem:$0xE080] =	vst v63  }
0x4d2: {  	s11 =	simm.s32 $0x3080  }
0x4d3: {  	[tilespmem:s11], [sflag:$0x1] =	stream.indirect_vreg.gather [hbm4b:s2+s3], $0x80, v3, vm0, $0xb8;
	[tilespmem:$0xE080] =	vst v63  }
0x4d4: {  	s30 =	simm.s32 $0x3880  }
0x4d5: {  	[tilespmem:s30], [sflag:$0x1] =	stream.indirect_vreg.gather [hbm4b:s4+s3], $0x80, v3, vm0, $0xb8;
	[tilespmem:$0xE080] =	vst v63  }
0x4d6: {  	v3 =	vld [tilespmem:$0x20];
	_ =	sdelay $0x4  }
0x4d7: {  	v38 =	vshll.u32 v3, $0x2  }
0x4d8: {  	v3 =	vand.u32 $0x7, v3;
	v4 =	vand.u32 $0xFFFFFFE0, v38  }
0x4d9: {  	v3 =	vor.u32 v3, v4  }
0x4da: {  	v4 =	vperm.xlane v3, v0;
	_ =	sdelay $0x1  }
0x4db: {  	v4 =	vadd.s32 v1, v4;
	_ =	sdelay $0x1  }
0x4dc: {  	v3 =	vperm.xlane v3, v2;
	_ =	sdelay $0x1  }
0x4dd: {  	s14 =	simm.s32 $0x4080;
	v3 =	vadd.s32 v1, v3  }
0x4de: {  	[tilespmem:s14], [sflag:$0x1] =	stream.indirect_vreg.gather [hbm4b:s2+s3], $0x80, v4, vm0, $0xb8;
	[tilespmem:$0xE080] =	vst v63  }
0x4df: {  	s15 =	simm.s32 $0x4880  }
0x4e0: {  	[tilespmem:s15], [sflag:$0x1] =	stream.indirect_vreg.gather [hbm4b:s4+s3], $0x80, v4, vm0, $0xb8;
	[tilespmem:$0xE080] =	vst v63  }
0x4e1: {  	s16 =	simm.s32 $0x5080  }
0x4e2: {  	[tilespmem:s16], [sflag:$0x1] =	stream.indirect_vreg.gather [hbm4b:s2+s3], $0x80, v3, vm0, $0xb8;
	[tilespmem:$0xE080] =	vst v63  }
0x4e3: {  	s17 =	simm.s32 $0x5880  }
0x4e4: {  	[tilespmem:s17], [sflag:$0x1] =	stream.indirect_vreg.gather [hbm4b:s4+s3], $0x80, v3, vm0, $0xb8;
	[tilespmem:$0xE080] =	vst v63  }
0x4e5: {  	v3 =	vld [tilespmem:$0x30];
	_ =	sdelay $0x4  }
0x4e6: {  	v39 =	vshll.u32 v3, $0x2  }
0x4e7: {  	v3 =	vand.u32 $0x7, v3;
	v4 =	vand.u32 $0xFFFFFFE0, v39  }
0x4e8: {  	v3 =	vor.u32 v3, v4  }
0x4e9: {  	v4 =	vperm.xlane v3, v0;
	_ =	sdelay $0x1  }
0x4ea: {  	v4 =	vadd.s32 v1, v4;
	_ =	sdelay $0x1  }
0x4eb: {  	v3 =	vperm.xlane v3, v2;
	_ =	sdelay $0x1  }
0x4ec: {  	s18 =	simm.s32 $0x6080;
	v3 =	vadd.s32 v1, v3  }
0x4ed: {  	[tilespmem:s18], [sflag:$0x1] =	stream.indirect_vreg.gather [hbm4b:s2+s3], $0x80, v4, vm0, $0xb8;
	[tilespmem:$0xE080] =	vst v63  }
0x4ee: {  	s19 =	simm.s32 $0x6880  }
0x4ef: {  	[tilespmem:s19], [sflag:$0x1] =	stream.indirect_vreg.gather [hbm4b:s4+s3], $0x80, v4, vm0, $0xb8;
	[tilespmem:$0xE080] =	vst v63  }
0x4f0: {  	s20 =	simm.s32 $0x7080  }
0x4f1: {  	[tilespmem:s20], [sflag:$0x1] =	stream.indirect_vreg.gather [hbm4b:s2+s3], $0x80, v3, vm0, $0xb8;
	[tilespmem:$0xE080] =	vst v63  }
0x4f2: {  	s21 =	simm.s32 $0x7880  }
0x4f3: {  	[tilespmem:s21], [sflag:$0x1] =	stream.indirect_vreg.gather [hbm4b:s4+s3], $0x80, v3, vm0, $0xb8;
	[tilespmem:$0xE080] =	vst v63  }
0x4f4: {  	v3 =	vld [tilespmem:$0x40];
	_ =	sdelay $0x4  }
0x4f5: {  	v40 =	vshll.u32 v3, $0x2  }
0x4f6: {  	v3 =	vand.u32 $0x7, v3;
	v4 =	vand.u32 $0xFFFFFFE0, v40  }
0x4f7: {  	v3 =	vor.u32 v3, v4  }
0x4f8: {  	v4 =	vperm.xlane v3, v0;
	_ =	sdelay $0x1  }
0x4f9: {  	v4 =	vadd.s32 v1, v4;
	_ =	sdelay $0x1  }
0x4fa: {  	v3 =	vperm.xlane v3, v2;
	_ =	sdelay $0x1  }
0x4fb: {  	s22 =	simm.s32 $0x8080;
	v3 =	vadd.s32 v1, v3  }
0x4fc: {  	[tilespmem:s22], [sflag:$0x1] =	stream.indirect_vreg.gather [hbm4b:s2+s3], $0x80, v4, vm0, $0xb8;
	[tilespmem:$0xE080] =	vst v63  }
0x4fd: {  	s23 =	simm.s32 $0x8880  }
0x4fe: {  	[tilespmem:s23], [sflag:$0x1] =	stream.indirect_vreg.gather [hbm4b:s4+s3], $0x80, v4, vm0, $0xb8;
	[tilespmem:$0xE080] =	vst v63  }
0x4ff: {  	s24 =	simm.s32 $0x9080  }
0x500: {  	[tilespmem:s24], [sflag:$0x1] =	stream.indirect_vreg.gather [hbm4b:s2+s3], $0x80, v3, vm0, $0xb8;
	[tilespmem:$0xE080] =	vst v63  }
0x501: {  	s25 =	simm.s32 $0x9880  }
0x502: {  	[tilespmem:s25], [sflag:$0x1] =	stream.indirect_vreg.gather [hbm4b:s4+s3], $0x80, v3, vm0, $0xb8;
	[tilespmem:$0xE080] =	vst v63  }
0x503: {  	v3 =	vld [tilespmem:$0x50];
	_ =	sdelay $0x4  }
0x504: {  	v41 =	vshll.u32 v3, $0x2  }
0x505: {  	v3 =	vand.u32 $0x7, v3;
	v4 =	vand.u32 $0xFFFFFFE0, v41  }
0x506: {  	v3 =	vor.u32 v3, v4  }
0x507: {  	v4 =	vperm.xlane v3, v0;
	_ =	sdelay $0x1  }
0x508: {  	v4 =	vadd.s32 v1, v4;
	_ =	sdelay $0x1  }
0x509: {  	v3 =	vperm.xlane v3, v2;
	_ =	sdelay $0x1  }
0x50a: {  	s26 =	simm.s32 $0xA080;
	v3 =	vadd.s32 v1, v3  }
0x50b: {  	[tilespmem:s26], [sflag:$0x1] =	stream.indirect_vreg.gather [hbm4b:s2+s3], $0x80, v4, vm0, $0xb8;
	[tilespmem:$0xE080] =	vst v63  }
0x50c: {  	s0 =	simm.s32 $0xA880  }
0x50d: {  	[tilespmem:s0], [sflag:$0x1] =	stream.indirect_vreg.gather [hbm4b:s4+s3], $0x80, v4, vm0, $0xb8;
	[tilespmem:$0xE080] =	vst v63  }
0x50e: {  	s10 =	simm.s32 $0xB080  }
0x50f: {  	[tilespmem:s10], [sflag:$0x1] =	stream.indirect_vreg.gather [hbm4b:s2+s3], $0x80, v3, vm0, $0xb8;
	[tilespmem:$0xE080] =	vst v63  }
0x510: {  	s5 =	simm.s32 $0xB880  }
0x511: {  	[tilespmem:s5], [sflag:$0x1] =	stream.indirect_vreg.gather [hbm4b:s4+s3], $0x80, v3, vm0, $0xb8;
	[tilespmem:$0xE080] =	vst v63  }
0x512: {  	v3 =	vld [tilespmem:$0x60];
	_ =	sdelay $0x4  }
0x513: {  	v42 =	vshll.u32 v3, $0x2  }
0x514: {  	v3 =	vand.u32 $0x7, v3;
	v4 =	vand.u32 $0xFFFFFFE0, v42  }
0x515: {  	v3 =	vor.u32 v3, v4  }
0x516: {  	v4 =	vperm.xlane v3, v0;
	_ =	sdelay $0x1  }
0x517: {  	v4 =	vadd.s32 v1, v4;
	_ =	sdelay $0x1  }
0x518: {  	v3 =	vperm.xlane v3, v2;
	_ =	sdelay $0x1  }
0x519: {  	s10 =	simm.s32 $0xC080;
	v3 =	vadd.s32 v1, v3  }
0x51a: {  	[tilespmem:s10], [sflag:$0x1] =	stream.indirect_vreg.gather [hbm4b:s2+s3], $0x80, v4, vm0, $0xb8;
	[tilespmem:$0xE080] =	vst v63  }
0x51b: {  	s12 =	simm.s32 $0xC880  }
0x51c: {  	[tilespmem:s12], [sflag:$0x1] =	stream.indirect_vreg.gather [hbm4b:s4+s3], $0x80, v4, vm0, $0xb8;
	[tilespmem:$0xE080] =	vst v63  }
0x51d: {  	s13 =	simm.s32 $0xD080  }
0x51e: {  	[tilespmem:s13], [sflag:$0x1] =	stream.indirect_vreg.gather [hbm4b:s2+s3], $0x80, v3, vm0, $0xb8;
	[tilespmem:$0xE080] =	vst v63  }
0x51f: {  	s28 =	simm.s32 $0xD880  }
0x520: {  	[tilespmem:s28], [sflag:$0x1] =	stream.indirect_vreg.gather [hbm4b:s4+s3], $0x80, v3, vm0, $0xb8;
	[tilespmem:$0xE080] =	vst v63  }
0x521: {  	_ =	swait.ge [sflag:s9], $0xE000  }
0x522: {  	[sflag:s9] =	ssyncset.done $0x0  }
0x523: {  	s10 =	rddreg [dreg:$0x18];
	[sflag:s9] =	ssyncadd.s32 $0xFFFF2000  }
0x524: {  	[hbm4b:s10+s3] =	stream.linear.scatter [tilespmem:s31], [sflag:$0x2], $0xE000, $0x38;
	[tilespmem:$0xE080] =	vst v63  }
0x525: {  	_ =	swait.ge [sflag:s6], $0xE000  }
0x526: {  	[sflag:s6] =	ssyncset.done $0x0  }
0x527: {  	s10 =	rddreg [dreg:$0x19];
	[sflag:s6] =	ssyncadd.s32 $0xFFFF2000  }
0x528: {  	[tilespmem:s3], [sflag:$0x2] =	stream.linear.gather [hbm4b:s10+s3], $0x70, $0x38;
	[tilespmem:$0xE080] =	vst v63  }
0x529: {  	_ =	swait.ge [sflag:s6], $0x70  }
0x52a: {  	[sflag:s6] =	ssyncset.done $0x0  }
0x52b: {  	[sflag:s6] =	ssyncadd.s32 $0xFFFFFF90  }
0x52c: {  	v3 =	vld [tilespmem:$0x0];
	_ =	sdelay $0x4  }
0x52d: {  	v43 =	vshll.u32 v3, $0x2  }
0x52e: {  	v3 =	vand.u32 $0x7, v3;
	v4 =	vand.u32 $0xFFFFFFE0, v43  }
0x52f: {  	v3 =	vor.u32 v3, v4  }
0x530: {  	v4 =	vperm.xlane v3, v0;
	_ =	sdelay $0x1  }
0x531: {  	v4 =	vadd.s32 v1, v4;
	_ =	sdelay $0x1  }
0x532: {  	v3 =	vperm.xlane v3, v2;
	_ =	sdelay $0x1  }
0x533: {  	v3 =	vadd.s32 v1, v3  }
0x534: {  	[tilespmem:s31], [sflag:$0x1] =	stream.indirect_vreg.gather [hbm4b:s2+s3], $0x80, v4, vm0, $0xb8;
	[tilespmem:$0xE080] =	vst v63  }
0x535: {  	s1 =	simm.s32 $0x880  }
0x536: {  	[tilespmem:s1], [sflag:$0x1] =	stream.indirect_vreg.gather [hbm4b:s4+s3], $0x80, v4, vm0, $0xb8;
	[tilespmem:$0xE080] =	vst v63  }
0x537: {  	s29 =	simm.s32 $0x1080  }
0x538: {  	[tilespmem:s29], [sflag:$0x1] =	stream.indirect_vreg.gather [hbm4b:s2+s3], $0x80, v3, vm0, $0xb8;
	[tilespmem:$0xE080] =	vst v63  }
0x539: {  	s10 =	simm.s32 $0x1880  }
0x53a: {  	[tilespmem:s10], [sflag:$0x1] =	stream.indirect_vreg.gather [hbm4b:s4+s3], $0x80, v3, vm0, $0xb8;
	[tilespmem:$0xE080] =	vst v63  }
0x53b: {  	v3 =	vld [tilespmem:$0x10];
	_ =	sdelay $0x4  }
0x53c: {  	v44 =	vshll.u32 v3, $0x2  }
0x53d: {  	v3 =	vand.u32 $0x7, v3;
	v4 =	vand.u32 $0xFFFFFFE0, v44  }
0x53e: {  	v3 =	vor.u32 v3, v4  }
0x53f: {  	v4 =	vperm.xlane v3, v0;
	_ =	sdelay $0x1  }
0x540: {  	v4 =	vadd.s32 v1, v4;
	_ =	sdelay $0x1  }
0x541: {  	v3 =	vperm.xlane v3, v2;
	_ =	sdelay $0x1  }
0x542: {  	s7 =	simm.s32 $0x2080;
	v3 =	vadd.s32 v1, v3  }
0x543: {  	[tilespmem:s7], [sflag:$0x1] =	stream.indirect_vreg.gather [hbm4b:s2+s3], $0x80, v4, vm0, $0xb8;
	[tilespmem:$0xE080] =	vst v63  }
0x544: {  	s8 =	simm.s32 $0x2880  }
0x545: {  	[tilespmem:s8], [sflag:$0x1] =	stream.indirect_vreg.gather [hbm4b:s4+s3], $0x80, v4, vm0, $0xb8;
	[tilespmem:$0xE080] =	vst v63  }
0x546: {  	s11 =	simm.s32 $0x3080  }
0x547: {  	[tilespmem:s11], [sflag:$0x1] =	stream.indirect_vreg.gather [hbm4b:s2+s3], $0x80, v3, vm0, $0xb8;
	[tilespmem:$0xE080] =	vst v63  }
0x548: {  	s30 =	simm.s32 $0x3880  }
0x549: {  	[tilespmem:s30], [sflag:$0x1] =	stream.indirect_vreg.gather [hbm4b:s4+s3], $0x80, v3, vm0, $0xb8;
	[tilespmem:$0xE080] =	vst v63  }
0x54a: {  	v3 =	vld [tilespmem:$0x20];
	_ =	sdelay $0x4  }
0x54b: {  	v45 =	vshll.u32 v3, $0x2  }
0x54c: {  	v3 =	vand.u32 $0x7, v3;
	v4 =	vand.u32 $0xFFFFFFE0, v45  }
0x54d: {  	v3 =	vor.u32 v3, v4  }
0x54e: {  	v4 =	vperm.xlane v3, v0;
	_ =	sdelay $0x1  }
0x54f: {  	v4 =	vadd.s32 v1, v4;
	_ =	sdelay $0x1  }
0x550: {  	v3 =	vperm.xlane v3, v2;
	_ =	sdelay $0x1  }
0x551: {  	s14 =	simm.s32 $0x4080;
	v3 =	vadd.s32 v1, v3  }
0x552: {  	[tilespmem:s14], [sflag:$0x1] =	stream.indirect_vreg.gather [hbm4b:s2+s3], $0x80, v4, vm0, $0xb8;
	[tilespmem:$0xE080] =	vst v63  }
0x553: {  	s15 =	simm.s32 $0x4880  }
0x554: {  	[tilespmem:s15], [sflag:$0x1] =	stream.indirect_vreg.gather [hbm4b:s4+s3], $0x80, v4, vm0, $0xb8;
	[tilespmem:$0xE080] =	vst v63  }
0x555: {  	s16 =	simm.s32 $0x5080  }
0x556: {  	[tilespmem:s16], [sflag:$0x1] =	stream.indirect_vreg.gather [hbm4b:s2+s3], $0x80, v3, vm0, $0xb8;
	[tilespmem:$0xE080] =	vst v63  }
0x557: {  	s17 =	simm.s32 $0x5880  }
0x558: {  	[tilespmem:s17], [sflag:$0x1] =	stream.indirect_vreg.gather [hbm4b:s4+s3], $0x80, v3, vm0, $0xb8;
	[tilespmem:$0xE080] =	vst v63  }
0x559: {  	v3 =	vld [tilespmem:$0x30];
	_ =	sdelay $0x4  }
0x55a: {  	v46 =	vshll.u32 v3, $0x2  }
0x55b: {  	v3 =	vand.u32 $0x7, v3;
	v4 =	vand.u32 $0xFFFFFFE0, v46  }
0x55c: {  	v3 =	vor.u32 v3, v4  }
0x55d: {  	v4 =	vperm.xlane v3, v0;
	_ =	sdelay $0x1  }
0x55e: {  	v4 =	vadd.s32 v1, v4;
	_ =	sdelay $0x1  }
0x55f: {  	v3 =	vperm.xlane v3, v2;
	_ =	sdelay $0x1  }
0x560: {  	s18 =	simm.s32 $0x6080;
	v3 =	vadd.s32 v1, v3  }
0x561: {  	[tilespmem:s18], [sflag:$0x1] =	stream.indirect_vreg.gather [hbm4b:s2+s3], $0x80, v4, vm0, $0xb8;
	[tilespmem:$0xE080] =	vst v63  }
0x562: {  	s19 =	simm.s32 $0x6880  }
0x563: {  	[tilespmem:s19], [sflag:$0x1] =	stream.indirect_vreg.gather [hbm4b:s4+s3], $0x80, v4, vm0, $0xb8;
	[tilespmem:$0xE080] =	vst v63  }
0x564: {  	s20 =	simm.s32 $0x7080  }
0x565: {  	[tilespmem:s20], [sflag:$0x1] =	stream.indirect_vreg.gather [hbm4b:s2+s3], $0x80, v3, vm0, $0xb8;
	[tilespmem:$0xE080] =	vst v63  }
0x566: {  	s21 =	simm.s32 $0x7880  }
0x567: {  	[tilespmem:s21], [sflag:$0x1] =	stream.indirect_vreg.gather [hbm4b:s4+s3], $0x80, v3, vm0, $0xb8;
	[tilespmem:$0xE080] =	vst v63  }
0x568: {  	v3 =	vld [tilespmem:$0x40];
	_ =	sdelay $0x4  }
0x569: {  	v47 =	vshll.u32 v3, $0x2  }
0x56a: {  	v3 =	vand.u32 $0x7, v3;
	v4 =	vand.u32 $0xFFFFFFE0, v47  }
0x56b: {  	v3 =	vor.u32 v3, v4  }
0x56c: {  	v4 =	vperm.xlane v3, v0;
	_ =	sdelay $0x1  }
0x56d: {  	v4 =	vadd.s32 v1, v4;
	_ =	sdelay $0x1  }
0x56e: {  	v3 =	vperm.xlane v3, v2;
	_ =	sdelay $0x1  }
0x56f: {  	s22 =	simm.s32 $0x8080;
	v3 =	vadd.s32 v1, v3  }
0x570: {  	[tilespmem:s22], [sflag:$0x1] =	stream.indirect_vreg.gather [hbm4b:s2+s3], $0x80, v4, vm0, $0xb8;
	[tilespmem:$0xE080] =	vst v63  }
0x571: {  	s23 =	simm.s32 $0x8880  }
0x572: {  	[tilespmem:s23], [sflag:$0x1] =	stream.indirect_vreg.gather [hbm4b:s4+s3], $0x80, v4, vm0, $0xb8;
	[tilespmem:$0xE080] =	vst v63  }
0x573: {  	s24 =	simm.s32 $0x9080  }
0x574: {  	[tilespmem:s24], [sflag:$0x1] =	stream.indirect_vreg.gather [hbm4b:s2+s3], $0x80, v3, vm0, $0xb8;
	[tilespmem:$0xE080] =	vst v63  }
0x575: {  	s25 =	simm.s32 $0x9880  }
0x576: {  	[tilespmem:s25], [sflag:$0x1] =	stream.indirect_vreg.gather [hbm4b:s4+s3], $0x80, v3, vm0, $0xb8;
	[tilespmem:$0xE080] =	vst v63  }
0x577: {  	v3 =	vld [tilespmem:$0x50];
	_ =	sdelay $0x4  }
0x578: {  	v48 =	vshll.u32 v3, $0x2  }
0x579: {  	v3 =	vand.u32 $0x7, v3;
	v4 =	vand.u32 $0xFFFFFFE0, v48  }
0x57a: {  	v3 =	vor.u32 v3, v4  }
0x57b: {  	v4 =	vperm.xlane v3, v0;
	_ =	sdelay $0x1  }
0x57c: {  	v4 =	vadd.s32 v1, v4;
	_ =	sdelay $0x1  }
0x57d: {  	v3 =	vperm.xlane v3, v2;
	_ =	sdelay $0x1  }
0x57e: {  	s26 =	simm.s32 $0xA080;
	v3 =	vadd.s32 v1, v3  }
0x57f: {  	[tilespmem:s26], [sflag:$0x1] =	stream.indirect_vreg.gather [hbm4b:s2+s3], $0x80, v4, vm0, $0xb8;
	[tilespmem:$0xE080] =	vst v63  }
0x580: {  	s0 =	simm.s32 $0xA880  }
0x581: {  	[tilespmem:s0], [sflag:$0x1] =	stream.indirect_vreg.gather [hbm4b:s4+s3], $0x80, v4, vm0, $0xb8;
	[tilespmem:$0xE080] =	vst v63  }
0x582: {  	s10 =	simm.s32 $0xB080  }
0x583: {  	[tilespmem:s10], [sflag:$0x1] =	stream.indirect_vreg.gather [hbm4b:s2+s3], $0x80, v3, vm0, $0xb8;
	[tilespmem:$0xE080] =	vst v63  }
0x584: {  	s5 =	simm.s32 $0xB880  }
0x585: {  	[tilespmem:s5], [sflag:$0x1] =	stream.indirect_vreg.gather [hbm4b:s4+s3], $0x80, v3, vm0, $0xb8;
	[tilespmem:$0xE080] =	vst v63  }
0x586: {  	v3 =	vld [tilespmem:$0x60];
	_ =	sdelay $0x4  }
0x587: {  	v49 =	vshll.u32 v3, $0x2  }
0x588: {  	v3 =	vand.u32 $0x7, v3;
	v4 =	vand.u32 $0xFFFFFFE0, v49  }
0x589: {  	v3 =	vor.u32 v3, v4  }
0x58a: {  	v4 =	vperm.xlane v3, v0;
	_ =	sdelay $0x1  }
0x58b: {  	v4 =	vadd.s32 v1, v4;
	_ =	sdelay $0x1  }
0x58c: {  	v3 =	vperm.xlane v3, v2;
	_ =	sdelay $0x1  }
0x58d: {  	s10 =	simm.s32 $0xC080;
	v3 =	vadd.s32 v1, v3  }
0x58e: {  	[tilespmem:s10], [sflag:$0x1] =	stream.indirect_vreg.gather [hbm4b:s2+s3], $0x80, v4, vm0, $0xb8;
	[tilespmem:$0xE080] =	vst v63  }
0x58f: {  	s12 =	simm.s32 $0xC880  }
0x590: {  	[tilespmem:s12], [sflag:$0x1] =	stream.indirect_vreg.gather [hbm4b:s4+s3], $0x80, v4, vm0, $0xb8;
	[tilespmem:$0xE080] =	vst v63  }
0x591: {  	s13 =	simm.s32 $0xD080  }
0x592: {  	[tilespmem:s13], [sflag:$0x1] =	stream.indirect_vreg.gather [hbm4b:s2+s3], $0x80, v3, vm0, $0xb8;
	[tilespmem:$0xE080] =	vst v63  }
0x593: {  	s28 =	simm.s32 $0xD880  }
0x594: {  	[tilespmem:s28], [sflag:$0x1] =	stream.indirect_vreg.gather [hbm4b:s4+s3], $0x80, v3, vm0, $0xb8;
	[tilespmem:$0xE080] =	vst v63  }
0x595: {  	_ =	swait.ge [sflag:s9], $0xE000  }
0x596: {  	[sflag:s9] =	ssyncset.done $0x0  }
0x597: {  	s28 =	rddreg [dreg:$0x1a];
	[sflag:s9] =	ssyncadd.s32 $0xFFFF2000  }
0x598: {  	[hbm4b:s28+s3] =	stream.linear.scatter [tilespmem:s31], [sflag:$0x2], $0xE000, $0x38;
	[tilespmem:$0xE080] =	vst v63  }
0x599: {  	_ =	swait.ge [sflag:s6], $0xE000  }
0x59a: {  	[sflag:s6] =	ssyncset.done $0x0  }
0x59b: {  	s7 =	rddreg [dreg:$0x1b];
	[sflag:s6] =	ssyncadd.s32 $0xFFFF2000  }
0x59c: {  	[tilespmem:s3], [sflag:$0x2] =	stream.linear.gather [hbm4b:s7+s3], $0x70, $0x38;
	[tilespmem:$0xE080] =	vst v63  }
0x59d: {  	_ =	swait.ge [sflag:s6], $0x70  }
0x59e: {  	[sflag:s6] =	ssyncset.done $0x0  }
0x59f: {  	[sflag:s6] =	ssyncadd.s32 $0xFFFFFF90  }
0x5a0: {  	v3 =	vld [tilespmem:$0x0];
	_ =	sdelay $0x4  }
0x5a1: {  	v50 =	vshll.u32 v3, $0x2  }
0x5a2: {  	v3 =	vand.u32 $0x7, v3;
	v4 =	vand.u32 $0xFFFFFFE0, v50  }
0x5a3: {  	v3 =	vor.u32 v3, v4  }
0x5a4: {  	v4 =	vperm.xlane v3, v0;
	_ =	sdelay $0x1  }
0x5a5: {  	v4 =	vadd.s32 v1, v4;
	_ =	sdelay $0x1  }
0x5a6: {  	v3 =	vperm.xlane v3, v2;
	_ =	sdelay $0x1  }
0x5a7: {  	v3 =	vadd.s32 v1, v3  }
0x5a8: {  	[tilespmem:s31], [sflag:$0x1] =	stream.indirect_vreg.gather [hbm4b:s2+s3], $0x80, v4, vm0, $0xb8;
	[tilespmem:$0xE080] =	vst v63  }
0x5a9: {  	s1 =	simm.s32 $0x880  }
0x5aa: {  	[tilespmem:s1], [sflag:$0x1] =	stream.indirect_vreg.gather [hbm4b:s4+s3], $0x80, v4, vm0, $0xb8;
	[tilespmem:$0xE080] =	vst v63  }
0x5ab: {  	s29 =	simm.s32 $0x1080  }
0x5ac: {  	[tilespmem:s29], [sflag:$0x1] =	stream.indirect_vreg.gather [hbm4b:s2+s3], $0x80, v3, vm0, $0xb8;
	[tilespmem:$0xE080] =	vst v63  }
0x5ad: {  	s12 =	simm.s32 $0x1880  }
0x5ae: {  	[tilespmem:s12], [sflag:$0x1] =	stream.indirect_vreg.gather [hbm4b:s4+s3], $0x80, v3, vm0, $0xb8;
	[tilespmem:$0xE080] =	vst v63  }
0x5af: {  	v3 =	vld [tilespmem:$0x10];
	_ =	sdelay $0x4  }
0x5b0: {  	v51 =	vshll.u32 v3, $0x2  }
0x5b1: {  	v3 =	vand.u32 $0x7, v3;
	v4 =	vand.u32 $0xFFFFFFE0, v51  }
0x5b2: {  	v3 =	vor.u32 v3, v4  }
0x5b3: {  	v4 =	vperm.xlane v3, v0;
	_ =	sdelay $0x1  }
0x5b4: {  	v4 =	vadd.s32 v1, v4;
	_ =	sdelay $0x1  }
0x5b5: {  	v3 =	vperm.xlane v3, v2;
	_ =	sdelay $0x1  }
0x5b6: {  	s29 =	simm.s32 $0x2080;
	v3 =	vadd.s32 v1, v3  }
0x5b7: {  	[tilespmem:s29], [sflag:$0x1] =	stream.indirect_vreg.gather [hbm4b:s2+s3], $0x80, v4, vm0, $0xb8;
	[tilespmem:$0xE080] =	vst v63  }
0x5b8: {  	s8 =	simm.s32 $0x2880  }
0x5b9: {  	[tilespmem:s8], [sflag:$0x1] =	stream.indirect_vreg.gather [hbm4b:s4+s3], $0x80, v4, vm0, $0xb8;
	[tilespmem:$0xE080] =	vst v63  }
0x5ba: {  	s11 =	simm.s32 $0x3080  }
0x5bb: {  	[tilespmem:s11], [sflag:$0x1] =	stream.indirect_vreg.gather [hbm4b:s2+s3], $0x80, v3, vm0, $0xb8;
	[tilespmem:$0xE080] =	vst v63  }
0x5bc: {  	s30 =	simm.s32 $0x3880  }
0x5bd: {  	[tilespmem:s30], [sflag:$0x1] =	stream.indirect_vreg.gather [hbm4b:s4+s3], $0x80, v3, vm0, $0xb8;
	[tilespmem:$0xE080] =	vst v63  }
0x5be: {  	v3 =	vld [tilespmem:$0x20];
	_ =	sdelay $0x4  }
0x5bf: {  	v52 =	vshll.u32 v3, $0x2  }
0x5c0: {  	v3 =	vand.u32 $0x7, v3;
	v4 =	vand.u32 $0xFFFFFFE0, v52  }
0x5c1: {  	v3 =	vor.u32 v3, v4  }
0x5c2: {  	v4 =	vperm.xlane v3, v0;
	_ =	sdelay $0x1  }
0x5c3: {  	v4 =	vadd.s32 v1, v4;
	_ =	sdelay $0x1  }
0x5c4: {  	v3 =	vperm.xlane v3, v2;
	_ =	sdelay $0x1  }
0x5c5: {  	s14 =	simm.s32 $0x4080;
	v3 =	vadd.s32 v1, v3  }
0x5c6: {  	[tilespmem:s14], [sflag:$0x1] =	stream.indirect_vreg.gather [hbm4b:s2+s3], $0x80, v4, vm0, $0xb8;
	[tilespmem:$0xE080] =	vst v63  }
0x5c7: {  	s15 =	simm.s32 $0x4880  }
0x5c8: {  	[tilespmem:s15], [sflag:$0x1] =	stream.indirect_vreg.gather [hbm4b:s4+s3], $0x80, v4, vm0, $0xb8;
	[tilespmem:$0xE080] =	vst v63  }
0x5c9: {  	s16 =	simm.s32 $0x5080  }
0x5ca: {  	[tilespmem:s16], [sflag:$0x1] =	stream.indirect_vreg.gather [hbm4b:s2+s3], $0x80, v3, vm0, $0xb8;
	[tilespmem:$0xE080] =	vst v63  }
0x5cb: {  	s17 =	simm.s32 $0x5880  }
0x5cc: {  	[tilespmem:s17], [sflag:$0x1] =	stream.indirect_vreg.gather [hbm4b:s4+s3], $0x80, v3, vm0, $0xb8;
	[tilespmem:$0xE080] =	vst v63  }
0x5cd: {  	v3 =	vld [tilespmem:$0x30];
	_ =	sdelay $0x4  }
0x5ce: {  	v53 =	vshll.u32 v3, $0x2  }
0x5cf: {  	v3 =	vand.u32 $0x7, v3;
	v4 =	vand.u32 $0xFFFFFFE0, v53  }
0x5d0: {  	v3 =	vor.u32 v3, v4  }
0x5d1: {  	v4 =	vperm.xlane v3, v0;
	_ =	sdelay $0x1  }
0x5d2: {  	v4 =	vadd.s32 v1, v4;
	_ =	sdelay $0x1  }
0x5d3: {  	v3 =	vperm.xlane v3, v2;
	_ =	sdelay $0x1  }
0x5d4: {  	s18 =	simm.s32 $0x6080;
	v3 =	vadd.s32 v1, v3  }
0x5d5: {  	[tilespmem:s18], [sflag:$0x1] =	stream.indirect_vreg.gather [hbm4b:s2+s3], $0x80, v4, vm0, $0xb8;
	[tilespmem:$0xE080] =	vst v63  }
0x5d6: {  	s19 =	simm.s32 $0x6880  }
0x5d7: {  	[tilespmem:s19], [sflag:$0x1] =	stream.indirect_vreg.gather [hbm4b:s4+s3], $0x80, v4, vm0, $0xb8;
	[tilespmem:$0xE080] =	vst v63  }
0x5d8: {  	s20 =	simm.s32 $0x7080  }
0x5d9: {  	[tilespmem:s20], [sflag:$0x1] =	stream.indirect_vreg.gather [hbm4b:s2+s3], $0x80, v3, vm0, $0xb8;
	[tilespmem:$0xE080] =	vst v63  }
0x5da: {  	s21 =	simm.s32 $0x7880  }
0x5db: {  	[tilespmem:s21], [sflag:$0x1] =	stream.indirect_vreg.gather [hbm4b:s4+s3], $0x80, v3, vm0, $0xb8;
	[tilespmem:$0xE080] =	vst v63  }
0x5dc: {  	v3 =	vld [tilespmem:$0x40];
	_ =	sdelay $0x4  }
0x5dd: {  	v54 =	vshll.u32 v3, $0x2  }
0x5de: {  	v3 =	vand.u32 $0x7, v3;
	v4 =	vand.u32 $0xFFFFFFE0, v54  }
0x5df: {  	v3 =	vor.u32 v3, v4  }
0x5e0: {  	v4 =	vperm.xlane v3, v0;
	_ =	sdelay $0x1  }
0x5e1: {  	v4 =	vadd.s32 v1, v4;
	_ =	sdelay $0x1  }
0x5e2: {  	v3 =	vperm.xlane v3, v2;
	_ =	sdelay $0x1  }
0x5e3: {  	s22 =	simm.s32 $0x8080;
	v3 =	vadd.s32 v1, v3  }
0x5e4: {  	[tilespmem:s22], [sflag:$0x1] =	stream.indirect_vreg.gather [hbm4b:s2+s3], $0x80, v4, vm0, $0xb8;
	[tilespmem:$0xE080] =	vst v63  }
0x5e5: {  	s23 =	simm.s32 $0x8880  }
0x5e6: {  	[tilespmem:s23], [sflag:$0x1] =	stream.indirect_vreg.gather [hbm4b:s4+s3], $0x80, v4, vm0, $0xb8;
	[tilespmem:$0xE080] =	vst v63  }
0x5e7: {  	s24 =	simm.s32 $0x9080  }
0x5e8: {  	[tilespmem:s24], [sflag:$0x1] =	stream.indirect_vreg.gather [hbm4b:s2+s3], $0x80, v3, vm0, $0xb8;
	[tilespmem:$0xE080] =	vst v63  }
0x5e9: {  	s25 =	simm.s32 $0x9880  }
0x5ea: {  	[tilespmem:s25], [sflag:$0x1] =	stream.indirect_vreg.gather [hbm4b:s4+s3], $0x80, v3, vm0, $0xb8;
	[tilespmem:$0xE080] =	vst v63  }
0x5eb: {  	v3 =	vld [tilespmem:$0x50];
	_ =	sdelay $0x4  }
0x5ec: {  	v55 =	vshll.u32 v3, $0x2  }
0x5ed: {  	v3 =	vand.u32 $0x7, v3;
	v4 =	vand.u32 $0xFFFFFFE0, v55  }
0x5ee: {  	v3 =	vor.u32 v3, v4  }
0x5ef: {  	v4 =	vperm.xlane v3, v0;
	_ =	sdelay $0x1  }
0x5f0: {  	v4 =	vadd.s32 v1, v4;
	_ =	sdelay $0x1  }
0x5f1: {  	v3 =	vperm.xlane v3, v2;
	_ =	sdelay $0x1  }
0x5f2: {  	s26 =	simm.s32 $0xA080;
	v3 =	vadd.s32 v1, v3  }
0x5f3: {  	[tilespmem:s26], [sflag:$0x1] =	stream.indirect_vreg.gather [hbm4b:s2+s3], $0x80, v4, vm0, $0xb8;
	[tilespmem:$0xE080] =	vst v63  }
0x5f4: {  	s0 =	simm.s32 $0xA880  }
0x5f5: {  	[tilespmem:s0], [sflag:$0x1] =	stream.indirect_vreg.gather [hbm4b:s4+s3], $0x80, v4, vm0, $0xb8;
	[tilespmem:$0xE080] =	vst v63  }
0x5f6: {  	s10 =	simm.s32 $0xB080  }
0x5f7: {  	[tilespmem:s10], [sflag:$0x1] =	stream.indirect_vreg.gather [hbm4b:s2+s3], $0x80, v3, vm0, $0xb8;
	[tilespmem:$0xE080] =	vst v63  }
0x5f8: {  	s5 =	simm.s32 $0xB880  }
0x5f9: {  	[tilespmem:s5], [sflag:$0x1] =	stream.indirect_vreg.gather [hbm4b:s4+s3], $0x80, v3, vm0, $0xb8;
	[tilespmem:$0xE080] =	vst v63  }
0x5fa: {  	v3 =	vld [tilespmem:$0x60];
	_ =	sdelay $0x4  }
0x5fb: {  	v56 =	vshll.u32 v3, $0x2  }
0x5fc: {  	v3 =	vand.u32 $0x7, v3;
	v4 =	vand.u32 $0xFFFFFFE0, v56  }
0x5fd: {  	v3 =	vor.u32 v3, v4  }
0x5fe: {  	v4 =	vperm.xlane v3, v0;
	_ =	sdelay $0x1  }
0x5ff: {  	v4 =	vadd.s32 v1, v4;
	_ =	sdelay $0x1  }
0x600: {  	v3 =	vperm.xlane v3, v2;
	_ =	sdelay $0x1  }
0x601: {  	s26 =	simm.s32 $0xC080;
	v3 =	vadd.s32 v1, v3  }
0x602: {  	[tilespmem:s26], [sflag:$0x1] =	stream.indirect_vreg.gather [hbm4b:s2+s3], $0x80, v4, vm0, $0xb8;
	[tilespmem:$0xE080] =	vst v63  }
0x603: {  	s10 =	simm.s32 $0xC880  }
0x604: {  	[tilespmem:s10], [sflag:$0x1] =	stream.indirect_vreg.gather [hbm4b:s4+s3], $0x80, v4, vm0, $0xb8;
	[tilespmem:$0xE080] =	vst v63  }
0x605: {  	s13 =	simm.s32 $0xD080  }
0x606: {  	[tilespmem:s13], [sflag:$0x1] =	stream.indirect_vreg.gather [hbm4b:s2+s3], $0x80, v3, vm0, $0xb8;
	[tilespmem:$0xE080] =	vst v63  }
0x607: {  	s13 =	simm.s32 $0xD880  }
0x608: {  	[tilespmem:s13], [sflag:$0x1] =	stream.indirect_vreg.gather [hbm4b:s4+s3], $0x80, v3, vm0, $0xb8;
	[tilespmem:$0xE080] =	vst v63  }
0x609: {  	_ =	swait.ge [sflag:s9], $0xE000  }
0x60a: {  	[sflag:s9] =	ssyncset.done $0x0  }
0x60b: {  	s10 =	rddreg [dreg:$0x1c];
	[sflag:s9] =	ssyncadd.s32 $0xFFFF2000  }
0x60c: {  	[hbm4b:s10+s3] =	stream.linear.scatter [tilespmem:s31], [sflag:$0x2], $0xE000, $0x38;
	[tilespmem:$0xE080] =	vst v63  }
0x60d: {  	_ =	swait.ge [sflag:s6], $0xE000  }
0x60e: {  	[sflag:s6] =	ssyncset.done $0x0  }
0x60f: {  	s10 =	rddreg [dreg:$0x1d];
	[sflag:s6] =	ssyncadd.s32 $0xFFFF2000  }
0x610: {  	[tilespmem:s3], [sflag:$0x2] =	stream.linear.gather [hbm4b:s10+s3], $0x70, $0x38;
	[tilespmem:$0xE080] =	vst v63  }
0x611: {  	_ =	swait.ge [sflag:s6], $0x70  }
0x612: {  	[sflag:s6] =	ssyncset.done $0x0  }
0x613: {  	[sflag:s6] =	ssyncadd.s32 $0xFFFFFF90  }
0x614: {  	v3 =	vld [tilespmem:$0x0];
	_ =	sdelay $0x4  }
0x615: {  	v57 =	vshll.u32 v3, $0x2  }
0x616: {  	v3 =	vand.u32 $0x7, v3;
	v4 =	vand.u32 $0xFFFFFFE0, v57  }
0x617: {  	v3 =	vor.u32 v3, v4  }
0x618: {  	v4 =	vperm.xlane v3, v0;
	_ =	sdelay $0x1  }
0x619: {  	v4 =	vadd.s32 v1, v4;
	_ =	sdelay $0x1  }
0x61a: {  	v3 =	vperm.xlane v3, v2;
	_ =	sdelay $0x1  }
0x61b: {  	v3 =	vadd.s32 v1, v3  }
0x61c: {  	[tilespmem:s31], [sflag:$0x1] =	stream.indirect_vreg.gather [hbm4b:s2+s3], $0x80, v4, vm0, $0xb8;
	[tilespmem:$0xE080] =	vst v63  }
0x61d: {  	s28 =	simm.s32 $0x880  }
0x61e: {  	[tilespmem:s28], [sflag:$0x1] =	stream.indirect_vreg.gather [hbm4b:s4+s3], $0x80, v4, vm0, $0xb8;
	[tilespmem:$0xE080] =	vst v63  }
0x61f: {  	s7 =	simm.s32 $0x1080  }
0x620: {  	[tilespmem:s7], [sflag:$0x1] =	stream.indirect_vreg.gather [hbm4b:s2+s3], $0x80, v3, vm0, $0xb8;
	[tilespmem:$0xE080] =	vst v63  }
0x621: {  	s10 =	simm.s32 $0x1880  }
0x622: {  	[tilespmem:s10], [sflag:$0x1] =	stream.indirect_vreg.gather [hbm4b:s4+s3], $0x80, v3, vm0, $0xb8;
	[tilespmem:$0xE080] =	vst v63  }
0x623: {  	v3 =	vld [tilespmem:$0x10];
	_ =	sdelay $0x4  }
0x624: {  	v58 =	vshll.u32 v3, $0x2  }
0x625: {  	v3 =	vand.u32 $0x7, v3;
	v4 =	vand.u32 $0xFFFFFFE0, v58  }
0x626: {  	v3 =	vor.u32 v3, v4  }
0x627: {  	v4 =	vperm.xlane v3, v0;
	_ =	sdelay $0x1  }
0x628: {  	v4 =	vadd.s32 v1, v4;
	_ =	sdelay $0x1  }
0x629: {  	v3 =	vperm.xlane v3, v2;
	_ =	sdelay $0x1  }
0x62a: {  	s29 =	simm.s32 $0x2080;
	v3 =	vadd.s32 v1, v3  }
0x62b: {  	[tilespmem:s29], [sflag:$0x1] =	stream.indirect_vreg.gather [hbm4b:s2+s3], $0x80, v4, vm0, $0xb8;
	[tilespmem:$0xE080] =	vst v63  }
0x62c: {  	s8 =	simm.s32 $0x2880  }
0x62d: {  	[tilespmem:s8], [sflag:$0x1] =	stream.indirect_vreg.gather [hbm4b:s4+s3], $0x80, v4, vm0, $0xb8;
	[tilespmem:$0xE080] =	vst v63  }
0x62e: {  	s11 =	simm.s32 $0x3080  }
0x62f: {  	[tilespmem:s11], [sflag:$0x1] =	stream.indirect_vreg.gather [hbm4b:s2+s3], $0x80, v3, vm0, $0xb8;
	[tilespmem:$0xE080] =	vst v63  }
0x630: {  	s12 =	simm.s32 $0x3880  }
0x631: {  	[tilespmem:s12], [sflag:$0x1] =	stream.indirect_vreg.gather [hbm4b:s4+s3], $0x80, v3, vm0, $0xb8;
	[tilespmem:$0xE080] =	vst v63  }
0x632: {  	v3 =	vld [tilespmem:$0x20];
	_ =	sdelay $0x4  }
0x633: {  	v59 =	vshll.u32 v3, $0x2  }
0x634: {  	v3 =	vand.u32 $0x7, v3;
	v4 =	vand.u32 $0xFFFFFFE0, v59  }
0x635: {  	v3 =	vor.u32 v3, v4  }
0x636: {  	v4 =	vperm.xlane v3, v0;
	_ =	sdelay $0x1  }
0x637: {  	v4 =	vadd.s32 v1, v4;
	_ =	sdelay $0x1  }
0x638: {  	v3 =	vperm.xlane v3, v2;
	_ =	sdelay $0x1  }
0x639: {  	s30 =	simm.s32 $0x4080;
	v3 =	vadd.s32 v1, v3  }
0x63a: {  	[tilespmem:s30], [sflag:$0x1] =	stream.indirect_vreg.gather [hbm4b:s2+s3], $0x80, v4, vm0, $0xb8;
	[tilespmem:$0xE080] =	vst v63  }
0x63b: {  	s14 =	simm.s32 $0x4880  }
0x63c: {  	[tilespmem:s14], [sflag:$0x1] =	stream.indirect_vreg.gather [hbm4b:s4+s3], $0x80, v4, vm0, $0xb8;
	[tilespmem:$0xE080] =	vst v63  }
0x63d: {  	s15 =	simm.s32 $0x5080  }
0x63e: {  	[tilespmem:s15], [sflag:$0x1] =	stream.indirect_vreg.gather [hbm4b:s2+s3], $0x80, v3, vm0, $0xb8;
	[tilespmem:$0xE080] =	vst v63  }
0x63f: {  	s16 =	simm.s32 $0x5880  }
0x640: {  	[tilespmem:s16], [sflag:$0x1] =	stream.indirect_vreg.gather [hbm4b:s4+s3], $0x80, v3, vm0, $0xb8;
	[tilespmem:$0xE080] =	vst v63  }
0x641: {  	v3 =	vld [tilespmem:$0x30];
	_ =	sdelay $0x4  }
0x642: {  	v60 =	vshll.u32 v3, $0x2  }
0x643: {  	v3 =	vand.u32 $0x7, v3;
	v4 =	vand.u32 $0xFFFFFFE0, v60  }
0x644: {  	v3 =	vor.u32 v3, v4  }
0x645: {  	v4 =	vperm.xlane v3, v0;
	_ =	sdelay $0x1  }
0x646: {  	v4 =	vadd.s32 v1, v4;
	_ =	sdelay $0x1  }
0x647: {  	v3 =	vperm.xlane v3, v2;
	_ =	sdelay $0x1  }
0x648: {  	s17 =	simm.s32 $0x6080;
	v3 =	vadd.s32 v1, v3  }
0x649: {  	[tilespmem:s17], [sflag:$0x1] =	stream.indirect_vreg.gather [hbm4b:s2+s3], $0x80, v4, vm0, $0xb8;
	[tilespmem:$0xE080] =	vst v63  }
0x64a: {  	s18 =	simm.s32 $0x6880  }
0x64b: {  	[tilespmem:s18], [sflag:$0x1] =	stream.indirect_vreg.gather [hbm4b:s4+s3], $0x80, v4, vm0, $0xb8;
	[tilespmem:$0xE080] =	vst v63  }
0x64c: {  	s19 =	simm.s32 $0x7080  }
0x64d: {  	[tilespmem:s19], [sflag:$0x1] =	stream.indirect_vreg.gather [hbm4b:s2+s3], $0x80, v3, vm0, $0xb8;
	[tilespmem:$0xE080] =	vst v63  }
0x64e: {  	s20 =	simm.s32 $0x7880  }
0x64f: {  	[tilespmem:s20], [sflag:$0x1] =	stream.indirect_vreg.gather [hbm4b:s4+s3], $0x80, v3, vm0, $0xb8;
	[tilespmem:$0xE080] =	vst v63  }
0x650: {  	v3 =	vld [tilespmem:$0x40];
	_ =	sdelay $0x4  }
0x651: {  	v61 =	vshll.u32 v3, $0x2  }
0x652: {  	v3 =	vand.u32 $0x7, v3;
	v4 =	vand.u32 $0xFFFFFFE0, v61  }
0x653: {  	v3 =	vor.u32 v3, v4  }
0x654: {  	v4 =	vperm.xlane v3, v0;
	_ =	sdelay $0x1  }
0x655: {  	v4 =	vadd.s32 v1, v4;
	_ =	sdelay $0x1  }
0x656: {  	v3 =	vperm.xlane v3, v2;
	_ =	sdelay $0x1  }
0x657: {  	s21 =	simm.s32 $0x8080;
	v3 =	vadd.s32 v1, v3  }
0x658: {  	[tilespmem:s21], [sflag:$0x1] =	stream.indirect_vreg.gather [hbm4b:s2+s3], $0x80, v4, vm0, $0xb8;
	[tilespmem:$0xE080] =	vst v63  }
0x659: {  	s22 =	simm.s32 $0x8880  }
0x65a: {  	[tilespmem:s22], [sflag:$0x1] =	stream.indirect_vreg.gather [hbm4b:s4+s3], $0x80, v4, vm0, $0xb8;
	[tilespmem:$0xE080] =	vst v63  }
0x65b: {  	s23 =	simm.s32 $0x9080  }
0x65c: {  	[tilespmem:s23], [sflag:$0x1] =	stream.indirect_vreg.gather [hbm4b:s2+s3], $0x80, v3, vm0, $0xb8;
	[tilespmem:$0xE080] =	vst v63  }
0x65d: {  	s24 =	simm.s32 $0x9880  }
0x65e: {  	[tilespmem:s24], [sflag:$0x1] =	stream.indirect_vreg.gather [hbm4b:s4+s3], $0x80, v3, vm0, $0xb8;
	[tilespmem:$0xE080] =	vst v63  }
0x65f: {  	v3 =	vld [tilespmem:$0x50];
	_ =	sdelay $0x4  }
0x660: {  	v62 =	vshll.u32 v3, $0x2  }
0x661: {  	v3 =	vand.u32 $0x7, v3;
	v4 =	vand.u32 $0xFFFFFFE0, v62  }
0x662: {  	v3 =	vor.u32 v3, v4  }
0x663: {  	v4 =	vperm.xlane v3, v0;
	_ =	sdelay $0x1  }
0x664: {  	v4 =	vadd.s32 v1, v4;
	_ =	sdelay $0x1  }
0x665: {  	v3 =	vperm.xlane v3, v2;
	_ =	sdelay $0x1  }
0x666: {  	s25 =	simm.s32 $0xA080;
	v3 =	vadd.s32 v1, v3  }
0x667: {  	[tilespmem:s25], [sflag:$0x1] =	stream.indirect_vreg.gather [hbm4b:s2+s3], $0x80, v4, vm0, $0xb8;
	[tilespmem:$0xE080] =	vst v63  }
0x668: {  	s1 =	simm.s32 $0xA880  }
0x669: {  	[tilespmem:s1], [sflag:$0x1] =	stream.indirect_vreg.gather [hbm4b:s4+s3], $0x80, v4, vm0, $0xb8;
	[tilespmem:$0xE080] =	vst v63  }
0x66a: {  	s25 =	simm.s32 $0xB080  }
0x66b: {  	[tilespmem:s25], [sflag:$0x1] =	stream.indirect_vreg.gather [hbm4b:s2+s3], $0x80, v3, vm0, $0xb8;
	[tilespmem:$0xE080] =	vst v63  }
0x66c: {  	s0 =	simm.s32 $0xB880  }
0x66d: {  	[tilespmem:s0], [sflag:$0x1] =	stream.indirect_vreg.gather [hbm4b:s4+s3], $0x80, v3, vm0, $0xb8;
	[tilespmem:$0xE080] =	vst v63  }
0x66e: {  	v3 =	vld [tilespmem:$0x60];
	_ =	sdelay $0x4  }
0x66f: {  	v63 =	vshll.u32 v3, $0x2  }
0x670: {  	v3 =	vand.u32 $0x7, v3;
	v4 =	vand.u32 $0xFFFFFFE0, v63  }
0x671: {  	v3 =	vor.u32 v3, v4  }
0x672: {  	v4 =	vperm.xlane v3, v0;
	_ =	sdelay $0x1  }
0x673: {  	v4 =	vadd.s32 v1, v4;
	_ =	sdelay $0x1  }
0x674: {  	v3 =	vperm.xlane v3, v2;
	_ =	sdelay $0x1  }
0x675: {  	s28 =	simm.s32 $0xC080;
	v3 =	vadd.s32 v1, v3  }
0x676: {  	[tilespmem:s28], [sflag:$0x1] =	stream.indirect_vreg.gather [hbm4b:s2+s3], $0x80, v4, vm0, $0xb8;
	[tilespmem:$0xE080] =	vst v63  }
0x677: {  	s5 =	simm.s32 $0xC880  }
0x678: {  	[tilespmem:s5], [sflag:$0x1] =	stream.indirect_vreg.gather [hbm4b:s4+s3], $0x80, v4, vm0, $0xb8;
	[tilespmem:$0xE080] =	vst v63  }
0x679: {  	s26 =	simm.s32 $0xD080  }
0x67a: {  	[tilespmem:s26], [sflag:$0x1] =	stream.indirect_vreg.gather [hbm4b:s2+s3], $0x80, v3, vm0, $0xb8;
	[tilespmem:$0xE080] =	vst v63  }
0x67b: {  	s13 =	simm.s32 $0xD880  }
0x67c: {  	[tilespmem:s13], [sflag:$0x1] =	stream.indirect_vreg.gather [hbm4b:s4+s3], $0x80, v3, vm0, $0xb8;
	[tilespmem:$0xE080] =	vst v63  }
0x67d: {  	_ =	swait.ge [sflag:s9], $0xE000  }
0x67e: {  	s30 =	rddreg [dreg:$0x1f]  }
0x67f: {  	[sflag:s9] =	ssyncset.done $0x0;
	p0 =	sne.s32 s30, $0x1  }
.Ltmp0:
0x680: {  	s29 =	rddreg [dreg:$0x1e];
	[sflag:s9] =	ssyncadd.s32 $0xFFFF2000;
	(pc) =	sbr.rel @p0 .LBB2_1-.Ltmp0, $4  }
0x681: {  	[hbm4b:s29+s3] =	stream.linear.scatter [tilespmem:s31], [sflag:$0x2], $0xE000, $0x38;
	[tilespmem:$0xE080] =	vst v63  }
0x682: {  	_ =	swait.ge [sflag:s6], $0xE000  }
0x683: {  	[sflag:s6] =	ssyncset.done $0x0  }
0x684: {  	s10 =	sadd.s32 $0xFFFFFFFF, s30;
	[sflag:s6] =	ssyncadd.s32 $0xFFFF2000  }
0x685: {  	_ =	sfence.sel $0x180000  }
0x686: {  	[bflag:$0x0] =	sbarrier.arrive $0xFFFF  }
0x687: {  	_ =	strace $0x90000047  }
0x688: {  	s0 =	stileid.u32;
	[bflag:$0x2] =	sbarrier.arrive $0xFFFF  }
0x689: {  	p0 =	sne.s32 s0, $0x0;
	s0 =	rddreg [dreg:$0x2]  }
0x68a: {  	s0 =	sadd.s32 @!p0 $0x100000, s0  }
0x68b: {  	[sflag:s0] =	ssyncadd.tile.s32 @!p0 $0x1;
	_ =	shalt  }
.Lfunc_end2:
_tile_overlayer_lowered:
.L_overlay_start_2:
0x68c: {  	(tag) =	ssettag $0x2  }
0x68d: {  	s0 =	rddreg [dreg:$0x0];
	s2 =	stileid.u32  }
0x68e: {  	s1 =	rddreg [dreg:$0x1];
	p0 =	sne.s32 s2, $0x0  }
0x68f: {  	s3 =	rddreg [dreg:$0x2];
	[bflag:$0x3] =	sbarrier.arrive $0xFFFF;
	s2 =	simm.s32 @!p0 $0x1C02  }
0x690: {  	[timem:s3], [sflag:s2] =	dma.local @!p0 [hbm:s0], s1  }
0x691: {  	s0 =	simm.s32 @!p0 $0x2  }
0x692: {  	_ =	swait.ge @!p0 [sflag:s0], s1  }
0x693: {  	s1 =	ssub.s32 @!p0 $0x0, s1;
	[sflag:s0] =	ssyncset.done @!p0 $0x0  }
0x694: {  	[sflag:s0] =	ssyncadd.s32 @!p0 s1  }
0x695: {  	[bflag:$0x3] =	sbarrier.arrive $0xFFFF  }
0x696: {  	_ =	shalt  }

</sc_bundles>
